<compile_context>
chip_gen: v7x
topology: tpu7x:2x2x1
jax: 0.10.2.dev20260603
libtpu: 0.0.44.dev20260713+nightly
codegen_flags: <defaults>
</compile_context>

<pallas_src>
import functools

import jax
import jax.numpy as jnp
from jax import lax
from jax.experimental import pallas as pl
from jax.experimental.pallas import tpu as pltpu
from jax.experimental.pallas import tpu_sc as plsc

NC = 2
NS = 16
NW = NC * NS
L = 16


def _make_sc_kernel(B, S, V, D, idx_cols):
    G_TOT = B // L
    GMAX = -(-G_TOT // NW)
    GMAX += GMAX % 2
    GSZ = L * S
    NSTR = GSZ // idx_cols
    DV = D // L

    mesh = plsc.VectorSubcoreMesh(
        core_axis_name="c", subcore_axis_name="s",
        num_cores=NC, num_subcores=NS)

    @functools.partial(
        pl.kernel,
        out_type=jax.ShapeDtypeStruct((B, D), jnp.float32),
        mesh=mesh,
        scratch_types=[
            pltpu.VMEM((GMAX * GSZ,), jnp.int32),
            pltpu.VMEM((L,), jnp.float32),
            pltpu.VMEM((2 * GSZ, D), jnp.float32),
            pltpu.VMEM((2 * L, D), jnp.float32),
            pltpu.VMEM((2 * L * L,), jnp.float32),
            pltpu.SemaphoreType.DMA,
            pltpu.SemaphoreType.DMA,
            pltpu.SemaphoreType.DMA,
            pltpu.SemaphoreType.DMA,
        ],
        compiler_params=pltpu.CompilerParams(needs_layout_passes=False),
    )
    def sc_kernel(feat_hbm, nbrs_hbm, valid_hbm, out_hbm,
                  nbrs_v, valid_v, rows_v, out_v, w_v,
                  gsem0, gsem1, osem0, osem1):
        gsem = [gsem0, gsem1]
        osem = [osem0, osem1]
        cid = lax.axis_index("c")
        sid = lax.axis_index("s")
        wid = sid * NC + cid
        g0 = (wid * G_TOT) // NW
        g1m1 = ((wid + 1) * G_TOT) // NW - 1

        pltpu.sync_copy(valid_hbm, valid_v)
        pltpu.sync_copy(nbrs_hbm.at[pl.ds(GSZ * g0, GSZ * GMAX)], nbrs_v)
        vvec = valid_v[pl.ds(0, L)]
        valid_s = [vvec[sx] for sx in range(S)]

        lanes = lax.iota(jnp.int32, L)
        lanes10 = lanes * S
        lanes16 = lanes * L

        def gather_parts(gl, b):
            return [
                (feat_hbm.at[nbrs_v.at[pl.ds(gl * GSZ + j * idx_cols,
                                             idx_cols)]],
                 rows_v.at[pl.ds(b * GSZ + j * idx_cols, idx_cols)],
                 gsem[b])
                for j in range(NSTR)
            ]

        def issue_gather(i, b):
            gl = jnp.minimum(g0 + i, g1m1) - g0
            for src, dst, sem in gather_parts(gl, b):
                pltpu.async_copy(src, dst, sem)

        def process(i, k, b):
            g = jnp.minimum(g0 + i, g1m1)
            gl = g - g0

            base = lanes10 + gl * GSZ
            cols = [plsc.load_gather(nbrs_v, [base + sx]) for sx in range(S)]
            w = [None] * S
            w[0] = jnp.full((L,), 1.0, jnp.float32) * valid_s[0]
            for sx in range(1, S):
                dup = cols[sx] == cols[0]
                for t in range(1, sx):
                    dup = dup | (cols[sx] == cols[t])
                w[sx] = jnp.where(dup, 0.0, valid_s[sx])
            n_unique = w[0]
            for sx in range(1, S):
                n_unique = n_unique + w[sx]
            inv = 1.0 / n_unique
            for sx in range(S):
                plsc.store_scatter(w_v, [lanes16 + (b * L * L + sx)],
                                   w[sx] * inv)

            for src, dst, sem in gather_parts(gl, b):
                pltpu.make_async_copy(src, dst, sem).wait()

            @pl.when(k > 0)
            def _():
                pltpu.make_async_copy(
                    out_v.at[pl.ds(b * L, L)],
                    out_hbm.at[pl.ds(g * L, L)], osem[b]).wait()

            def rbody(r, c2):
                wvec = w_v[pl.ds(b * L * L + r * L, L)]
                row0 = b * GSZ + r * S
                acc = [None] * DV
                for sx in range(S):
                    wgt = wvec[sx]
                    for d in range(DV):
                        v = wgt * rows_v[row0 + sx, pl.ds(L * d, L)]
                        acc[d] = v if sx == 0 else acc[d] + v
                for d in range(DV):
                    out_v[b * L + r, pl.ds(L * d, L)] = acc[d]
                return c2

            lax.fori_loop(0, L, rbody, 0)
            pltpu.async_copy(out_v.at[pl.ds(b * L, L)],
                             out_hbm.at[pl.ds(g * L, L)], osem[b])

        issue_gather(0, 0)

        def kbody(k, carry):
            i0 = 2 * k
            issue_gather(i0 + 1, 1)
            process(i0, k, 0)

            @pl.when(k < GMAX // 2 - 1)
            def _():
                issue_gather(i0 + 2, 0)

            process(i0 + 1, k, 1)
            return carry

        lax.fori_loop(0, GMAX // 2, kbody, 0)

        for b in range(2):
            g = jnp.minimum(g0 + GMAX - 2 + b, g1m1)
            pltpu.make_async_copy(out_v.at[pl.ds(b * L, L)],
                                  out_hbm.at[pl.ds(g * L, L)], osem[b]).wait()

    return sc_kernel


def kernel(features, nodes, nbrs, num_sample=10):
    del nodes
    B, S = nbrs.shape
    V, D = features.shape
    idx_cols = 80
    valid = (jnp.arange(L) < num_sample).astype(jnp.float32)
    nbrs_flat = nbrs.astype(jnp.int32).reshape(B * S)
    sc = _make_sc_kernel(B, S, V, D, idx_cols)
    return sc(features, nbrs_flat, valid)

# --- scband reference (transcript-rebuilt; emitter-appended) ---
"""Pipeline reference for scband-mean-aggregator-58514634441194 (READ-ONLY COPY).

The authoritative reference and input builder live on the scoring server;
editing this copy changes nothing except your own understanding.
"""

import jax, jax.numpy as jnp
import numpy as np


def setup_inputs(seed: int = 0) -> dict:
    key = jax.random.key(seed)
    k1, k2, k3 = jax.random.split(key, 3)
    features = jax.random.normal(k1, (100000, 128), dtype=jnp.float32)
    nodes = jax.random.randint(k2, (50000,), 0, 100000)
    nbrs = jax.random.randint(k3, (50000, 10), 0, 100000)
    return {"features": features, "nodes": nodes, "nbrs": nbrs, "num_sample": 10}


def reference(features, nodes, nbrs, num_sample=10):
    # neighbour_sample semantics (add_self_loop=False): take num_sample sampled
    # neighbours per node; the binary mask over unique neighbour ids deduplicates
    # repeated samples within a row, then rows are normalized by the number of
    # unique neighbours and multiplied with the gathered embedding matrix.
    B, S = nbrs.shape
    valid = jnp.arange(S) < num_sample                 # prefix selection of num_sample cols
    # first-occurrence mask per row == set semantics of the binary mask
    eq = nbrs[:, :, None] == nbrs[:, None, :]          # [B, S, S]
    earlier = jnp.tril(jnp.ones((S, S), dtype=bool), k=-1)  # t < s
    dup_earlier = jnp.any(eq & earlier[None, :, :], axis=2)  # [B, S]
    first_occ = ~dup_earlier
    w = (first_occ & valid[None, :]).astype(features.dtype)  # mask entries (deduped)
    num_neigh = jnp.sum(w, axis=1, keepdims=True)      # mask.sum(1, keepdim=True)
    w = w / num_neigh                                  # mask.div(num_neigh)
    gathered = features[nbrs]                          # embedding_matrix gather [B, S, d]
    agg_features = jnp.einsum('bs,bsd->bd', w, gathered)  # mask.mm(embedding_matrix)
    return agg_features

if __name__ == "__main__":
    import jax
    _d = setup_inputs()
    print(jax.jit(kernel)(*tuple(_d.values())))

</pallas_src>

<mosaic_0001>
#map = affine_map<(d0, d1) -> (0, 0)>
#map1 = affine_map<(d0, d1) -> (0)>
module attributes {stable_mosaic.version = 14 : i64} {
  func.func @sc_kernel(%arg0: i32, %arg1: i32, %arg2: memref<100000x128xf32, #tpu.memory_space<hbm>>, %arg3: memref<500000xi32, #tpu.memory_space<hbm>>, %arg4: memref<16xf32, #tpu.memory_space<hbm>>, %arg5: memref<50000x128xf32, #tpu.memory_space<hbm>>, %arg6: memref<15680xi32, #tpu.memory_space<vmem>>, %arg7: memref<16xf32, #tpu.memory_space<vmem>>, %arg8: memref<320x128xf32, #tpu.memory_space<vmem>>, %arg9: memref<32x128xf32, #tpu.memory_space<vmem>>, %arg10: memref<512xf32, #tpu.memory_space<vmem>>, %arg11: memref<!tpu.dma_semaphore, #tpu.memory_space<semaphore_mem>>, %arg12: memref<!tpu.dma_semaphore, #tpu.memory_space<semaphore_mem>>, %arg13: memref<!tpu.dma_semaphore, #tpu.memory_space<semaphore_mem>>, %arg14: memref<!tpu.dma_semaphore, #tpu.memory_space<semaphore_mem>>) attributes {dimension_semantics = [#tpu.dimension_semantics<core_parallel>, #tpu.dimension_semantics<subcore_parallel>], iteration_bounds = array<i64: 2, 16>, scalar_prefetch = 0 : i64, scratch_operands = 9 : i64, tpu.core_type = #tpu.core_type<sc_vector_subcore>, window_params = [{transform_indices = #map}, {transform_indices = #map1}, {transform_indices = #map1}, {transform_indices = #map}]} {
    %mul3A = arith.constant 2 : i32
    %mul3A_0 = arith.muli %arg1, %mul3A : i32
    %add3A = arith.addi %mul3A_0, %arg0 : i32
    %mul3A_1 = arith.constant 3125 : i32
    %mul3A_2 = arith.muli %add3A, %mul3A_1 : i32
    %jit3A = arith.constant 32 : i32
    %div3A = arith.divsi %mul3A_2, %jit3A : i32
    %sign3A = arith.constant 0 : i32
    %sign3A_3 = arith.cmpi sgt, %mul3A_2, %sign3A : i32
    %sign3A_4 = arith.extui %sign3A_3 : i1 to i32
    %sign3A_5 = arith.constant 0 : i32
    %sign3A_6 = arith.cmpi slt, %mul3A_2, %sign3A_5 : i32
    %sign3A_7 = arith.extui %sign3A_6 : i1 to i32
    %sign3A_8 = arith.subi %sign3A_4, %sign3A_7 : i32
    %sign3A_9 = arith.constant 0 : i32
    %sign3A_10 = arith.cmpi sgt, %jit3A, %sign3A_9 : i32
    %sign3A_11 = arith.extui %sign3A_10 : i1 to i32
    %sign3A_12 = arith.constant 0 : i32
    %sign3A_13 = arith.cmpi slt, %jit3A, %sign3A_12 : i32
    %sign3A_14 = arith.extui %sign3A_13 : i1 to i32
    %sign3A_15 = arith.subi %sign3A_11, %sign3A_14 : i32
    %ne3A = arith.cmpi ne, %sign3A_8, %sign3A_15 : i32
    %rem3A = arith.remsi %mul3A_2, %jit3A : i32
    %ne3A_16 = arith.constant 0 : i32
    %ne3A_17 = arith.cmpi ne, %rem3A, %ne3A_16 : i32
    %and3A = arith.andi %ne3A, %ne3A_17 : i1
    %sub3A = arith.constant 1 : i32
    %sub3A_18 = arith.subi %div3A, %sub3A : i32
    %select_n3A = arith.select %and3A, %sub3A_18, %div3A : i32
    %add3A_19 = arith.constant 1 : i32
    %add3A_20 = arith.addi %add3A, %add3A_19 : i32
    %mul3A_21 = arith.constant 3125 : i32
    %mul3A_22 = arith.muli %add3A_20, %mul3A_21 : i32
    %jit3A_23 = arith.constant 32 : i32
    %div3A_24 = arith.divsi %mul3A_22, %jit3A_23 : i32
    %sign3A_25 = arith.constant 0 : i32
    %sign3A_26 = arith.cmpi sgt, %mul3A_22, %sign3A_25 : i32
    %sign3A_27 = arith.extui %sign3A_26 : i1 to i32
    %sign3A_28 = arith.constant 0 : i32
    %sign3A_29 = arith.cmpi slt, %mul3A_22, %sign3A_28 : i32
    %sign3A_30 = arith.extui %sign3A_29 : i1 to i32
    %sign3A_31 = arith.subi %sign3A_27, %sign3A_30 : i32
    %sign3A_32 = arith.constant 0 : i32
    %sign3A_33 = arith.cmpi sgt, %jit3A_23, %sign3A_32 : i32
    %sign3A_34 = arith.extui %sign3A_33 : i1 to i32
    %sign3A_35 = arith.constant 0 : i32
    %sign3A_36 = arith.cmpi slt, %jit3A_23, %sign3A_35 : i32
    %sign3A_37 = arith.extui %sign3A_36 : i1 to i32
    %sign3A_38 = arith.subi %sign3A_34, %sign3A_37 : i32
    %ne3A_39 = arith.cmpi ne, %sign3A_31, %sign3A_38 : i32
    %rem3A_40 = arith.remsi %mul3A_22, %jit3A_23 : i32
    %ne3A_41 = arith.constant 0 : i32
    %ne3A_42 = arith.cmpi ne, %rem3A_40, %ne3A_41 : i32
    %and3A_43 = arith.andi %ne3A_39, %ne3A_42 : i1
    %sub3A_44 = arith.constant 1 : i32
    %sub3A_45 = arith.subi %div3A_24, %sub3A_44 : i32
    %select_n3A_46 = arith.select %and3A_43, %sub3A_45, %div3A_24 : i32
    %sub3A_47 = arith.constant 1 : i32
    %sub3A_48 = arith.subi %select_n3A_46, %sub3A_47 : i32
    "tpu.region"() ({
      %run_scoped3A = tpu.sem_alloc : memref<!tpu.dma_semaphore, #tpu.memory_space<semaphore_mem>>
      tpu.enqueue_dma source(%arg4 : memref<16xf32, #tpu.memory_space<hbm>>) target(%arg7 : memref<16xf32, #tpu.memory_space<vmem>>) target_semaphore(%run_scoped3A : memref<!tpu.dma_semaphore, #tpu.memory_space<semaphore_mem>>)
      tpu.wait_dma2 semaphore(%run_scoped3A : memref<!tpu.dma_semaphore, #tpu.memory_space<semaphore_mem>>) src(%arg4 : memref<16xf32, #tpu.memory_space<hbm>>) dst(%arg7 : memref<16xf32, #tpu.memory_space<vmem>>)
      tpu.yield
    }) : () -> ()
    %mul3A_49 = arith.constant 160 : i32
    %mul3A_50 = arith.muli %mul3A_49, %select_n3A : i32
    "tpu.region"() ({
      %run_scoped3A = tpu.sem_alloc : memref<!tpu.dma_semaphore, #tpu.memory_space<semaphore_mem>>
      %dma_start3A_142 = tpu.memref_slice %arg3[%mul3A_50] : memref<500000xi32, #tpu.memory_space<hbm>> -> memref<15680xi32, #tpu.memory_space<hbm>>
      %dma_start3A_143 = tpu.memref_slice %arg3[%mul3A_50] : memref<500000xi32, #tpu.memory_space<hbm>> -> memref<15680xi32, #tpu.memory_space<hbm>>
      tpu.enqueue_dma source(%dma_start3A_143 : memref<15680xi32, #tpu.memory_space<hbm>>) target(%arg6 : memref<15680xi32, #tpu.memory_space<vmem>>) target_semaphore(%run_scoped3A : memref<!tpu.dma_semaphore, #tpu.memory_space<semaphore_mem>>)
      %dma_wait3A_144 = tpu.memref_slice %arg3[%mul3A_50] : memref<500000xi32, #tpu.memory_space<hbm>> -> memref<15680xi32, #tpu.memory_space<hbm>>
      %dma_wait3A_145 = tpu.memref_slice %arg3[%mul3A_50] : memref<500000xi32, #tpu.memory_space<hbm>> -> memref<15680xi32, #tpu.memory_space<hbm>>
      tpu.wait_dma2 semaphore(%run_scoped3A : memref<!tpu.dma_semaphore, #tpu.memory_space<semaphore_mem>>) src(%dma_wait3A_145 : memref<15680xi32, #tpu.memory_space<hbm>>) dst(%arg6 : memref<15680xi32, #tpu.memory_space<vmem>>)
      tpu.yield
    }) : () -> ()
    %get3A = arith.constant 0 : index
    %get3A_51 = tpu.vector_load %arg7[%get3A] {strides = array<i32>} : memref<16xf32, #tpu.memory_space<vmem>>, vector<16xf32>,
    %slice3A = vector.extract_strided_slice %get3A_51 {offsets = [0], sizes = [1], strides = [1]} : vector<16xf32> to vector<1xf32>
    %squeeze3A = vector.extract %slice3A[0] : f32 from vector<1xf32>
    %slice3A_52 = vector.extract_strided_slice %get3A_51 {offsets = [1], sizes = [1], strides = [1]} : vector<16xf32> to vector<1xf32>
    %squeeze3A_53 = vector.extract %slice3A_52[0] : f32 from vector<1xf32>
    %slice3A_54 = vector.extract_strided_slice %get3A_51 {offsets = [2], sizes = [1], strides = [1]} : vector<16xf32> to vector<1xf32>
    %squeeze3A_55 = vector.extract %slice3A_54[0] : f32 from vector<1xf32>
    %slice3A_56 = vector.extract_strided_slice %get3A_51 {offsets = [3], sizes = [1], strides = [1]} : vector<16xf32> to vector<1xf32>
    %squeeze3A_57 = vector.extract %slice3A_56[0] : f32 from vector<1xf32>
    %slice3A_58 = vector.extract_strided_slice %get3A_51 {offsets = [4], sizes = [1], strides = [1]} : vector<16xf32> to vector<1xf32>
    %squeeze3A_59 = vector.extract %slice3A_58[0] : f32 from vector<1xf32>
    %slice3A_60 = vector.extract_strided_slice %get3A_51 {offsets = [5], sizes = [1], strides = [1]} : vector<16xf32> to vector<1xf32>
    %squeeze3A_61 = vector.extract %slice3A_60[0] : f32 from vector<1xf32>
    %slice3A_62 = vector.extract_strided_slice %get3A_51 {offsets = [6], sizes = [1], strides = [1]} : vector<16xf32> to vector<1xf32>
    %squeeze3A_63 = vector.extract %slice3A_62[0] : f32 from vector<1xf32>
    %slice3A_64 = vector.extract_strided_slice %get3A_51 {offsets = [7], sizes = [1], strides = [1]} : vector<16xf32> to vector<1xf32>
    %squeeze3A_65 = vector.extract %slice3A_64[0] : f32 from vector<1xf32>
    %slice3A_66 = vector.extract_strided_slice %get3A_51 {offsets = [8], sizes = [1], strides = [1]} : vector<16xf32> to vector<1xf32>
    %squeeze3A_67 = vector.extract %slice3A_66[0] : f32 from vector<1xf32>
    %slice3A_68 = vector.extract_strided_slice %get3A_51 {offsets = [9], sizes = [1], strides = [1]} : vector<16xf32> to vector<1xf32>
    %squeeze3A_69 = vector.extract %slice3A_68[0] : f32 from vector<1xf32>
    %iota3A = tpu.iota {dimensions = array<i32: 0>} : vector<16xi32>
    %mul3A_70 = arith.constant 10 : i32
    %mul3A_71 = vector.broadcast %mul3A_70 : i32 to vector<16xi32>
    %mul3A_72 = arith.muli %iota3A, %mul3A_71 : vector<16xi32>
    %mul3A_73 = arith.constant 16 : i32
    %mul3A_74 = vector.broadcast %mul3A_73 : i32 to vector<16xi32>
    %mul3A_75 = arith.muli %iota3A, %mul3A_74 : vector<16xi32>
    %add3A_76 = arith.constant 0 : i32
    %add3A_77 = arith.addi %select_n3A, %add3A_76 : i32
    %min3A = arith.minsi %add3A_77, %sub3A_48 : i32
    %sub3A_78 = arith.subi %min3A, %select_n3A : i32
    %mul3A_79 = arith.constant 160 : i32
    %mul3A_80 = arith.muli %sub3A_78, %mul3A_79 : i32
    %add3A_81 = arith.constant 0 : i32
    %add3A_82 = arith.addi %mul3A_80, %add3A_81 : i32
    %mul3A_83 = arith.constant 160 : i32
    %mul3A_84 = arith.muli %sub3A_78, %mul3A_83 : i32
    %add3A_85 = arith.constant 80 : i32
    %add3A_86 = arith.addi %mul3A_84, %add3A_85 : i32
    %dma_start3A = arith.constant 0 : i32
    %dma_start3A_87 = arith.constant 0 : i32
    %dma_start3A_88 = tpu.memref_slice %arg8[%dma_start3A, %dma_start3A_87] : memref<320x128xf32, #tpu.memory_space<vmem>> -> memref<80x128xf32, #tpu.memory_space<vmem>>
    %dma_start3A_89 = tpu.memref_slice %arg6[%add3A_82] : memref<15680xi32, #tpu.memory_space<vmem>> -> memref<80xi32, #tpu.memory_space<vmem>>
    %dma_start3A_90 = arith.constant 0 : i32
    %dma_start3A_91 = arith.constant 0 : i32
    %dma_start3A_92 = tpu.memref_slice %arg2[%dma_start3A_90, %dma_start3A_91] : memref<100000x128xf32, #tpu.memory_space<hbm>> -> memref<100000x128xf32, #tpu.memory_space<hbm>>
    tpu.enqueue_indirect_dma source(%dma_start3A_92 : memref<100000x128xf32, #tpu.memory_space<hbm>>) target(%dma_start3A_88 : memref<80x128xf32, #tpu.memory_space<vmem>>) offsets(%dma_start3A_89 : memref<80xi32, #tpu.memory_space<vmem>>) semaphore(%arg11 : memref<!tpu.dma_semaphore, #tpu.memory_space<semaphore_mem>>)
    %dma_start3A_93 = arith.constant 80 : i32
    %dma_start3A_94 = arith.constant 0 : i32
    %dma_start3A_95 = tpu.memref_slice %arg8[%dma_start3A_93, %dma_start3A_94] : memref<320x128xf32, #tpu.memory_space<vmem>> -> memref<80x128xf32, #tpu.memory_space<vmem>>
    %dma_start3A_96 = tpu.memref_slice %arg6[%add3A_86] : memref<15680xi32, #tpu.memory_space<vmem>> -> memref<80xi32, #tpu.memory_space<vmem>>
    %dma_start3A_97 = arith.constant 0 : i32
    %dma_start3A_98 = arith.constant 0 : i32
    %dma_start3A_99 = tpu.memref_slice %arg2[%dma_start3A_97, %dma_start3A_98] : memref<100000x128xf32, #tpu.memory_space<hbm>> -> memref<100000x128xf32, #tpu.memory_space<hbm>>
    tpu.enqueue_indirect_dma source(%dma_start3A_99 : memref<100000x128xf32, #tpu.memory_space<hbm>>) target(%dma_start3A_95 : memref<80x128xf32, #tpu.memory_space<vmem>>) offsets(%dma_start3A_96 : memref<80xi32, #tpu.memory_space<vmem>>) semaphore(%arg11 : memref<!tpu.dma_semaphore, #tpu.memory_space<semaphore_mem>>)
    %scan3A = arith.constant 0 : i32
    %scan3A_100 = arith.constant 0 : i32
    %scan3A_101 = arith.constant 49 : i32
    %scan3A_102 = arith.addi %scan3A_100, %scan3A_101 : i32
    %scan3A_103 = arith.constant 1 : i32
    scf.for %scan3A_142 = %scan3A_100 to %scan3A_102 step %scan3A_103  : i32 {
      %mul3A_143 = arith.constant 2 : i32
      %mul3A_144 = arith.muli %mul3A_143, %scan3A_142 : i32
      %add3A_145 = arith.constant 1 : i32
      %add3A_146 = arith.addi %mul3A_144, %add3A_145 : i32
      %add3A_147 = arith.addi %select_n3A, %add3A_146 : i32
      %min3A_148 = arith.minsi %add3A_147, %sub3A_48 : i32
      %sub3A_149 = arith.subi %min3A_148, %select_n3A : i32
      %mul3A_150 = arith.constant 160 : i32
      %mul3A_151 = arith.muli %sub3A_149, %mul3A_150 : i32
      %add3A_152 = arith.constant 0 : i32
      %add3A_153 = arith.addi %mul3A_151, %add3A_152 : i32
      %mul3A_154 = arith.constant 160 : i32
      %mul3A_155 = arith.muli %sub3A_149, %mul3A_154 : i32
      %add3A_156 = arith.constant 80 : i32
      %add3A_157 = arith.addi %mul3A_155, %add3A_156 : i32
      %dma_start3A_158 = arith.constant 160 : i32
      %dma_start3A_159 = arith.constant 0 : i32
      %dma_start3A_160 = tpu.memref_slice %arg8[%dma_start3A_158, %dma_start3A_159] : memref<320x128xf32, #tpu.memory_space<vmem>> -> memref<80x128xf32, #tpu.memory_space<vmem>>
      %dma_start3A_161 = tpu.memref_slice %arg6[%add3A_153] : memref<15680xi32, #tpu.memory_space<vmem>> -> memref<80xi32, #tpu.memory_space<vmem>>
      %dma_start3A_162 = arith.constant 0 : i32
      %dma_start3A_163 = arith.constant 0 : i32
      %dma_start3A_164 = tpu.memref_slice %arg2[%dma_start3A_162, %dma_start3A_163] : memref<100000x128xf32, #tpu.memory_space<hbm>> -> memref<100000x128xf32, #tpu.memory_space<hbm>>
      tpu.enqueue_indirect_dma source(%dma_start3A_164 : memref<100000x128xf32, #tpu.memory_space<hbm>>) target(%dma_start3A_160 : memref<80x128xf32, #tpu.memory_space<vmem>>) offsets(%dma_start3A_161 : memref<80xi32, #tpu.memory_space<vmem>>) semaphore(%arg12 : memref<!tpu.dma_semaphore, #tpu.memory_space<semaphore_mem>>)
      %dma_start3A_165 = arith.constant 240 : i32
      %dma_start3A_166 = arith.constant 0 : i32
      %dma_start3A_167 = tpu.memref_slice %arg8[%dma_start3A_165, %dma_start3A_166] : memref<320x128xf32, #tpu.memory_space<vmem>> -> memref<80x128xf32, #tpu.memory_space<vmem>>
      %dma_start3A_168 = tpu.memref_slice %arg6[%add3A_157] : memref<15680xi32, #tpu.memory_space<vmem>> -> memref<80xi32, #tpu.memory_space<vmem>>
      %dma_start3A_169 = arith.constant 0 : i32
      %dma_start3A_170 = arith.constant 0 : i32
      %dma_start3A_171 = tpu.memref_slice %arg2[%dma_start3A_169, %dma_start3A_170] : memref<100000x128xf32, #tpu.memory_space<hbm>> -> memref<100000x128xf32, #tpu.memory_space<hbm>>
      tpu.enqueue_indirect_dma source(%dma_start3A_171 : memref<100000x128xf32, #tpu.memory_space<hbm>>) target(%dma_start3A_167 : memref<80x128xf32, #tpu.memory_space<vmem>>) offsets(%dma_start3A_168 : memref<80xi32, #tpu.memory_space<vmem>>) semaphore(%arg12 : memref<!tpu.dma_semaphore, #tpu.memory_space<semaphore_mem>>)
      %add3A_172 = arith.addi %select_n3A, %mul3A_144 : i32
      %min3A_173 = arith.minsi %add3A_172, %sub3A_48 : i32
      %sub3A_174 = arith.subi %min3A_173, %select_n3A : i32
      %mul3A_175 = arith.constant 160 : i32
      %mul3A_176 = arith.muli %sub3A_174, %mul3A_175 : i32
      %add3A_177 = vector.broadcast %mul3A_176 : i32 to vector<16xi32>
      %add3A_178 = arith.addi %mul3A_72, %add3A_177 : vector<16xi32>
      %add3A_179 = arith.constant 0 : i32
      %add3A_180 = vector.broadcast %add3A_179 : i32 to vector<16xi32>
      %add3A_181 = arith.addi %add3A_178, %add3A_180 : vector<16xi32>
      %gather3A = tpu.vector_load_idx %arg6[%add3A_181] : memref<15680xi32, #tpu.memory_space<vmem>>[vector<16xi32>], vector<16xi32>,
      %add3A_182 = arith.constant 1 : i32
      %add3A_183 = vector.broadcast %add3A_182 : i32 to vector<16xi32>
      %add3A_184 = arith.addi %add3A_178, %add3A_183 : vector<16xi32>
      %gather3A_185 = tpu.vector_load_idx %arg6[%add3A_184] : memref<15680xi32, #tpu.memory_space<vmem>>[vector<16xi32>], vector<16xi32>,
      %add3A_186 = arith.constant 2 : i32
      %add3A_187 = vector.broadcast %add3A_186 : i32 to vector<16xi32>
      %add3A_188 = arith.addi %add3A_178, %add3A_187 : vector<16xi32>
      %gather3A_189 = tpu.vector_load_idx %arg6[%add3A_188] : memref<15680xi32, #tpu.memory_space<vmem>>[vector<16xi32>], vector<16xi32>,
      %add3A_190 = arith.constant 3 : i32
      %add3A_191 = vector.broadcast %add3A_190 : i32 to vector<16xi32>
      %add3A_192 = arith.addi %add3A_178, %add3A_191 : vector<16xi32>
      %gather3A_193 = tpu.vector_load_idx %arg6[%add3A_192] : memref<15680xi32, #tpu.memory_space<vmem>>[vector<16xi32>], vector<16xi32>,
      %add3A_194 = arith.constant 4 : i32
      %add3A_195 = vector.broadcast %add3A_194 : i32 to vector<16xi32>
      %add3A_196 = arith.addi %add3A_178, %add3A_195 : vector<16xi32>
      %gather3A_197 = tpu.vector_load_idx %arg6[%add3A_196] : memref<15680xi32, #tpu.memory_space<vmem>>[vector<16xi32>], vector<16xi32>,
      %add3A_198 = arith.constant 5 : i32
      %add3A_199 = vector.broadcast %add3A_198 : i32 to vector<16xi32>
      %add3A_200 = arith.addi %add3A_178, %add3A_199 : vector<16xi32>
      %gather3A_201 = tpu.vector_load_idx %arg6[%add3A_200] : memref<15680xi32, #tpu.memory_space<vmem>>[vector<16xi32>], vector<16xi32>,
      %add3A_202 = arith.constant 6 : i32
      %add3A_203 = vector.broadcast %add3A_202 : i32 to vector<16xi32>
      %add3A_204 = arith.addi %add3A_178, %add3A_203 : vector<16xi32>
      %gather3A_205 = tpu.vector_load_idx %arg6[%add3A_204] : memref<15680xi32, #tpu.memory_space<vmem>>[vector<16xi32>], vector<16xi32>,
      %add3A_206 = arith.constant 7 : i32
      %add3A_207 = vector.broadcast %add3A_206 : i32 to vector<16xi32>
      %add3A_208 = arith.addi %add3A_178, %add3A_207 : vector<16xi32>
      %gather3A_209 = tpu.vector_load_idx %arg6[%add3A_208] : memref<15680xi32, #tpu.memory_space<vmem>>[vector<16xi32>], vector<16xi32>,
      %add3A_210 = arith.constant 8 : i32
      %add3A_211 = vector.broadcast %add3A_210 : i32 to vector<16xi32>
      %add3A_212 = arith.addi %add3A_178, %add3A_211 : vector<16xi32>
      %gather3A_213 = tpu.vector_load_idx %arg6[%add3A_212] : memref<15680xi32, #tpu.memory_space<vmem>>[vector<16xi32>], vector<16xi32>,
      %add3A_214 = arith.constant 9 : i32
      %add3A_215 = vector.broadcast %add3A_214 : i32 to vector<16xi32>
      %add3A_216 = arith.addi %add3A_178, %add3A_215 : vector<16xi32>
      %gather3A_217 = tpu.vector_load_idx %arg6[%add3A_216] : memref<15680xi32, #tpu.memory_space<vmem>>[vector<16xi32>], vector<16xi32>,
      %broadcast_in_dim3A = arith.constant 1.000000e+00 : f32
      %broadcast_in_dim3A_218 = vector.broadcast %broadcast_in_dim3A : f32 to vector<16xf32>
      %mul3A_219 = vector.broadcast %squeeze3A : f32 to vector<16xf32>
      %mul3A_220 = arith.mulf %broadcast_in_dim3A_218, %mul3A_219 : vector<16xf32>
      %eq3A = arith.cmpi eq, %gather3A_185, %gather3A : vector<16xi32>
      %jit3A_221 = arith.constant 0.000000e+00 : f32
      %broadcast_in_dim3A_222 = vector.broadcast %jit3A_221 : f32 to vector<16xf32>
      %broadcast_in_dim3A_223 = vector.broadcast %squeeze3A_53 : f32 to vector<16xf32>
      %select_n3A_224 = arith.select %eq3A, %broadcast_in_dim3A_222, %broadcast_in_dim3A_223 : vector<16xi1>, vector<16xf32>
      %eq3A_225 = arith.cmpi eq, %gather3A_189, %gather3A : vector<16xi32>
      %eq3A_226 = arith.cmpi eq, %gather3A_189, %gather3A_185 : vector<16xi32>
      %or3A = arith.ori %eq3A_225, %eq3A_226 : vector<16xi1>
      %jit3A_227 = arith.constant 0.000000e+00 : f32
      %broadcast_in_dim3A_228 = vector.broadcast %jit3A_227 : f32 to vector<16xf32>
      %broadcast_in_dim3A_229 = vector.broadcast %squeeze3A_55 : f32 to vector<16xf32>
      %select_n3A_230 = arith.select %or3A, %broadcast_in_dim3A_228, %broadcast_in_dim3A_229 : vector<16xi1>, vector<16xf32>
      %eq3A_231 = arith.cmpi eq, %gather3A_193, %gather3A : vector<16xi32>
      %eq3A_232 = arith.cmpi eq, %gather3A_193, %gather3A_185 : vector<16xi32>
      %or3A_233 = arith.ori %eq3A_231, %eq3A_232 : vector<16xi1>
      %eq3A_234 = arith.cmpi eq, %gather3A_193, %gather3A_189 : vector<16xi32>
      %or3A_235 = arith.ori %or3A_233, %eq3A_234 : vector<16xi1>
      %jit3A_236 = arith.constant 0.000000e+00 : f32
      %broadcast_in_dim3A_237 = vector.broadcast %jit3A_236 : f32 to vector<16xf32>
      %broadcast_in_dim3A_238 = vector.broadcast %squeeze3A_57 : f32 to vector<16xf32>
      %select_n3A_239 = arith.select %or3A_235, %broadcast_in_dim3A_237, %broadcast_in_dim3A_238 : vector<16xi1>, vector<16xf32>
      %eq3A_240 = arith.cmpi eq, %gather3A_197, %gather3A : vector<16xi32>
      %eq3A_241 = arith.cmpi eq, %gather3A_197, %gather3A_185 : vector<16xi32>
      %or3A_242 = arith.ori %eq3A_240, %eq3A_241 : vector<16xi1>
      %eq3A_243 = arith.cmpi eq, %gather3A_197, %gather3A_189 : vector<16xi32>
      %or3A_244 = arith.ori %or3A_242, %eq3A_243 : vector<16xi1>
      %eq3A_245 = arith.cmpi eq, %gather3A_197, %gather3A_193 : vector<16xi32>
      %or3A_246 = arith.ori %or3A_244, %eq3A_245 : vector<16xi1>
      %jit3A_247 = arith.constant 0.000000e+00 : f32
      %broadcast_in_dim3A_248 = vector.broadcast %jit3A_247 : f32 to vector<16xf32>
      %broadcast_in_dim3A_249 = vector.broadcast %squeeze3A_59 : f32 to vector<16xf32>
      %select_n3A_250 = arith.select %or3A_246, %broadcast_in_dim3A_248, %broadcast_in_dim3A_249 : vector<16xi1>, vector<16xf32>
      %eq3A_251 = arith.cmpi eq, %gather3A_201, %gather3A : vector<16xi32>
      %eq3A_252 = arith.cmpi eq, %gather3A_201, %gather3A_185 : vector<16xi32>
      %or3A_253 = arith.ori %eq3A_251, %eq3A_252 : vector<16xi1>
      %eq3A_254 = arith.cmpi eq, %gather3A_201, %gather3A_189 : vector<16xi32>
      %or3A_255 = arith.ori %or3A_253, %eq3A_254 : vector<16xi1>
      %eq3A_256 = arith.cmpi eq, %gather3A_201, %gather3A_193 : vector<16xi32>
      %or3A_257 = arith.ori %or3A_255, %eq3A_256 : vector<16xi1>
      %eq3A_258 = arith.cmpi eq, %gather3A_201, %gather3A_197 : vector<16xi32>
      %or3A_259 = arith.ori %or3A_257, %eq3A_258 : vector<16xi1>
      %jit3A_260 = arith.constant 0.000000e+00 : f32
      %broadcast_in_dim3A_261 = vector.broadcast %jit3A_260 : f32 to vector<16xf32>
      %broadcast_in_dim3A_262 = vector.broadcast %squeeze3A_61 : f32 to vector<16xf32>
      %select_n3A_263 = arith.select %or3A_259, %broadcast_in_dim3A_261, %broadcast_in_dim3A_262 : vector<16xi1>, vector<16xf32>
      %eq3A_264 = arith.cmpi eq, %gather3A_205, %gather3A : vector<16xi32>
      %eq3A_265 = arith.cmpi eq, %gather3A_205, %gather3A_185 : vector<16xi32>
      %or3A_266 = arith.ori %eq3A_264, %eq3A_265 : vector<16xi1>
      %eq3A_267 = arith.cmpi eq, %gather3A_205, %gather3A_189 : vector<16xi32>
      %or3A_268 = arith.ori %or3A_266, %eq3A_267 : vector<16xi1>
      %eq3A_269 = arith.cmpi eq, %gather3A_205, %gather3A_193 : vector<16xi32>
      %or3A_270 = arith.ori %or3A_268, %eq3A_269 : vector<16xi1>
      %eq3A_271 = arith.cmpi eq, %gather3A_205, %gather3A_197 : vector<16xi32>
      %or3A_272 = arith.ori %or3A_270, %eq3A_271 : vector<16xi1>
      %eq3A_273 = arith.cmpi eq, %gather3A_205, %gather3A_201 : vector<16xi32>
      %or3A_274 = arith.ori %or3A_272, %eq3A_273 : vector<16xi1>
      %jit3A_275 = arith.constant 0.000000e+00 : f32
      %broadcast_in_dim3A_276 = vector.broadcast %jit3A_275 : f32 to vector<16xf32>
      %broadcast_in_dim3A_277 = vector.broadcast %squeeze3A_63 : f32 to vector<16xf32>
      %select_n3A_278 = arith.select %or3A_274, %broadcast_in_dim3A_276, %broadcast_in_dim3A_277 : vector<16xi1>, vector<16xf32>
      %eq3A_279 = arith.cmpi eq, %gather3A_209, %gather3A : vector<16xi32>
      %eq3A_280 = arith.cmpi eq, %gather3A_209, %gather3A_185 : vector<16xi32>
      %or3A_281 = arith.ori %eq3A_279, %eq3A_280 : vector<16xi1>
      %eq3A_282 = arith.cmpi eq, %gather3A_209, %gather3A_189 : vector<16xi32>
      %or3A_283 = arith.ori %or3A_281, %eq3A_282 : vector<16xi1>
      %eq3A_284 = arith.cmpi eq, %gather3A_209, %gather3A_193 : vector<16xi32>
      %or3A_285 = arith.ori %or3A_283, %eq3A_284 : vector<16xi1>
      %eq3A_286 = arith.cmpi eq, %gather3A_209, %gather3A_197 : vector<16xi32>
      %or3A_287 = arith.ori %or3A_285, %eq3A_286 : vector<16xi1>
      %eq3A_288 = arith.cmpi eq, %gather3A_209, %gather3A_201 : vector<16xi32>
      %or3A_289 = arith.ori %or3A_287, %eq3A_288 : vector<16xi1>
      %eq3A_290 = arith.cmpi eq, %gather3A_209, %gather3A_205 : vector<16xi32>
      %or3A_291 = arith.ori %or3A_289, %eq3A_290 : vector<16xi1>
      %jit3A_292 = arith.constant 0.000000e+00 : f32
      %broadcast_in_dim3A_293 = vector.broadcast %jit3A_292 : f32 to vector<16xf32>
      %broadcast_in_dim3A_294 = vector.broadcast %squeeze3A_65 : f32 to vector<16xf32>
      %select_n3A_295 = arith.select %or3A_291, %broadcast_in_dim3A_293, %broadcast_in_dim3A_294 : vector<16xi1>, vector<16xf32>
      %eq3A_296 = arith.cmpi eq, %gather3A_213, %gather3A : vector<16xi32>
      %eq3A_297 = arith.cmpi eq, %gather3A_213, %gather3A_185 : vector<16xi32>
      %or3A_298 = arith.ori %eq3A_296, %eq3A_297 : vector<16xi1>
      %eq3A_299 = arith.cmpi eq, %gather3A_213, %gather3A_189 : vector<16xi32>
      %or3A_300 = arith.ori %or3A_298, %eq3A_299 : vector<16xi1>
      %eq3A_301 = arith.cmpi eq, %gather3A_213, %gather3A_193 : vector<16xi32>
      %or3A_302 = arith.ori %or3A_300, %eq3A_301 : vector<16xi1>
      %eq3A_303 = arith.cmpi eq, %gather3A_213, %gather3A_197 : vector<16xi32>
      %or3A_304 = arith.ori %or3A_302, %eq3A_303 : vector<16xi1>
      %eq3A_305 = arith.cmpi eq, %gather3A_213, %gather3A_201 : vector<16xi32>
      %or3A_306 = arith.ori %or3A_304, %eq3A_305 : vector<16xi1>
      %eq3A_307 = arith.cmpi eq, %gather3A_213, %gather3A_205 : vector<16xi32>
      %or3A_308 = arith.ori %or3A_306, %eq3A_307 : vector<16xi1>
      %eq3A_309 = arith.cmpi eq, %gather3A_213, %gather3A_209 : vector<16xi32>
      %or3A_310 = arith.ori %or3A_308, %eq3A_309 : vector<16xi1>
      %jit3A_311 = arith.constant 0.000000e+00 : f32
      %broadcast_in_dim3A_312 = vector.broadcast %jit3A_311 : f32 to vector<16xf32>
      %broadcast_in_dim3A_313 = vector.broadcast %squeeze3A_67 : f32 to vector<16xf32>
      %select_n3A_314 = arith.select %or3A_310, %broadcast_in_dim3A_312, %broadcast_in_dim3A_313 : vector<16xi1>, vector<16xf32>
      %eq3A_315 = arith.cmpi eq, %gather3A_217, %gather3A : vector<16xi32>
      %eq3A_316 = arith.cmpi eq, %gather3A_217, %gather3A_185 : vector<16xi32>
      %or3A_317 = arith.ori %eq3A_315, %eq3A_316 : vector<16xi1>
      %eq3A_318 = arith.cmpi eq, %gather3A_217, %gather3A_189 : vector<16xi32>
      %or3A_319 = arith.ori %or3A_317, %eq3A_318 : vector<16xi1>
      %eq3A_320 = arith.cmpi eq, %gather3A_217, %gather3A_193 : vector<16xi32>
      %or3A_321 = arith.ori %or3A_319, %eq3A_320 : vector<16xi1>
      %eq3A_322 = arith.cmpi eq, %gather3A_217, %gather3A_197 : vector<16xi32>
      %or3A_323 = arith.ori %or3A_321, %eq3A_322 : vector<16xi1>
      %eq3A_324 = arith.cmpi eq, %gather3A_217, %gather3A_201 : vector<16xi32>
      %or3A_325 = arith.ori %or3A_323, %eq3A_324 : vector<16xi1>
      %eq3A_326 = arith.cmpi eq, %gather3A_217, %gather3A_205 : vector<16xi32>
      %or3A_327 = arith.ori %or3A_325, %eq3A_326 : vector<16xi1>
      %eq3A_328 = arith.cmpi eq, %gather3A_217, %gather3A_209 : vector<16xi32>
      %or3A_329 = arith.ori %or3A_327, %eq3A_328 : vector<16xi1>
      %eq3A_330 = arith.cmpi eq, %gather3A_217, %gather3A_213 : vector<16xi32>
      %or3A_331 = arith.ori %or3A_329, %eq3A_330 : vector<16xi1>
      %jit3A_332 = arith.constant 0.000000e+00 : f32
      %broadcast_in_dim3A_333 = vector.broadcast %jit3A_332 : f32 to vector<16xf32>
      %broadcast_in_dim3A_334 = vector.broadcast %squeeze3A_69 : f32 to vector<16xf32>
      %select_n3A_335 = arith.select %or3A_331, %broadcast_in_dim3A_333, %broadcast_in_dim3A_334 : vector<16xi1>, vector<16xf32>
      %add3A_336 = arith.addf %mul3A_220, %select_n3A_224 : vector<16xf32>
      %add3A_337 = arith.addf %add3A_336, %select_n3A_230 : vector<16xf32>
      %add3A_338 = arith.addf %add3A_337, %select_n3A_239 : vector<16xf32>
      %add3A_339 = arith.addf %add3A_338, %select_n3A_250 : vector<16xf32>
      %add3A_340 = arith.addf %add3A_339, %select_n3A_263 : vector<16xf32>
      %add3A_341 = arith.addf %add3A_340, %select_n3A_278 : vector<16xf32>
      %add3A_342 = arith.addf %add3A_341, %select_n3A_295 : vector<16xf32>
      %add3A_343 = arith.addf %add3A_342, %select_n3A_314 : vector<16xf32>
      %add3A_344 = arith.addf %add3A_343, %select_n3A_335 : vector<16xf32>
      %div3A_345 = arith.constant 1.000000e+00 : f32
      %div3A_346 = vector.broadcast %div3A_345 : f32 to vector<16xf32>
      %div3A_347 = arith.divf %div3A_346, %add3A_344 : vector<16xf32>
      %add3A_348 = arith.constant 0 : i32
      %add3A_349 = vector.broadcast %add3A_348 : i32 to vector<16xi32>
      %add3A_350 = arith.addi %mul3A_75, %add3A_349 : vector<16xi32>
      %mul3A_351 = arith.mulf %mul3A_220, %div3A_347 : vector<16xf32>
      tpu.vector_store_idx %arg10[%add3A_350], %mul3A_351 : memref<512xf32, #tpu.memory_space<vmem>>[vector<16xi32>], vector<16xf32>,
      %add3A_352 = arith.constant 1 : i32
      %add3A_353 = vector.broadcast %add3A_352 : i32 to vector<16xi32>
      %add3A_354 = arith.addi %mul3A_75, %add3A_353 : vector<16xi32>
      %mul3A_355 = arith.mulf %select_n3A_224, %div3A_347 : vector<16xf32>
      tpu.vector_store_idx %arg10[%add3A_354], %mul3A_355 : memref<512xf32, #tpu.memory_space<vmem>>[vector<16xi32>], vector<16xf32>,
      %add3A_356 = arith.constant 2 : i32
      %add3A_357 = vector.broadcast %add3A_356 : i32 to vector<16xi32>
      %add3A_358 = arith.addi %mul3A_75, %add3A_357 : vector<16xi32>
      %mul3A_359 = arith.mulf %select_n3A_230, %div3A_347 : vector<16xf32>
      tpu.vector_store_idx %arg10[%add3A_358], %mul3A_359 : memref<512xf32, #tpu.memory_space<vmem>>[vector<16xi32>], vector<16xf32>,
      %add3A_360 = arith.constant 3 : i32
      %add3A_361 = vector.broadcast %add3A_360 : i32 to vector<16xi32>
      %add3A_362 = arith.addi %mul3A_75, %add3A_361 : vector<16xi32>
      %mul3A_363 = arith.mulf %select_n3A_239, %div3A_347 : vector<16xf32>
      tpu.vector_store_idx %arg10[%add3A_362], %mul3A_363 : memref<512xf32, #tpu.memory_space<vmem>>[vector<16xi32>], vector<16xf32>,
      %add3A_364 = arith.constant 4 : i32
      %add3A_365 = vector.broadcast %add3A_364 : i32 to vector<16xi32>
      %add3A_366 = arith.addi %mul3A_75, %add3A_365 : vector<16xi32>
      %mul3A_367 = arith.mulf %select_n3A_250, %div3A_347 : vector<16xf32>
      tpu.vector_store_idx %arg10[%add3A_366], %mul3A_367 : memref<512xf32, #tpu.memory_space<vmem>>[vector<16xi32>], vector<16xf32>,
      %add3A_368 = arith.constant 5 : i32
      %add3A_369 = vector.broadcast %add3A_368 : i32 to vector<16xi32>
      %add3A_370 = arith.addi %mul3A_75, %add3A_369 : vector<16xi32>
      %mul3A_371 = arith.mulf %select_n3A_263, %div3A_347 : vector<16xf32>
      tpu.vector_store_idx %arg10[%add3A_370], %mul3A_371 : memref<512xf32, #tpu.memory_space<vmem>>[vector<16xi32>], vector<16xf32>,
      %add3A_372 = arith.constant 6 : i32
      %add3A_373 = vector.broadcast %add3A_372 : i32 to vector<16xi32>
      %add3A_374 = arith.addi %mul3A_75, %add3A_373 : vector<16xi32>
      %mul3A_375 = arith.mulf %select_n3A_278, %div3A_347 : vector<16xf32>
      tpu.vector_store_idx %arg10[%add3A_374], %mul3A_375 : memref<512xf32, #tpu.memory_space<vmem>>[vector<16xi32>], vector<16xf32>,
      %add3A_376 = arith.constant 7 : i32
      %add3A_377 = vector.broadcast %add3A_376 : i32 to vector<16xi32>
      %add3A_378 = arith.addi %mul3A_75, %add3A_377 : vector<16xi32>
      %mul3A_379 = arith.mulf %select_n3A_295, %div3A_347 : vector<16xf32>
      tpu.vector_store_idx %arg10[%add3A_378], %mul3A_379 : memref<512xf32, #tpu.memory_space<vmem>>[vector<16xi32>], vector<16xf32>,
      %add3A_380 = arith.constant 8 : i32
      %add3A_381 = vector.broadcast %add3A_380 : i32 to vector<16xi32>
      %add3A_382 = arith.addi %mul3A_75, %add3A_381 : vector<16xi32>
      %mul3A_383 = arith.mulf %select_n3A_314, %div3A_347 : vector<16xf32>
      tpu.vector_store_idx %arg10[%add3A_382], %mul3A_383 : memref<512xf32, #tpu.memory_space<vmem>>[vector<16xi32>], vector<16xf32>,
      %add3A_384 = arith.constant 9 : i32
      %add3A_385 = vector.broadcast %add3A_384 : i32 to vector<16xi32>
      %add3A_386 = arith.addi %mul3A_75, %add3A_385 : vector<16xi32>
      %mul3A_387 = arith.mulf %select_n3A_335, %div3A_347 : vector<16xf32>
      tpu.vector_store_idx %arg10[%add3A_386], %mul3A_387 : memref<512xf32, #tpu.memory_space<vmem>>[vector<16xi32>], vector<16xf32>,
      %mul3A_388 = arith.constant 160 : i32
      %mul3A_389 = arith.muli %sub3A_174, %mul3A_388 : i32
      %add3A_390 = arith.constant 0 : i32
      %add3A_391 = arith.addi %mul3A_389, %add3A_390 : i32
      %mul3A_392 = arith.constant 160 : i32
      %mul3A_393 = arith.muli %sub3A_174, %mul3A_392 : i32
      %add3A_394 = arith.constant 80 : i32
      %add3A_395 = arith.addi %mul3A_393, %add3A_394 : i32
      %dma_wait3A_396 = arith.constant 0 : i32
      %dma_wait3A_397 = arith.constant 0 : i32
      %dma_wait3A_398 = tpu.memref_slice %arg8[%dma_wait3A_396, %dma_wait3A_397] : memref<320x128xf32, #tpu.memory_space<vmem>> -> memref<80x128xf32, #tpu.memory_space<vmem>>
      %dma_wait3A_399 = tpu.memref_slice %arg6[%add3A_391] : memref<15680xi32, #tpu.memory_space<vmem>> -> memref<80xi32, #tpu.memory_space<vmem>>
      %dma_wait3A_400 = arith.constant 0 : i32
      %dma_wait3A_401 = arith.constant 0 : i32
      %dma_wait3A_402 = tpu.memref_slice %arg2[%dma_wait3A_400, %dma_wait3A_401] : memref<100000x128xf32, #tpu.memory_space<hbm>> -> memref<100000x128xf32, #tpu.memory_space<hbm>>
      tpu.wait_indirect_dma semaphore(%arg11 : memref<!tpu.dma_semaphore, #tpu.memory_space<semaphore_mem>>) src(%dma_wait3A_402 : memref<100000x128xf32, #tpu.memory_space<hbm>>) dst(%dma_wait3A_398 : memref<80x128xf32, #tpu.memory_space<vmem>>)
      %dma_wait3A_403 = arith.constant 80 : i32
      %dma_wait3A_404 = arith.constant 0 : i32
      %dma_wait3A_405 = tpu.memref_slice %arg8[%dma_wait3A_403, %dma_wait3A_404] : memref<320x128xf32, #tpu.memory_space<vmem>> -> memref<80x128xf32, #tpu.memory_space<vmem>>
      %dma_wait3A_406 = tpu.memref_slice %arg6[%add3A_395] : memref<15680xi32, #tpu.memory_space<vmem>> -> memref<80xi32, #tpu.memory_space<vmem>>
      %dma_wait3A_407 = arith.constant 0 : i32
      %dma_wait3A_408 = arith.constant 0 : i32
      %dma_wait3A_409 = tpu.memref_slice %arg2[%dma_wait3A_407, %dma_wait3A_408] : memref<100000x128xf32, #tpu.memory_space<hbm>> -> memref<100000x128xf32, #tpu.memory_space<hbm>>
      tpu.wait_indirect_dma semaphore(%arg11 : memref<!tpu.dma_semaphore, #tpu.memory_space<semaphore_mem>>) src(%dma_wait3A_409 : memref<100000x128xf32, #tpu.memory_space<hbm>>) dst(%dma_wait3A_405 : memref<80x128xf32, #tpu.memory_space<vmem>>)
      %gt3A = arith.constant 0 : i32
      %gt3A_410 = arith.cmpi sgt, %scan3A_142, %gt3A : i32
      %convert_element_type3A = arith.extui %gt3A_410 : i1 to i32
      %cond3A = arith.constant 0 : i32
      %cond3A_411 = arith.cmpi ne, %convert_element_type3A, %cond3A : i32
      scf.if %cond3A_411 {
        %mul3A_701 = arith.constant 16 : i32
        %mul3A_702 = arith.muli %min3A_173, %mul3A_701 : i32
        %dma_wait3A_703 = arith.constant 0 : i32
        %dma_wait3A_704 = arith.constant 0 : i32
        %dma_wait3A_705 = tpu.memref_slice %arg9[%dma_wait3A_703, %dma_wait3A_704] : memref<32x128xf32, #tpu.memory_space<vmem>> -> memref<16x128xf32, #tpu.memory_space<vmem>>
        %dma_wait3A_706 = arith.constant 0 : i32
        %dma_wait3A_707 = tpu.memref_slice %arg5[%mul3A_702, %dma_wait3A_706] : memref<50000x128xf32, #tpu.memory_space<hbm>> -> memref<16x128xf32, #tpu.memory_space<hbm>>
        %dma_wait3A_708 = arith.constant 0 : i32
        %dma_wait3A_709 = tpu.memref_slice %arg5[%mul3A_702, %dma_wait3A_708] : memref<50000x128xf32, #tpu.memory_space<hbm>> -> memref<16x128xf32, #tpu.memory_space<hbm>>
        %dma_wait3A_710 = arith.constant 0 : i32
        %dma_wait3A_711 = arith.constant 0 : i32
        %dma_wait3A_712 = tpu.memref_slice %arg9[%dma_wait3A_710, %dma_wait3A_711] : memref<32x128xf32, #tpu.memory_space<vmem>> -> memref<16x128xf32, #tpu.memory_space<vmem>>
        tpu.wait_dma2 semaphore(%arg13 : memref<!tpu.dma_semaphore, #tpu.memory_space<semaphore_mem>>) src(%dma_wait3A_712 : memref<16x128xf32, #tpu.memory_space<vmem>>) dst(%dma_wait3A_709 : memref<16x128xf32, #tpu.memory_space<hbm>>)
      } else {
      }
      %scan3A_412 = arith.constant 0 : i32
      %scan3A_413 = arith.constant 0 : i32
      %scan3A_414 = arith.constant 16 : i32
      %scan3A_415 = arith.addi %scan3A_413, %scan3A_414 : i32
      %scan3A_416 = arith.constant 1 : i32
      scf.for %scan3A_701 = %scan3A_413 to %scan3A_415 step %scan3A_416  : i32 {
        %mul3A_702 = arith.constant 16 : i32
        %mul3A_703 = arith.muli %scan3A_701, %mul3A_702 : i32
        %add3A_704 = arith.constant 0 : i32
        %add3A_705 = arith.addi %add3A_704, %mul3A_703 : i32
        %get3A_706 = arith.index_cast %add3A_705 : i32 to index
        %get3A_707 = tpu.vector_load %arg10[%get3A_706] {strides = array<i32>} : memref<512xf32, #tpu.memory_space<vmem>>, vector<16xf32>,
        %mul3A_708 = arith.constant 10 : i32
        %mul3A_709 = arith.muli %scan3A_701, %mul3A_708 : i32
        %add3A_710 = arith.constant 0 : i32
        %add3A_711 = arith.addi %add3A_710, %mul3A_709 : i32
        %slice3A_712 = vector.extract_strided_slice %get3A_707 {offsets = [0], sizes = [1], strides = [1]} : vector<16xf32> to vector<1xf32>
        %squeeze3A_713 = vector.extract %slice3A_712[0] : f32 from vector<1xf32>
        %add3A_714 = arith.constant 0 : i32
        %add3A_715 = arith.addi %add3A_711, %add3A_714 : i32
        %get3A_716 = arith.index_cast %add3A_715 : i32 to index
        %get3A_717 = arith.constant 0 : index
        %get3A_718 = tpu.vector_load %arg8[%get3A_716, %get3A_717] {strides = array<i32>} : memref<320x128xf32, #tpu.memory_space<vmem>>, vector<16xf32>,
        %mul3A_719 = vector.broadcast %squeeze3A_713 : f32 to vector<16xf32>
        %mul3A_720 = arith.mulf %mul3A_719, %get3A_718 : vector<16xf32>
        %add3A_721 = arith.constant 0 : i32
        %add3A_722 = arith.addi %add3A_711, %add3A_721 : i32
        %get3A_723 = arith.index_cast %add3A_722 : i32 to index
        %get3A_724 = arith.constant 16 : index
        %get3A_725 = tpu.vector_load %arg8[%get3A_723, %get3A_724] {strides = array<i32>} : memref<320x128xf32, #tpu.memory_space<vmem>>, vector<16xf32>,
        %mul3A_726 = vector.broadcast %squeeze3A_713 : f32 to vector<16xf32>
        %mul3A_727 = arith.mulf %mul3A_726, %get3A_725 : vector<16xf32>
        %add3A_728 = arith.constant 0 : i32
        %add3A_729 = arith.addi %add3A_711, %add3A_728 : i32
        %get3A_730 = arith.index_cast %add3A_729 : i32 to index
        %get3A_731 = arith.constant 32 : index
        %get3A_732 = tpu.vector_load %arg8[%get3A_730, %get3A_731] {strides = array<i32>} : memref<320x128xf32, #tpu.memory_space<vmem>>, vector<16xf32>,
        %mul3A_733 = vector.broadcast %squeeze3A_713 : f32 to vector<16xf32>
        %mul3A_734 = arith.mulf %mul3A_733, %get3A_732 : vector<16xf32>
        %add3A_735 = arith.constant 0 : i32
        %add3A_736 = arith.addi %add3A_711, %add3A_735 : i32
        %get3A_737 = arith.index_cast %add3A_736 : i32 to index
        %get3A_738 = arith.constant 48 : index
        %get3A_739 = tpu.vector_load %arg8[%get3A_737, %get3A_738] {strides = array<i32>} : memref<320x128xf32, #tpu.memory_space<vmem>>, vector<16xf32>,
        %mul3A_740 = vector.broadcast %squeeze3A_713 : f32 to vector<16xf32>
        %mul3A_741 = arith.mulf %mul3A_740, %get3A_739 : vector<16xf32>
        %add3A_742 = arith.constant 0 : i32
        %add3A_743 = arith.addi %add3A_711, %add3A_742 : i32
        %get3A_744 = arith.index_cast %add3A_743 : i32 to index
        %get3A_745 = arith.constant 64 : index
        %get3A_746 = tpu.vector_load %arg8[%get3A_744, %get3A_745] {strides = array<i32>} : memref<320x128xf32, #tpu.memory_space<vmem>>, vector<16xf32>,
        %mul3A_747 = vector.broadcast %squeeze3A_713 : f32 to vector<16xf32>
        %mul3A_748 = arith.mulf %mul3A_747, %get3A_746 : vector<16xf32>
        %add3A_749 = arith.constant 0 : i32
        %add3A_750 = arith.addi %add3A_711, %add3A_749 : i32
        %get3A_751 = arith.index_cast %add3A_750 : i32 to index
        %get3A_752 = arith.constant 80 : index
        %get3A_753 = tpu.vector_load %arg8[%get3A_751, %get3A_752] {strides = array<i32>} : memref<320x128xf32, #tpu.memory_space<vmem>>, vector<16xf32>,
        %mul3A_754 = vector.broadcast %squeeze3A_713 : f32 to vector<16xf32>
        %mul3A_755 = arith.mulf %mul3A_754, %get3A_753 : vector<16xf32>
        %add3A_756 = arith.constant 0 : i32
        %add3A_757 = arith.addi %add3A_711, %add3A_756 : i32
        %get3A_758 = arith.index_cast %add3A_757 : i32 to index
        %get3A_759 = arith.constant 96 : index
        %get3A_760 = tpu.vector_load %arg8[%get3A_758, %get3A_759] {strides = array<i32>} : memref<320x128xf32, #tpu.memory_space<vmem>>, vector<16xf32>,
        %mul3A_761 = vector.broadcast %squeeze3A_713 : f32 to vector<16xf32>
        %mul3A_762 = arith.mulf %mul3A_761, %get3A_760 : vector<16xf32>
        %add3A_763 = arith.constant 0 : i32
        %add3A_764 = arith.addi %add3A_711, %add3A_763 : i32
        %get3A_765 = arith.index_cast %add3A_764 : i32 to index
        %get3A_766 = arith.constant 112 : index
        %get3A_767 = tpu.vector_load %arg8[%get3A_765, %get3A_766] {strides = array<i32>} : memref<320x128xf32, #tpu.memory_space<vmem>>, vector<16xf32>,
        %mul3A_768 = vector.broadcast %squeeze3A_713 : f32 to vector<16xf32>
        %mul3A_769 = arith.mulf %mul3A_768, %get3A_767 : vector<16xf32>
        %slice3A_770 = vector.extract_strided_slice %get3A_707 {offsets = [1], sizes = [1], strides = [1]} : vector<16xf32> to vector<1xf32>
        %squeeze3A_771 = vector.extract %slice3A_770[0] : f32 from vector<1xf32>
        %add3A_772 = arith.constant 1 : i32
        %add3A_773 = arith.addi %add3A_711, %add3A_772 : i32
        %get3A_774 = arith.index_cast %add3A_773 : i32 to index
        %get3A_775 = arith.constant 0 : index
        %get3A_776 = tpu.vector_load %arg8[%get3A_774, %get3A_775] {strides = array<i32>} : memref<320x128xf32, #tpu.memory_space<vmem>>, vector<16xf32>,
        %mul3A_777 = vector.broadcast %squeeze3A_771 : f32 to vector<16xf32>
        %mul3A_778 = arith.mulf %mul3A_777, %get3A_776 : vector<16xf32>
        %add3A_779 = arith.addf %mul3A_720, %mul3A_778 : vector<16xf32>
        %add3A_780 = arith.constant 1 : i32
        %add3A_781 = arith.addi %add3A_711, %add3A_780 : i32
        %get3A_782 = arith.index_cast %add3A_781 : i32 to index
        %get3A_783 = arith.constant 16 : index
        %get3A_784 = tpu.vector_load %arg8[%get3A_782, %get3A_783] {strides = array<i32>} : memref<320x128xf32, #tpu.memory_space<vmem>>, vector<16xf32>,
        %mul3A_785 = vector.broadcast %squeeze3A_771 : f32 to vector<16xf32>
        %mul3A_786 = arith.mulf %mul3A_785, %get3A_784 : vector<16xf32>
        %add3A_787 = arith.addf %mul3A_727, %mul3A_786 : vector<16xf32>
        %add3A_788 = arith.constant 1 : i32
        %add3A_789 = arith.addi %add3A_711, %add3A_788 : i32
        %get3A_790 = arith.index_cast %add3A_789 : i32 to index
        %get3A_791 = arith.constant 32 : index
        %get3A_792 = tpu.vector_load %arg8[%get3A_790, %get3A_791] {strides = array<i32>} : memref<320x128xf32, #tpu.memory_space<vmem>>, vector<16xf32>,
        %mul3A_793 = vector.broadcast %squeeze3A_771 : f32 to vector<16xf32>
        %mul3A_794 = arith.mulf %mul3A_793, %get3A_792 : vector<16xf32>
        %add3A_795 = arith.addf %mul3A_734, %mul3A_794 : vector<16xf32>
        %add3A_796 = arith.constant 1 : i32
        %add3A_797 = arith.addi %add3A_711, %add3A_796 : i32
        %get3A_798 = arith.index_cast %add3A_797 : i32 to index
        %get3A_799 = arith.constant 48 : index
        %get3A_800 = tpu.vector_load %arg8[%get3A_798, %get3A_799] {strides = array<i32>} : memref<320x128xf32, #tpu.memory_space<vmem>>, vector<16xf32>,
        %mul3A_801 = vector.broadcast %squeeze3A_771 : f32 to vector<16xf32>
        %mul3A_802 = arith.mulf %mul3A_801, %get3A_800 : vector<16xf32>
        %add3A_803 = arith.addf %mul3A_741, %mul3A_802 : vector<16xf32>
        %add3A_804 = arith.constant 1 : i32
        %add3A_805 = arith.addi %add3A_711, %add3A_804 : i32
        %get3A_806 = arith.index_cast %add3A_805 : i32 to index
        %get3A_807 = arith.constant 64 : index
        %get3A_808 = tpu.vector_load %arg8[%get3A_806, %get3A_807] {strides = array<i32>} : memref<320x128xf32, #tpu.memory_space<vmem>>, vector<16xf32>,
        %mul3A_809 = vector.broadcast %squeeze3A_771 : f32 to vector<16xf32>
        %mul3A_810 = arith.mulf %mul3A_809, %get3A_808 : vector<16xf32>
        %add3A_811 = arith.addf %mul3A_748, %mul3A_810 : vector<16xf32>
        %add3A_812 = arith.constant 1 : i32
        %add3A_813 = arith.addi %add3A_711, %add3A_812 : i32
        %get3A_814 = arith.index_cast %add3A_813 : i32 to index
        %get3A_815 = arith.constant 80 : index
        %get3A_816 = tpu.vector_load %arg8[%get3A_814, %get3A_815] {strides = array<i32>} : memref<320x128xf32, #tpu.memory_space<vmem>>, vector<16xf32>,
        %mul3A_817 = vector.broadcast %squeeze3A_771 : f32 to vector<16xf32>
        %mul3A_818 = arith.mulf %mul3A_817, %get3A_816 : vector<16xf32>
        %add3A_819 = arith.addf %mul3A_755, %mul3A_818 : vector<16xf32>
        %add3A_820 = arith.constant 1 : i32
        %add3A_821 = arith.addi %add3A_711, %add3A_820 : i32
        %get3A_822 = arith.index_cast %add3A_821 : i32 to index
        %get3A_823 = arith.constant 96 : index
        %get3A_824 = tpu.vector_load %arg8[%get3A_822, %get3A_823] {strides = array<i32>} : memref<320x128xf32, #tpu.memory_space<vmem>>, vector<16xf32>,
        %mul3A_825 = vector.broadcast %squeeze3A_771 : f32 to vector<16xf32>
        %mul3A_826 = arith.mulf %mul3A_825, %get3A_824 : vector<16xf32>
        %add3A_827 = arith.addf %mul3A_762, %mul3A_826 : vector<16xf32>
        %add3A_828 = arith.constant 1 : i32
        %add3A_829 = arith.addi %add3A_711, %add3A_828 : i32
        %get3A_830 = arith.index_cast %add3A_829 : i32 to index
        %get3A_831 = arith.constant 112 : index
        %get3A_832 = tpu.vector_load %arg8[%get3A_830, %get3A_831] {strides = array<i32>} : memref<320x128xf32, #tpu.memory_space<vmem>>, vector<16xf32>,
        %mul3A_833 = vector.broadcast %squeeze3A_771 : f32 to vector<16xf32>
        %mul3A_834 = arith.mulf %mul3A_833, %get3A_832 : vector<16xf32>
        %add3A_835 = arith.addf %mul3A_769, %mul3A_834 : vector<16xf32>
        %slice3A_836 = vector.extract_strided_slice %get3A_707 {offsets = [2], sizes = [1], strides = [1]} : vector<16xf32> to vector<1xf32>
        %squeeze3A_837 = vector.extract %slice3A_836[0] : f32 from vector<1xf32>
        %add3A_838 = arith.constant 2 : i32
        %add3A_839 = arith.addi %add3A_711, %add3A_838 : i32
        %get3A_840 = arith.index_cast %add3A_839 : i32 to index
        %get3A_841 = arith.constant 0 : index
        %get3A_842 = tpu.vector_load %arg8[%get3A_840, %get3A_841] {strides = array<i32>} : memref<320x128xf32, #tpu.memory_space<vmem>>, vector<16xf32>,
        %mul3A_843 = vector.broadcast %squeeze3A_837 : f32 to vector<16xf32>
        %mul3A_844 = arith.mulf %mul3A_843, %get3A_842 : vector<16xf32>
        %add3A_845 = arith.addf %add3A_779, %mul3A_844 : vector<16xf32>
        %add3A_846 = arith.constant 2 : i32
        %add3A_847 = arith.addi %add3A_711, %add3A_846 : i32
        %get3A_848 = arith.index_cast %add3A_847 : i32 to index
        %get3A_849 = arith.constant 16 : index
        %get3A_850 = tpu.vector_load %arg8[%get3A_848, %get3A_849] {strides = array<i32>} : memref<320x128xf32, #tpu.memory_space<vmem>>, vector<16xf32>,
        %mul3A_851 = vector.broadcast %squeeze3A_837 : f32 to vector<16xf32>
        %mul3A_852 = arith.mulf %mul3A_851, %get3A_850 : vector<16xf32>
        %add3A_853 = arith.addf %add3A_787, %mul3A_852 : vector<16xf32>
        %add3A_854 = arith.constant 2 : i32
        %add3A_855 = arith.addi %add3A_711, %add3A_854 : i32
        %get3A_856 = arith.index_cast %add3A_855 : i32 to index
        %get3A_857 = arith.constant 32 : index
        %get3A_858 = tpu.vector_load %arg8[%get3A_856, %get3A_857] {strides = array<i32>} : memref<320x128xf32, #tpu.memory_space<vmem>>, vector<16xf32>,
        %mul3A_859 = vector.broadcast %squeeze3A_837 : f32 to vector<16xf32>
        %mul3A_860 = arith.mulf %mul3A_859, %get3A_858 : vector<16xf32>
        %add3A_861 = arith.addf %add3A_795, %mul3A_860 : vector<16xf32>
        %add3A_862 = arith.constant 2 : i32
        %add3A_863 = arith.addi %add3A_711, %add3A_862 : i32
        %get3A_864 = arith.index_cast %add3A_863 : i32 to index
        %get3A_865 = arith.constant 48 : index
        %get3A_866 = tpu.vector_load %arg8[%get3A_864, %get3A_865] {strides = array<i32>} : memref<320x128xf32, #tpu.memory_space<vmem>>, vector<16xf32>,
        %mul3A_867 = vector.broadcast %squeeze3A_837 : f32 to vector<16xf32>
        %mul3A_868 = arith.mulf %mul3A_867, %get3A_866 : vector<16xf32>
        %add3A_869 = arith.addf %add3A_803, %mul3A_868 : vector<16xf32>
        %add3A_870 = arith.constant 2 : i32
        %add3A_871 = arith.addi %add3A_711, %add3A_870 : i32
        %get3A_872 = arith.index_cast %add3A_871 : i32 to index
        %get3A_873 = arith.constant 64 : index
        %get3A_874 = tpu.vector_load %arg8[%get3A_872, %get3A_873] {strides = array<i32>} : memref<320x128xf32, #tpu.memory_space<vmem>>, vector<16xf32>,
        %mul3A_875 = vector.broadcast %squeeze3A_837 : f32 to vector<16xf32>
        %mul3A_876 = arith.mulf %mul3A_875, %get3A_874 : vector<16xf32>
        %add3A_877 = arith.addf %add3A_811, %mul3A_876 : vector<16xf32>
        %add3A_878 = arith.constant 2 : i32
        %add3A_879 = arith.addi %add3A_711, %add3A_878 : i32
        %get3A_880 = arith.index_cast %add3A_879 : i32 to index
        %get3A_881 = arith.constant 80 : index
        %get3A_882 = tpu.vector_load %arg8[%get3A_880, %get3A_881] {strides = array<i32>} : memref<320x128xf32, #tpu.memory_space<vmem>>, vector<16xf32>,
        %mul3A_883 = vector.broadcast %squeeze3A_837 : f32 to vector<16xf32>
        %mul3A_884 = arith.mulf %mul3A_883, %get3A_882 : vector<16xf32>
        %add3A_885 = arith.addf %add3A_819, %mul3A_884 : vector<16xf32>
        %add3A_886 = arith.constant 2 : i32
        %add3A_887 = arith.addi %add3A_711, %add3A_886 : i32
        %get3A_888 = arith.index_cast %add3A_887 : i32 to index
        %get3A_889 = arith.constant 96 : index
        %get3A_890 = tpu.vector_load %arg8[%get3A_888, %get3A_889] {strides = array<i32>} : memref<320x128xf32, #tpu.memory_space<vmem>>, vector<16xf32>,
        %mul3A_891 = vector.broadcast %squeeze3A_837 : f32 to vector<16xf32>
        %mul3A_892 = arith.mulf %mul3A_891, %get3A_890 : vector<16xf32>
        %add3A_893 = arith.addf %add3A_827, %mul3A_892 : vector<16xf32>
        %add3A_894 = arith.constant 2 : i32
        %add3A_895 = arith.addi %add3A_711, %add3A_894 : i32
        %get3A_896 = arith.index_cast %add3A_895 : i32 to index
        %get3A_897 = arith.constant 112 : index
        %get3A_898 = tpu.vector_load %arg8[%get3A_896, %get3A_897] {strides = array<i32>} : memref<320x128xf32, #tpu.memory_space<vmem>>, vector<16xf32>,
        %mul3A_899 = vector.broadcast %squeeze3A_837 : f32 to vector<16xf32>
        %mul3A_900 = arith.mulf %mul3A_899, %get3A_898 : vector<16xf32>
        %add3A_901 = arith.addf %add3A_835, %mul3A_900 : vector<16xf32>
        %slice3A_902 = vector.extract_strided_slice %get3A_707 {offsets = [3], sizes = [1], strides = [1]} : vector<16xf32> to vector<1xf32>
        %squeeze3A_903 = vector.extract %slice3A_902[0] : f32 from vector<1xf32>
        %add3A_904 = arith.constant 3 : i32
        %add3A_905 = arith.addi %add3A_711, %add3A_904 : i32
        %get3A_906 = arith.index_cast %add3A_905 : i32 to index
        %get3A_907 = arith.constant 0 : index
        %get3A_908 = tpu.vector_load %arg8[%get3A_906, %get3A_907] {strides = array<i32>} : memref<320x128xf32, #tpu.memory_space<vmem>>, vector<16xf32>,
        %mul3A_909 = vector.broadcast %squeeze3A_903 : f32 to vector<16xf32>
        %mul3A_910 = arith.mulf %mul3A_909, %get3A_908 : vector<16xf32>
        %add3A_911 = arith.addf %add3A_845, %mul3A_910 : vector<16xf32>
        %add3A_912 = arith.constant 3 : i32
        %add3A_913 = arith.addi %add3A_711, %add3A_912 : i32
        %get3A_914 = arith.index_cast %add3A_913 : i32 to index
        %get3A_915 = arith.constant 16 : index
        %get3A_916 = tpu.vector_load %arg8[%get3A_914, %get3A_915] {strides = array<i32>} : memref<320x128xf32, #tpu.memory_space<vmem>>, vector<16xf32>,
        %mul3A_917 = vector.broadcast %squeeze3A_903 : f32 to vector<16xf32>
        %mul3A_918 = arith.mulf %mul3A_917, %get3A_916 : vector<16xf32>
        %add3A_919 = arith.addf %add3A_853, %mul3A_918 : vector<16xf32>
        %add3A_920 = arith.constant 3 : i32
        %add3A_921 = arith.addi %add3A_711, %add3A_920 : i32
        %get3A_922 = arith.index_cast %add3A_921 : i32 to index
        %get3A_923 = arith.constant 32 : index
        %get3A_924 = tpu.vector_load %arg8[%get3A_922, %get3A_923] {strides = array<i32>} : memref<320x128xf32, #tpu.memory_space<vmem>>, vector<16xf32>,
        %mul3A_925 = vector.broadcast %squeeze3A_903 : f32 to vector<16xf32>
        %mul3A_926 = arith.mulf %mul3A_925, %get3A_924 : vector<16xf32>
        %add3A_927 = arith.addf %add3A_861, %mul3A_926 : vector<16xf32>
        %add3A_928 = arith.constant 3 : i32
        %add3A_929 = arith.addi %add3A_711, %add3A_928 : i32
        %get3A_930 = arith.index_cast %add3A_929 : i32 to index
        %get3A_931 = arith.constant 48 : index
        %get3A_932 = tpu.vector_load %arg8[%get3A_930, %get3A_931] {strides = array<i32>} : memref<320x128xf32, #tpu.memory_space<vmem>>, vector<16xf32>,
        %mul3A_933 = vector.broadcast %squeeze3A_903 : f32 to vector<16xf32>
        %mul3A_934 = arith.mulf %mul3A_933, %get3A_932 : vector<16xf32>
        %add3A_935 = arith.addf %add3A_869, %mul3A_934 : vector<16xf32>
        %add3A_936 = arith.constant 3 : i32
        %add3A_937 = arith.addi %add3A_711, %add3A_936 : i32
        %get3A_938 = arith.index_cast %add3A_937 : i32 to index
        %get3A_939 = arith.constant 64 : index
        %get3A_940 = tpu.vector_load %arg8[%get3A_938, %get3A_939] {strides = array<i32>} : memref<320x128xf32, #tpu.memory_space<vmem>>, vector<16xf32>,
        %mul3A_941 = vector.broadcast %squeeze3A_903 : f32 to vector<16xf32>
        %mul3A_942 = arith.mulf %mul3A_941, %get3A_940 : vector<16xf32>
        %add3A_943 = arith.addf %add3A_877, %mul3A_942 : vector<16xf32>
        %add3A_944 = arith.constant 3 : i32
        %add3A_945 = arith.addi %add3A_711, %add3A_944 : i32
        %get3A_946 = arith.index_cast %add3A_945 : i32 to index
        %get3A_947 = arith.constant 80 : index
        %get3A_948 = tpu.vector_load %arg8[%get3A_946, %get3A_947] {strides = array<i32>} : memref<320x128xf32, #tpu.memory_space<vmem>>, vector<16xf32>,
        %mul3A_949 = vector.broadcast %squeeze3A_903 : f32 to vector<16xf32>
        %mul3A_950 = arith.mulf %mul3A_949, %get3A_948 : vector<16xf32>
        %add3A_951 = arith.addf %add3A_885, %mul3A_950 : vector<16xf32>
        %add3A_952 = arith.constant 3 : i32
        %add3A_953 = arith.addi %add3A_711, %add3A_952 : i32
        %get3A_954 = arith.index_cast %add3A_953 : i32 to index
        %get3A_955 = arith.constant 96 : index
        %get3A_956 = tpu.vector_load %arg8[%get3A_954, %get3A_955] {strides = array<i32>} : memref<320x128xf32, #tpu.memory_space<vmem>>, vector<16xf32>,
        %mul3A_957 = vector.broadcast %squeeze3A_903 : f32 to vector<16xf32>
        %mul3A_958 = arith.mulf %mul3A_957, %get3A_956 : vector<16xf32>
        %add3A_959 = arith.addf %add3A_893, %mul3A_958 : vector<16xf32>
        %add3A_960 = arith.constant 3 : i32
        %add3A_961 = arith.addi %add3A_711, %add3A_960 : i32
        %get3A_962 = arith.index_cast %add3A_961 : i32 to index
        %get3A_963 = arith.constant 112 : index
        %get3A_964 = tpu.vector_load %arg8[%get3A_962, %get3A_963] {strides = array<i32>} : memref<320x128xf32, #tpu.memory_space<vmem>>, vector<16xf32>,
        %mul3A_965 = vector.broadcast %squeeze3A_903 : f32 to vector<16xf32>
        %mul3A_966 = arith.mulf %mul3A_965, %get3A_964 : vector<16xf32>
        %add3A_967 = arith.addf %add3A_901, %mul3A_966 : vector<16xf32>
        %slice3A_968 = vector.extract_strided_slice %get3A_707 {offsets = [4], sizes = [1], strides = [1]} : vector<16xf32> to vector<1xf32>
        %squeeze3A_969 = vector.extract %slice3A_968[0] : f32 from vector<1xf32>
        %add3A_970 = arith.constant 4 : i32
        %add3A_971 = arith.addi %add3A_711, %add3A_970 : i32
        %get3A_972 = arith.index_cast %add3A_971 : i32 to index
        %get3A_973 = arith.constant 0 : index
        %get3A_974 = tpu.vector_load %arg8[%get3A_972, %get3A_973] {strides = array<i32>} : memref<320x128xf32, #tpu.memory_space<vmem>>, vector<16xf32>,
        %mul3A_975 = vector.broadcast %squeeze3A_969 : f32 to vector<16xf32>
        %mul3A_976 = arith.mulf %mul3A_975, %get3A_974 : vector<16xf32>
        %add3A_977 = arith.addf %add3A_911, %mul3A_976 : vector<16xf32>
        %add3A_978 = arith.constant 4 : i32
        %add3A_979 = arith.addi %add3A_711, %add3A_978 : i32
        %get3A_980 = arith.index_cast %add3A_979 : i32 to index
        %get3A_981 = arith.constant 16 : index
        %get3A_982 = tpu.vector_load %arg8[%get3A_980, %get3A_981] {strides = array<i32>} : memref<320x128xf32, #tpu.memory_space<vmem>>, vector<16xf32>,
        %mul3A_983 = vector.broadcast %squeeze3A_969 : f32 to vector<16xf32>
        %mul3A_984 = arith.mulf %mul3A_983, %get3A_982 : vector<16xf32>
        %add3A_985 = arith.addf %add3A_919, %mul3A_984 : vector<16xf32>
        %add3A_986 = arith.constant 4 : i32
        %add3A_987 = arith.addi %add3A_711, %add3A_986 : i32
        %get3A_988 = arith.index_cast %add3A_987 : i32 to index
        %get3A_989 = arith.constant 32 : index
        %get3A_990 = tpu.vector_load %arg8[%get3A_988, %get3A_989] {strides = array<i32>} : memref<320x128xf32, #tpu.memory_space<vmem>>, vector<16xf32>,
        %mul3A_991 = vector.broadcast %squeeze3A_969 : f32 to vector<16xf32>
        %mul3A_992 = arith.mulf %mul3A_991, %get3A_990 : vector<16xf32>
        %add3A_993 = arith.addf %add3A_927, %mul3A_992 : vector<16xf32>
        %add3A_994 = arith.constant 4 : i32
        %add3A_995 = arith.addi %add3A_711, %add3A_994 : i32
        %get3A_996 = arith.index_cast %add3A_995 : i32 to index
        %get3A_997 = arith.constant 48 : index
        %get3A_998 = tpu.vector_load %arg8[%get3A_996, %get3A_997] {strides = array<i32>} : memref<320x128xf32, #tpu.memory_space<vmem>>, vector<16xf32>,
        %mul3A_999 = vector.broadcast %squeeze3A_969 : f32 to vector<16xf32>
        %mul3A_1000 = arith.mulf %mul3A_999, %get3A_998 : vector<16xf32>
        %add3A_1001 = arith.addf %add3A_935, %mul3A_1000 : vector<16xf32>
        %add3A_1002 = arith.constant 4 : i32
        %add3A_1003 = arith.addi %add3A_711, %add3A_1002 : i32
        %get3A_1004 = arith.index_cast %add3A_1003 : i32 to index
        %get3A_1005 = arith.constant 64 : index
        %get3A_1006 = tpu.vector_load %arg8[%get3A_1004, %get3A_1005] {strides = array<i32>} : memref<320x128xf32, #tpu.memory_space<vmem>>, vector<16xf32>,
        %mul3A_1007 = vector.broadcast %squeeze3A_969 : f32 to vector<16xf32>
        %mul3A_1008 = arith.mulf %mul3A_1007, %get3A_1006 : vector<16xf32>
        %add3A_1009 = arith.addf %add3A_943, %mul3A_1008 : vector<16xf32>
        %add3A_1010 = arith.constant 4 : i32
        %add3A_1011 = arith.addi %add3A_711, %add3A_1010 : i32
        %get3A_1012 = arith.index_cast %add3A_1011 : i32 to index
        %get3A_1013 = arith.constant 80 : index
        %get3A_1014 = tpu.vector_load %arg8[%get3A_1012, %get3A_1013] {strides = array<i32>} : memref<320x128xf32, #tpu.memory_space<vmem>>, vector<16xf32>,
        %mul3A_1015 = vector.broadcast %squeeze3A_969 : f32 to vector<16xf32>
        %mul3A_1016 = arith.mulf %mul3A_1015, %get3A_1014 : vector<16xf32>
        %add3A_1017 = arith.addf %add3A_951, %mul3A_1016 : vector<16xf32>
        %add3A_1018 = arith.constant 4 : i32
        %add3A_1019 = arith.addi %add3A_711, %add3A_1018 : i32
        %get3A_1020 = arith.index_cast %add3A_1019 : i32 to index
        %get3A_1021 = arith.constant 96 : index
        %get3A_1022 = tpu.vector_load %arg8[%get3A_1020, %get3A_1021] {strides = array<i32>} : memref<320x128xf32, #tpu.memory_space<vmem>>, vector<16xf32>,
        %mul3A_1023 = vector.broadcast %squeeze3A_969 : f32 to vector<16xf32>
        %mul3A_1024 = arith.mulf %mul3A_1023, %get3A_1022 : vector<16xf32>
        %add3A_1025 = arith.addf %add3A_959, %mul3A_1024 : vector<16xf32>
        %add3A_1026 = arith.constant 4 : i32
        %add3A_1027 = arith.addi %add3A_711, %add3A_1026 : i32
        %get3A_1028 = arith.index_cast %add3A_1027 : i32 to index
        %get3A_1029 = arith.constant 112 : index
        %get3A_1030 = tpu.vector_load %arg8[%get3A_1028, %get3A_1029] {strides = array<i32>} : memref<320x128xf32, #tpu.memory_space<vmem>>, vector<16xf32>,
        %mul3A_1031 = vector.broadcast %squeeze3A_969 : f32 to vector<16xf32>
        %mul3A_1032 = arith.mulf %mul3A_1031, %get3A_1030 : vector<16xf32>
        %add3A_1033 = arith.addf %add3A_967, %mul3A_1032 : vector<16xf32>
        %slice3A_1034 = vector.extract_strided_slice %get3A_707 {offsets = [5], sizes = [1], strides = [1]} : vector<16xf32> to vector<1xf32>
        %squeeze3A_1035 = vector.extract %slice3A_1034[0] : f32 from vector<1xf32>
        %add3A_1036 = arith.constant 5 : i32
        %add3A_1037 = arith.addi %add3A_711, %add3A_1036 : i32
        %get3A_1038 = arith.index_cast %add3A_1037 : i32 to index
        %get3A_1039 = arith.constant 0 : index
        %get3A_1040 = tpu.vector_load %arg8[%get3A_1038, %get3A_1039] {strides = array<i32>} : memref<320x128xf32, #tpu.memory_space<vmem>>, vector<16xf32>,
        %mul3A_1041 = vector.broadcast %squeeze3A_1035 : f32 to vector<16xf32>
        %mul3A_1042 = arith.mulf %mul3A_1041, %get3A_1040 : vector<16xf32>
        %add3A_1043 = arith.addf %add3A_977, %mul3A_1042 : vector<16xf32>
        %add3A_1044 = arith.constant 5 : i32
        %add3A_1045 = arith.addi %add3A_711, %add3A_1044 : i32
        %get3A_1046 = arith.index_cast %add3A_1045 : i32 to index
        %get3A_1047 = arith.constant 16 : index
        %get3A_1048 = tpu.vector_load %arg8[%get3A_1046, %get3A_1047] {strides = array<i32>} : memref<320x128xf32, #tpu.memory_space<vmem>>, vector<16xf32>,
        %mul3A_1049 = vector.broadcast %squeeze3A_1035 : f32 to vector<16xf32>
        %mul3A_1050 = arith.mulf %mul3A_1049, %get3A_1048 : vector<16xf32>
        %add3A_1051 = arith.addf %add3A_985, %mul3A_1050 : vector<16xf32>
        %add3A_1052 = arith.constant 5 : i32
        %add3A_1053 = arith.addi %add3A_711, %add3A_1052 : i32
        %get3A_1054 = arith.index_cast %add3A_1053 : i32 to index
        %get3A_1055 = arith.constant 32 : index
        %get3A_1056 = tpu.vector_load %arg8[%get3A_1054, %get3A_1055] {strides = array<i32>} : memref<320x128xf32, #tpu.memory_space<vmem>>, vector<16xf32>,
        %mul3A_1057 = vector.broadcast %squeeze3A_1035 : f32 to vector<16xf32>
        %mul3A_1058 = arith.mulf %mul3A_1057, %get3A_1056 : vector<16xf32>
        %add3A_1059 = arith.addf %add3A_993, %mul3A_1058 : vector<16xf32>
        %add3A_1060 = arith.constant 5 : i32
        %add3A_1061 = arith.addi %add3A_711, %add3A_1060 : i32
        %get3A_1062 = arith.index_cast %add3A_1061 : i32 to index
        %get3A_1063 = arith.constant 48 : index
        %get3A_1064 = tpu.vector_load %arg8[%get3A_1062, %get3A_1063] {strides = array<i32>} : memref<320x128xf32, #tpu.memory_space<vmem>>, vector<16xf32>,
        %mul3A_1065 = vector.broadcast %squeeze3A_1035 : f32 to vector<16xf32>
        %mul3A_1066 = arith.mulf %mul3A_1065, %get3A_1064 : vector<16xf32>
        %add3A_1067 = arith.addf %add3A_1001, %mul3A_1066 : vector<16xf32>
        %add3A_1068 = arith.constant 5 : i32
        %add3A_1069 = arith.addi %add3A_711, %add3A_1068 : i32
        %get3A_1070 = arith.index_cast %add3A_1069 : i32 to index
        %get3A_1071 = arith.constant 64 : index
        %get3A_1072 = tpu.vector_load %arg8[%get3A_1070, %get3A_1071] {strides = array<i32>} : memref<320x128xf32, #tpu.memory_space<vmem>>, vector<16xf32>,
        %mul3A_1073 = vector.broadcast %squeeze3A_1035 : f32 to vector<16xf32>
        %mul3A_1074 = arith.mulf %mul3A_1073, %get3A_1072 : vector<16xf32>
        %add3A_1075 = arith.addf %add3A_1009, %mul3A_1074 : vector<16xf32>
        %add3A_1076 = arith.constant 5 : i32
        %add3A_1077 = arith.addi %add3A_711, %add3A_1076 : i32
        %get3A_1078 = arith.index_cast %add3A_1077 : i32 to index
        %get3A_1079 = arith.constant 80 : index
        %get3A_1080 = tpu.vector_load %arg8[%get3A_1078, %get3A_1079] {strides = array<i32>} : memref<320x128xf32, #tpu.memory_space<vmem>>, vector<16xf32>,
        %mul3A_1081 = vector.broadcast %squeeze3A_1035 : f32 to vector<16xf32>
        %mul3A_1082 = arith.mulf %mul3A_1081, %get3A_1080 : vector<16xf32>
        %add3A_1083 = arith.addf %add3A_1017, %mul3A_1082 : vector<16xf32>
        %add3A_1084 = arith.constant 5 : i32
        %add3A_1085 = arith.addi %add3A_711, %add3A_1084 : i32
        %get3A_1086 = arith.index_cast %add3A_1085 : i32 to index
        %get3A_1087 = arith.constant 96 : index
        %get3A_1088 = tpu.vector_load %arg8[%get3A_1086, %get3A_1087] {strides = array<i32>} : memref<320x128xf32, #tpu.memory_space<vmem>>, vector<16xf32>,
        %mul3A_1089 = vector.broadcast %squeeze3A_1035 : f32 to vector<16xf32>
        %mul3A_1090 = arith.mulf %mul3A_1089, %get3A_1088 : vector<16xf32>
        %add3A_1091 = arith.addf %add3A_1025, %mul3A_1090 : vector<16xf32>
        %add3A_1092 = arith.constant 5 : i32
        %add3A_1093 = arith.addi %add3A_711, %add3A_1092 : i32
        %get3A_1094 = arith.index_cast %add3A_1093 : i32 to index
        %get3A_1095 = arith.constant 112 : index
        %get3A_1096 = tpu.vector_load %arg8[%get3A_1094, %get3A_1095] {strides = array<i32>} : memref<320x128xf32, #tpu.memory_space<vmem>>, vector<16xf32>,
        %mul3A_1097 = vector.broadcast %squeeze3A_1035 : f32 to vector<16xf32>
        %mul3A_1098 = arith.mulf %mul3A_1097, %get3A_1096 : vector<16xf32>
        %add3A_1099 = arith.addf %add3A_1033, %mul3A_1098 : vector<16xf32>
        %slice3A_1100 = vector.extract_strided_slice %get3A_707 {offsets = [6], sizes = [1], strides = [1]} : vector<16xf32> to vector<1xf32>
        %squeeze3A_1101 = vector.extract %slice3A_1100[0] : f32 from vector<1xf32>
        %add3A_1102 = arith.constant 6 : i32
        %add3A_1103 = arith.addi %add3A_711, %add3A_1102 : i32
        %get3A_1104 = arith.index_cast %add3A_1103 : i32 to index
        %get3A_1105 = arith.constant 0 : index
        %get3A_1106 = tpu.vector_load %arg8[%get3A_1104, %get3A_1105] {strides = array<i32>} : memref<320x128xf32, #tpu.memory_space<vmem>>, vector<16xf32>,
        %mul3A_1107 = vector.broadcast %squeeze3A_1101 : f32 to vector<16xf32>
        %mul3A_1108 = arith.mulf %mul3A_1107, %get3A_1106 : vector<16xf32>
        %add3A_1109 = arith.addf %add3A_1043, %mul3A_1108 : vector<16xf32>
        %add3A_1110 = arith.constant 6 : i32
        %add3A_1111 = arith.addi %add3A_711, %add3A_1110 : i32
        %get3A_1112 = arith.index_cast %add3A_1111 : i32 to index
        %get3A_1113 = arith.constant 16 : index
        %get3A_1114 = tpu.vector_load %arg8[%get3A_1112, %get3A_1113] {strides = array<i32>} : memref<320x128xf32, #tpu.memory_space<vmem>>, vector<16xf32>,
        %mul3A_1115 = vector.broadcast %squeeze3A_1101 : f32 to vector<16xf32>
        %mul3A_1116 = arith.mulf %mul3A_1115, %get3A_1114 : vector<16xf32>
        %add3A_1117 = arith.addf %add3A_1051, %mul3A_1116 : vector<16xf32>
        %add3A_1118 = arith.constant 6 : i32
        %add3A_1119 = arith.addi %add3A_711, %add3A_1118 : i32
        %get3A_1120 = arith.index_cast %add3A_1119 : i32 to index
        %get3A_1121 = arith.constant 32 : index
        %get3A_1122 = tpu.vector_load %arg8[%get3A_1120, %get3A_1121] {strides = array<i32>} : memref<320x128xf32, #tpu.memory_space<vmem>>, vector<16xf32>,
        %mul3A_1123 = vector.broadcast %squeeze3A_1101 : f32 to vector<16xf32>
        %mul3A_1124 = arith.mulf %mul3A_1123, %get3A_1122 : vector<16xf32>
        %add3A_1125 = arith.addf %add3A_1059, %mul3A_1124 : vector<16xf32>
        %add3A_1126 = arith.constant 6 : i32
        %add3A_1127 = arith.addi %add3A_711, %add3A_1126 : i32
        %get3A_1128 = arith.index_cast %add3A_1127 : i32 to index
        %get3A_1129 = arith.constant 48 : index
        %get3A_1130 = tpu.vector_load %arg8[%get3A_1128, %get3A_1129] {strides = array<i32>} : memref<320x128xf32, #tpu.memory_space<vmem>>, vector<16xf32>,
        %mul3A_1131 = vector.broadcast %squeeze3A_1101 : f32 to vector<16xf32>
        %mul3A_1132 = arith.mulf %mul3A_1131, %get3A_1130 : vector<16xf32>
        %add3A_1133 = arith.addf %add3A_1067, %mul3A_1132 : vector<16xf32>
        %add3A_1134 = arith.constant 6 : i32
        %add3A_1135 = arith.addi %add3A_711, %add3A_1134 : i32
        %get3A_1136 = arith.index_cast %add3A_1135 : i32 to index
        %get3A_1137 = arith.constant 64 : index
        %get3A_1138 = tpu.vector_load %arg8[%get3A_1136, %get3A_1137] {strides = array<i32>} : memref<320x128xf32, #tpu.memory_space<vmem>>, vector<16xf32>,
        %mul3A_1139 = vector.broadcast %squeeze3A_1101 : f32 to vector<16xf32>
        %mul3A_1140 = arith.mulf %mul3A_1139, %get3A_1138 : vector<16xf32>
        %add3A_1141 = arith.addf %add3A_1075, %mul3A_1140 : vector<16xf32>
        %add3A_1142 = arith.constant 6 : i32
        %add3A_1143 = arith.addi %add3A_711, %add3A_1142 : i32
        %get3A_1144 = arith.index_cast %add3A_1143 : i32 to index
        %get3A_1145 = arith.constant 80 : index
        %get3A_1146 = tpu.vector_load %arg8[%get3A_1144, %get3A_1145] {strides = array<i32>} : memref<320x128xf32, #tpu.memory_space<vmem>>, vector<16xf32>,
        %mul3A_1147 = vector.broadcast %squeeze3A_1101 : f32 to vector<16xf32>
        %mul3A_1148 = arith.mulf %mul3A_1147, %get3A_1146 : vector<16xf32>
        %add3A_1149 = arith.addf %add3A_1083, %mul3A_1148 : vector<16xf32>
        %add3A_1150 = arith.constant 6 : i32
        %add3A_1151 = arith.addi %add3A_711, %add3A_1150 : i32
        %get3A_1152 = arith.index_cast %add3A_1151 : i32 to index
        %get3A_1153 = arith.constant 96 : index
        %get3A_1154 = tpu.vector_load %arg8[%get3A_1152, %get3A_1153] {strides = array<i32>} : memref<320x128xf32, #tpu.memory_space<vmem>>, vector<16xf32>,
        %mul3A_1155 = vector.broadcast %squeeze3A_1101 : f32 to vector<16xf32>
        %mul3A_1156 = arith.mulf %mul3A_1155, %get3A_1154 : vector<16xf32>
        %add3A_1157 = arith.addf %add3A_1091, %mul3A_1156 : vector<16xf32>
        %add3A_1158 = arith.constant 6 : i32
        %add3A_1159 = arith.addi %add3A_711, %add3A_1158 : i32
        %get3A_1160 = arith.index_cast %add3A_1159 : i32 to index
        %get3A_1161 = arith.constant 112 : index
        %get3A_1162 = tpu.vector_load %arg8[%get3A_1160, %get3A_1161] {strides = array<i32>} : memref<320x128xf32, #tpu.memory_space<vmem>>, vector<16xf32>,
        %mul3A_1163 = vector.broadcast %squeeze3A_1101 : f32 to vector<16xf32>
        %mul3A_1164 = arith.mulf %mul3A_1163, %get3A_1162 : vector<16xf32>
        %add3A_1165 = arith.addf %add3A_1099, %mul3A_1164 : vector<16xf32>
        %slice3A_1166 = vector.extract_strided_slice %get3A_707 {offsets = [7], sizes = [1], strides = [1]} : vector<16xf32> to vector<1xf32>
        %squeeze3A_1167 = vector.extract %slice3A_1166[0] : f32 from vector<1xf32>
        %add3A_1168 = arith.constant 7 : i32
        %add3A_1169 = arith.addi %add3A_711, %add3A_1168 : i32
        %get3A_1170 = arith.index_cast %add3A_1169 : i32 to index
        %get3A_1171 = arith.constant 0 : index
        %get3A_1172 = tpu.vector_load %arg8[%get3A_1170, %get3A_1171] {strides = array<i32>} : memref<320x128xf32, #tpu.memory_space<vmem>>, vector<16xf32>,
        %mul3A_1173 = vector.broadcast %squeeze3A_1167 : f32 to vector<16xf32>
        %mul3A_1174 = arith.mulf %mul3A_1173, %get3A_1172 : vector<16xf32>
        %add3A_1175 = arith.addf %add3A_1109, %mul3A_1174 : vector<16xf32>
        %add3A_1176 = arith.constant 7 : i32
        %add3A_1177 = arith.addi %add3A_711, %add3A_1176 : i32
        %get3A_1178 = arith.index_cast %add3A_1177 : i32 to index
        %get3A_1179 = arith.constant 16 : index
        %get3A_1180 = tpu.vector_load %arg8[%get3A_1178, %get3A_1179] {strides = array<i32>} : memref<320x128xf32, #tpu.memory_space<vmem>>, vector<16xf32>,
        %mul3A_1181 = vector.broadcast %squeeze3A_1167 : f32 to vector<16xf32>
        %mul3A_1182 = arith.mulf %mul3A_1181, %get3A_1180 : vector<16xf32>
        %add3A_1183 = arith.addf %add3A_1117, %mul3A_1182 : vector<16xf32>
        %add3A_1184 = arith.constant 7 : i32
        %add3A_1185 = arith.addi %add3A_711, %add3A_1184 : i32
        %get3A_1186 = arith.index_cast %add3A_1185 : i32 to index
        %get3A_1187 = arith.constant 32 : index
        %get3A_1188 = tpu.vector_load %arg8[%get3A_1186, %get3A_1187] {strides = array<i32>} : memref<320x128xf32, #tpu.memory_space<vmem>>, vector<16xf32>,
        %mul3A_1189 = vector.broadcast %squeeze3A_1167 : f32 to vector<16xf32>
        %mul3A_1190 = arith.mulf %mul3A_1189, %get3A_1188 : vector<16xf32>
        %add3A_1191 = arith.addf %add3A_1125, %mul3A_1190 : vector<16xf32>
        %add3A_1192 = arith.constant 7 : i32
        %add3A_1193 = arith.addi %add3A_711, %add3A_1192 : i32
        %get3A_1194 = arith.index_cast %add3A_1193 : i32 to index
        %get3A_1195 = arith.constant 48 : index
        %get3A_1196 = tpu.vector_load %arg8[%get3A_1194, %get3A_1195] {strides = array<i32>} : memref<320x128xf32, #tpu.memory_space<vmem>>, vector<16xf32>,
        %mul3A_1197 = vector.broadcast %squeeze3A_1167 : f32 to vector<16xf32>
        %mul3A_1198 = arith.mulf %mul3A_1197, %get3A_1196 : vector<16xf32>
        %add3A_1199 = arith.addf %add3A_1133, %mul3A_1198 : vector<16xf32>
        %add3A_1200 = arith.constant 7 : i32
        %add3A_1201 = arith.addi %add3A_711, %add3A_1200 : i32
        %get3A_1202 = arith.index_cast %add3A_1201 : i32 to index
        %get3A_1203 = arith.constant 64 : index
        %get3A_1204 = tpu.vector_load %arg8[%get3A_1202, %get3A_1203] {strides = array<i32>} : memref<320x128xf32, #tpu.memory_space<vmem>>, vector<16xf32>,
        %mul3A_1205 = vector.broadcast %squeeze3A_1167 : f32 to vector<16xf32>
        %mul3A_1206 = arith.mulf %mul3A_1205, %get3A_1204 : vector<16xf32>
        %add3A_1207 = arith.addf %add3A_1141, %mul3A_1206 : vector<16xf32>
        %add3A_1208 = arith.constant 7 : i32
        %add3A_1209 = arith.addi %add3A_711, %add3A_1208 : i32
        %get3A_1210 = arith.index_cast %add3A_1209 : i32 to index
        %get3A_1211 = arith.constant 80 : index
        %get3A_1212 = tpu.vector_load %arg8[%get3A_1210, %get3A_1211] {strides = array<i32>} : memref<320x128xf32, #tpu.memory_space<vmem>>, vector<16xf32>,
        %mul3A_1213 = vector.broadcast %squeeze3A_1167 : f32 to vector<16xf32>
        %mul3A_1214 = arith.mulf %mul3A_1213, %get3A_1212 : vector<16xf32>
        %add3A_1215 = arith.addf %add3A_1149, %mul3A_1214 : vector<16xf32>
        %add3A_1216 = arith.constant 7 : i32
        %add3A_1217 = arith.addi %add3A_711, %add3A_1216 : i32
        %get3A_1218 = arith.index_cast %add3A_1217 : i32 to index
        %get3A_1219 = arith.constant 96 : index
        %get3A_1220 = tpu.vector_load %arg8[%get3A_1218, %get3A_1219] {strides = array<i32>} : memref<320x128xf32, #tpu.memory_space<vmem>>, vector<16xf32>,
        %mul3A_1221 = vector.broadcast %squeeze3A_1167 : f32 to vector<16xf32>
        %mul3A_1222 = arith.mulf %mul3A_1221, %get3A_1220 : vector<16xf32>
        %add3A_1223 = arith.addf %add3A_1157, %mul3A_1222 : vector<16xf32>
        %add3A_1224 = arith.constant 7 : i32
        %add3A_1225 = arith.addi %add3A_711, %add3A_1224 : i32
        %get3A_1226 = arith.index_cast %add3A_1225 : i32 to index
        %get3A_1227 = arith.constant 112 : index
        %get3A_1228 = tpu.vector_load %arg8[%get3A_1226, %get3A_1227] {strides = array<i32>} : memref<320x128xf32, #tpu.memory_space<vmem>>, vector<16xf32>,
        %mul3A_1229 = vector.broadcast %squeeze3A_1167 : f32 to vector<16xf32>
        %mul3A_1230 = arith.mulf %mul3A_1229, %get3A_1228 : vector<16xf32>
        %add3A_1231 = arith.addf %add3A_1165, %mul3A_1230 : vector<16xf32>
        %slice3A_1232 = vector.extract_strided_slice %get3A_707 {offsets = [8], sizes = [1], strides = [1]} : vector<16xf32> to vector<1xf32>
        %squeeze3A_1233 = vector.extract %slice3A_1232[0] : f32 from vector<1xf32>
        %add3A_1234 = arith.constant 8 : i32
        %add3A_1235 = arith.addi %add3A_711, %add3A_1234 : i32
        %get3A_1236 = arith.index_cast %add3A_1235 : i32 to index
        %get3A_1237 = arith.constant 0 : index
        %get3A_1238 = tpu.vector_load %arg8[%get3A_1236, %get3A_1237] {strides = array<i32>} : memref<320x128xf32, #tpu.memory_space<vmem>>, vector<16xf32>,
        %mul3A_1239 = vector.broadcast %squeeze3A_1233 : f32 to vector<16xf32>
        %mul3A_1240 = arith.mulf %mul3A_1239, %get3A_1238 : vector<16xf32>
        %add3A_1241 = arith.addf %add3A_1175, %mul3A_1240 : vector<16xf32>
        %add3A_1242 = arith.constant 8 : i32
        %add3A_1243 = arith.addi %add3A_711, %add3A_1242 : i32
        %get3A_1244 = arith.index_cast %add3A_1243 : i32 to index
        %get3A_1245 = arith.constant 16 : index
        %get3A_1246 = tpu.vector_load %arg8[%get3A_1244, %get3A_1245] {strides = array<i32>} : memref<320x128xf32, #tpu.memory_space<vmem>>, vector<16xf32>,
        %mul3A_1247 = vector.broadcast %squeeze3A_1233 : f32 to vector<16xf32>
        %mul3A_1248 = arith.mulf %mul3A_1247, %get3A_1246 : vector<16xf32>
        %add3A_1249 = arith.addf %add3A_1183, %mul3A_1248 : vector<16xf32>
        %add3A_1250 = arith.constant 8 : i32
        %add3A_1251 = arith.addi %add3A_711, %add3A_1250 : i32
        %get3A_1252 = arith.index_cast %add3A_1251 : i32 to index
        %get3A_1253 = arith.constant 32 : index
        %get3A_1254 = tpu.vector_load %arg8[%get3A_1252, %get3A_1253] {strides = array<i32>} : memref<320x128xf32, #tpu.memory_space<vmem>>, vector<16xf32>,
        %mul3A_1255 = vector.broadcast %squeeze3A_1233 : f32 to vector<16xf32>
        %mul3A_1256 = arith.mulf %mul3A_1255, %get3A_1254 : vector<16xf32>
        %add3A_1257 = arith.addf %add3A_1191, %mul3A_1256 : vector<16xf32>
        %add3A_1258 = arith.constant 8 : i32
        %add3A_1259 = arith.addi %add3A_711, %add3A_1258 : i32
        %get3A_1260 = arith.index_cast %add3A_1259 : i32 to index
        %get3A_1261 = arith.constant 48 : index
        %get3A_1262 = tpu.vector_load %arg8[%get3A_1260, %get3A_1261] {strides = array<i32>} : memref<320x128xf32, #tpu.memory_space<vmem>>, vector<16xf32>,
        %mul3A_1263 = vector.broadcast %squeeze3A_1233 : f32 to vector<16xf32>
        %mul3A_1264 = arith.mulf %mul3A_1263, %get3A_1262 : vector<16xf32>
        %add3A_1265 = arith.addf %add3A_1199, %mul3A_1264 : vector<16xf32>
        %add3A_1266 = arith.constant 8 : i32
        %add3A_1267 = arith.addi %add3A_711, %add3A_1266 : i32
        %get3A_1268 = arith.index_cast %add3A_1267 : i32 to index
        %get3A_1269 = arith.constant 64 : index
        %get3A_1270 = tpu.vector_load %arg8[%get3A_1268, %get3A_1269] {strides = array<i32>} : memref<320x128xf32, #tpu.memory_space<vmem>>, vector<16xf32>,
        %mul3A_1271 = vector.broadcast %squeeze3A_1233 : f32 to vector<16xf32>
        %mul3A_1272 = arith.mulf %mul3A_1271, %get3A_1270 : vector<16xf32>
        %add3A_1273 = arith.addf %add3A_1207, %mul3A_1272 : vector<16xf32>
        %add3A_1274 = arith.constant 8 : i32
        %add3A_1275 = arith.addi %add3A_711, %add3A_1274 : i32
        %get3A_1276 = arith.index_cast %add3A_1275 : i32 to index
        %get3A_1277 = arith.constant 80 : index
        %get3A_1278 = tpu.vector_load %arg8[%get3A_1276, %get3A_1277] {strides = array<i32>} : memref<320x128xf32, #tpu.memory_space<vmem>>, vector<16xf32>,
        %mul3A_1279 = vector.broadcast %squeeze3A_1233 : f32 to vector<16xf32>
        %mul3A_1280 = arith.mulf %mul3A_1279, %get3A_1278 : vector<16xf32>
        %add3A_1281 = arith.addf %add3A_1215, %mul3A_1280 : vector<16xf32>
        %add3A_1282 = arith.constant 8 : i32
        %add3A_1283 = arith.addi %add3A_711, %add3A_1282 : i32
        %get3A_1284 = arith.index_cast %add3A_1283 : i32 to index
        %get3A_1285 = arith.constant 96 : index
        %get3A_1286 = tpu.vector_load %arg8[%get3A_1284, %get3A_1285] {strides = array<i32>} : memref<320x128xf32, #tpu.memory_space<vmem>>, vector<16xf32>,
        %mul3A_1287 = vector.broadcast %squeeze3A_1233 : f32 to vector<16xf32>
        %mul3A_1288 = arith.mulf %mul3A_1287, %get3A_1286 : vector<16xf32>
        %add3A_1289 = arith.addf %add3A_1223, %mul3A_1288 : vector<16xf32>
        %add3A_1290 = arith.constant 8 : i32
        %add3A_1291 = arith.addi %add3A_711, %add3A_1290 : i32
        %get3A_1292 = arith.index_cast %add3A_1291 : i32 to index
        %get3A_1293 = arith.constant 112 : index
        %get3A_1294 = tpu.vector_load %arg8[%get3A_1292, %get3A_1293] {strides = array<i32>} : memref<320x128xf32, #tpu.memory_space<vmem>>, vector<16xf32>,
        %mul3A_1295 = vector.broadcast %squeeze3A_1233 : f32 to vector<16xf32>
        %mul3A_1296 = arith.mulf %mul3A_1295, %get3A_1294 : vector<16xf32>
        %add3A_1297 = arith.addf %add3A_1231, %mul3A_1296 : vector<16xf32>
        %slice3A_1298 = vector.extract_strided_slice %get3A_707 {offsets = [9], sizes = [1], strides = [1]} : vector<16xf32> to vector<1xf32>
        %squeeze3A_1299 = vector.extract %slice3A_1298[0] : f32 from vector<1xf32>
        %add3A_1300 = arith.constant 9 : i32
        %add3A_1301 = arith.addi %add3A_711, %add3A_1300 : i32
        %get3A_1302 = arith.index_cast %add3A_1301 : i32 to index
        %get3A_1303 = arith.constant 0 : index
        %get3A_1304 = tpu.vector_load %arg8[%get3A_1302, %get3A_1303] {strides = array<i32>} : memref<320x128xf32, #tpu.memory_space<vmem>>, vector<16xf32>,
        %mul3A_1305 = vector.broadcast %squeeze3A_1299 : f32 to vector<16xf32>
        %mul3A_1306 = arith.mulf %mul3A_1305, %get3A_1304 : vector<16xf32>
        %add3A_1307 = arith.addf %add3A_1241, %mul3A_1306 : vector<16xf32>
        %add3A_1308 = arith.constant 9 : i32
        %add3A_1309 = arith.addi %add3A_711, %add3A_1308 : i32
        %get3A_1310 = arith.index_cast %add3A_1309 : i32 to index
        %get3A_1311 = arith.constant 16 : index
        %get3A_1312 = tpu.vector_load %arg8[%get3A_1310, %get3A_1311] {strides = array<i32>} : memref<320x128xf32, #tpu.memory_space<vmem>>, vector<16xf32>,
        %mul3A_1313 = vector.broadcast %squeeze3A_1299 : f32 to vector<16xf32>
        %mul3A_1314 = arith.mulf %mul3A_1313, %get3A_1312 : vector<16xf32>
        %add3A_1315 = arith.addf %add3A_1249, %mul3A_1314 : vector<16xf32>
        %add3A_1316 = arith.constant 9 : i32
        %add3A_1317 = arith.addi %add3A_711, %add3A_1316 : i32
        %get3A_1318 = arith.index_cast %add3A_1317 : i32 to index
        %get3A_1319 = arith.constant 32 : index
        %get3A_1320 = tpu.vector_load %arg8[%get3A_1318, %get3A_1319] {strides = array<i32>} : memref<320x128xf32, #tpu.memory_space<vmem>>, vector<16xf32>,
        %mul3A_1321 = vector.broadcast %squeeze3A_1299 : f32 to vector<16xf32>
        %mul3A_1322 = arith.mulf %mul3A_1321, %get3A_1320 : vector<16xf32>
        %add3A_1323 = arith.addf %add3A_1257, %mul3A_1322 : vector<16xf32>
        %add3A_1324 = arith.constant 9 : i32
        %add3A_1325 = arith.addi %add3A_711, %add3A_1324 : i32
        %get3A_1326 = arith.index_cast %add3A_1325 : i32 to index
        %get3A_1327 = arith.constant 48 : index
        %get3A_1328 = tpu.vector_load %arg8[%get3A_1326, %get3A_1327] {strides = array<i32>} : memref<320x128xf32, #tpu.memory_space<vmem>>, vector<16xf32>,
        %mul3A_1329 = vector.broadcast %squeeze3A_1299 : f32 to vector<16xf32>
        %mul3A_1330 = arith.mulf %mul3A_1329, %get3A_1328 : vector<16xf32>
        %add3A_1331 = arith.addf %add3A_1265, %mul3A_1330 : vector<16xf32>
        %add3A_1332 = arith.constant 9 : i32
        %add3A_1333 = arith.addi %add3A_711, %add3A_1332 : i32
        %get3A_1334 = arith.index_cast %add3A_1333 : i32 to index
        %get3A_1335 = arith.constant 64 : index
        %get3A_1336 = tpu.vector_load %arg8[%get3A_1334, %get3A_1335] {strides = array<i32>} : memref<320x128xf32, #tpu.memory_space<vmem>>, vector<16xf32>,
        %mul3A_1337 = vector.broadcast %squeeze3A_1299 : f32 to vector<16xf32>
        %mul3A_1338 = arith.mulf %mul3A_1337, %get3A_1336 : vector<16xf32>
        %add3A_1339 = arith.addf %add3A_1273, %mul3A_1338 : vector<16xf32>
        %add3A_1340 = arith.constant 9 : i32
        %add3A_1341 = arith.addi %add3A_711, %add3A_1340 : i32
        %get3A_1342 = arith.index_cast %add3A_1341 : i32 to index
        %get3A_1343 = arith.constant 80 : index
        %get3A_1344 = tpu.vector_load %arg8[%get3A_1342, %get3A_1343] {strides = array<i32>} : memref<320x128xf32, #tpu.memory_space<vmem>>, vector<16xf32>,
        %mul3A_1345 = vector.broadcast %squeeze3A_1299 : f32 to vector<16xf32>
        %mul3A_1346 = arith.mulf %mul3A_1345, %get3A_1344 : vector<16xf32>
        %add3A_1347 = arith.addf %add3A_1281, %mul3A_1346 : vector<16xf32>
        %add3A_1348 = arith.constant 9 : i32
        %add3A_1349 = arith.addi %add3A_711, %add3A_1348 : i32
        %get3A_1350 = arith.index_cast %add3A_1349 : i32 to index
        %get3A_1351 = arith.constant 96 : index
        %get3A_1352 = tpu.vector_load %arg8[%get3A_1350, %get3A_1351] {strides = array<i32>} : memref<320x128xf32, #tpu.memory_space<vmem>>, vector<16xf32>,
        %mul3A_1353 = vector.broadcast %squeeze3A_1299 : f32 to vector<16xf32>
        %mul3A_1354 = arith.mulf %mul3A_1353, %get3A_1352 : vector<16xf32>
        %add3A_1355 = arith.addf %add3A_1289, %mul3A_1354 : vector<16xf32>
        %add3A_1356 = arith.constant 9 : i32
        %add3A_1357 = arith.addi %add3A_711, %add3A_1356 : i32
        %get3A_1358 = arith.index_cast %add3A_1357 : i32 to index
        %get3A_1359 = arith.constant 112 : index
        %get3A_1360 = tpu.vector_load %arg8[%get3A_1358, %get3A_1359] {strides = array<i32>} : memref<320x128xf32, #tpu.memory_space<vmem>>, vector<16xf32>,
        %mul3A_1361 = vector.broadcast %squeeze3A_1299 : f32 to vector<16xf32>
        %mul3A_1362 = arith.mulf %mul3A_1361, %get3A_1360 : vector<16xf32>
        %add3A_1363 = arith.addf %add3A_1297, %mul3A_1362 : vector<16xf32>
        %add3A_1364 = arith.constant 0 : i32
        %add3A_1365 = arith.addi %add3A_1364, %scan3A_701 : i32
        %swap3A = arith.index_cast %add3A_1365 : i32 to index
        %swap3A_1366 = arith.constant 0 : index
        %swap3A_1367 = tpu.vector_load %arg9[%swap3A, %swap3A_1366] {strides = array<i32>} : memref<32x128xf32, #tpu.memory_space<vmem>>, vector<16xf32>,
        tpu.vector_store %arg9[%swap3A, %swap3A_1366], %add3A_1307 {strides = array<i32>} : memref<32x128xf32, #tpu.memory_space<vmem>>, vector<16xf32>,
        %add3A_1368 = arith.constant 0 : i32
        %add3A_1369 = arith.addi %add3A_1368, %scan3A_701 : i32
        %swap3A_1370 = arith.index_cast %add3A_1369 : i32 to index
        %swap3A_1371 = arith.constant 16 : index
        %swap3A_1372 = tpu.vector_load %arg9[%swap3A_1370, %swap3A_1371] {strides = array<i32>} : memref<32x128xf32, #tpu.memory_space<vmem>>, vector<16xf32>,
        tpu.vector_store %arg9[%swap3A_1370, %swap3A_1371], %add3A_1315 {strides = array<i32>} : memref<32x128xf32, #tpu.memory_space<vmem>>, vector<16xf32>,
        %add3A_1373 = arith.constant 0 : i32
        %add3A_1374 = arith.addi %add3A_1373, %scan3A_701 : i32
        %swap3A_1375 = arith.index_cast %add3A_1374 : i32 to index
        %swap3A_1376 = arith.constant 32 : index
        %swap3A_1377 = tpu.vector_load %arg9[%swap3A_1375, %swap3A_1376] {strides = array<i32>} : memref<32x128xf32, #tpu.memory_space<vmem>>, vector<16xf32>,
        tpu.vector_store %arg9[%swap3A_1375, %swap3A_1376], %add3A_1323 {strides = array<i32>} : memref<32x128xf32, #tpu.memory_space<vmem>>, vector<16xf32>,
        %add3A_1378 = arith.constant 0 : i32
        %add3A_1379 = arith.addi %add3A_1378, %scan3A_701 : i32
        %swap3A_1380 = arith.index_cast %add3A_1379 : i32 to index
        %swap3A_1381 = arith.constant 48 : index
        %swap3A_1382 = tpu.vector_load %arg9[%swap3A_1380, %swap3A_1381] {strides = array<i32>} : memref<32x128xf32, #tpu.memory_space<vmem>>, vector<16xf32>,
        tpu.vector_store %arg9[%swap3A_1380, %swap3A_1381], %add3A_1331 {strides = array<i32>} : memref<32x128xf32, #tpu.memory_space<vmem>>, vector<16xf32>,
        %add3A_1383 = arith.constant 0 : i32
        %add3A_1384 = arith.addi %add3A_1383, %scan3A_701 : i32
        %swap3A_1385 = arith.index_cast %add3A_1384 : i32 to index
        %swap3A_1386 = arith.constant 64 : index
        %swap3A_1387 = tpu.vector_load %arg9[%swap3A_1385, %swap3A_1386] {strides = array<i32>} : memref<32x128xf32, #tpu.memory_space<vmem>>, vector<16xf32>,
        tpu.vector_store %arg9[%swap3A_1385, %swap3A_1386], %add3A_1339 {strides = array<i32>} : memref<32x128xf32, #tpu.memory_space<vmem>>, vector<16xf32>,
        %add3A_1388 = arith.constant 0 : i32
        %add3A_1389 = arith.addi %add3A_1388, %scan3A_701 : i32
        %swap3A_1390 = arith.index_cast %add3A_1389 : i32 to index
        %swap3A_1391 = arith.constant 80 : index
        %swap3A_1392 = tpu.vector_load %arg9[%swap3A_1390, %swap3A_1391] {strides = array<i32>} : memref<32x128xf32, #tpu.memory_space<vmem>>, vector<16xf32>,
        tpu.vector_store %arg9[%swap3A_1390, %swap3A_1391], %add3A_1347 {strides = array<i32>} : memref<32x128xf32, #tpu.memory_space<vmem>>, vector<16xf32>,
        %add3A_1393 = arith.constant 0 : i32
        %add3A_1394 = arith.addi %add3A_1393, %scan3A_701 : i32
        %swap3A_1395 = arith.index_cast %add3A_1394 : i32 to index
        %swap3A_1396 = arith.constant 96 : index
        %swap3A_1397 = tpu.vector_load %arg9[%swap3A_1395, %swap3A_1396] {strides = array<i32>} : memref<32x128xf32, #tpu.memory_space<vmem>>, vector<16xf32>,
        tpu.vector_store %arg9[%swap3A_1395, %swap3A_1396], %add3A_1355 {strides = array<i32>} : memref<32x128xf32, #tpu.memory_space<vmem>>, vector<16xf32>,
        %add3A_1398 = arith.constant 0 : i32
        %add3A_1399 = arith.addi %add3A_1398, %scan3A_701 : i32
        %swap3A_1400 = arith.index_cast %add3A_1399 : i32 to index
        %swap3A_1401 = arith.constant 112 : index
        %swap3A_1402 = tpu.vector_load %arg9[%swap3A_1400, %swap3A_1401] {strides = array<i32>} : memref<32x128xf32, #tpu.memory_space<vmem>>, vector<16xf32>,
        tpu.vector_store %arg9[%swap3A_1400, %swap3A_1401], %add3A_1363 {strides = array<i32>} : memref<32x128xf32, #tpu.memory_space<vmem>>, vector<16xf32>,
      }
      %scan3A_417 = arith.constant 16 : i32
      %mul3A_418 = arith.constant 16 : i32
      %mul3A_419 = arith.muli %min3A_173, %mul3A_418 : i32
      %dma_start3A_420 = arith.constant 0 : i32
      %dma_start3A_421 = arith.constant 0 : i32
      %dma_start3A_422 = tpu.memref_slice %arg9[%dma_start3A_420, %dma_start3A_421] : memref<32x128xf32, #tpu.memory_space<vmem>> -> memref<16x128xf32, #tpu.memory_space<vmem>>
      %dma_start3A_423 = arith.constant 0 : i32
      %dma_start3A_424 = tpu.memref_slice %arg5[%mul3A_419, %dma_start3A_423] : memref<50000x128xf32, #tpu.memory_space<hbm>> -> memref<16x128xf32, #tpu.memory_space<hbm>>
      %dma_start3A_425 = arith.constant 0 : i32
      %dma_start3A_426 = tpu.memref_slice %arg5[%mul3A_419, %dma_start3A_425] : memref<50000x128xf32, #tpu.memory_space<hbm>> -> memref<16x128xf32, #tpu.memory_space<hbm>>
      %dma_start3A_427 = arith.constant 0 : i32
      %dma_start3A_428 = arith.constant 0 : i32
      %dma_start3A_429 = tpu.memref_slice %arg9[%dma_start3A_427, %dma_start3A_428] : memref<32x128xf32, #tpu.memory_space<vmem>> -> memref<16x128xf32, #tpu.memory_space<vmem>>
      tpu.enqueue_dma source(%dma_start3A_429 : memref<16x128xf32, #tpu.memory_space<vmem>>) target(%dma_start3A_426 : memref<16x128xf32, #tpu.memory_space<hbm>>) target_semaphore(%arg13 : memref<!tpu.dma_semaphore, #tpu.memory_space<semaphore_mem>>)
      %lt3A = arith.constant 48 : i32
      %lt3A_430 = arith.cmpi slt, %scan3A_142, %lt3A : i32
      %convert_element_type3A_431 = arith.extui %lt3A_430 : i1 to i32
      %cond3A_432 = arith.constant 0 : i32
      %cond3A_433 = arith.cmpi ne, %convert_element_type3A_431, %cond3A_432 : i32
      scf.if %cond3A_433 {
        %add3A_701 = arith.constant 2 : i32
        %add3A_702 = arith.addi %mul3A_144, %add3A_701 : i32
        %add3A_703 = arith.addi %select_n3A, %add3A_702 : i32
        %min3A_704 = arith.minsi %add3A_703, %sub3A_48 : i32
        %sub3A_705 = arith.subi %min3A_704, %select_n3A : i32
        %mul3A_706 = arith.constant 160 : i32
        %mul3A_707 = arith.muli %sub3A_705, %mul3A_706 : i32
        %add3A_708 = arith.constant 0 : i32
        %add3A_709 = arith.addi %mul3A_707, %add3A_708 : i32
        %mul3A_710 = arith.constant 160 : i32
        %mul3A_711 = arith.muli %sub3A_705, %mul3A_710 : i32
        %add3A_712 = arith.constant 80 : i32
        %add3A_713 = arith.addi %mul3A_711, %add3A_712 : i32
        %dma_start3A_714 = arith.constant 0 : i32
        %dma_start3A_715 = arith.constant 0 : i32
        %dma_start3A_716 = tpu.memref_slice %arg8[%dma_start3A_714, %dma_start3A_715] : memref<320x128xf32, #tpu.memory_space<vmem>> -> memref<80x128xf32, #tpu.memory_space<vmem>>
        %dma_start3A_717 = tpu.memref_slice %arg6[%add3A_709] : memref<15680xi32, #tpu.memory_space<vmem>> -> memref<80xi32, #tpu.memory_space<vmem>>
        %dma_start3A_718 = arith.constant 0 : i32
        %dma_start3A_719 = arith.constant 0 : i32
        %dma_start3A_720 = tpu.memref_slice %arg2[%dma_start3A_718, %dma_start3A_719] : memref<100000x128xf32, #tpu.memory_space<hbm>> -> memref<100000x128xf32, #tpu.memory_space<hbm>>
        tpu.enqueue_indirect_dma source(%dma_start3A_720 : memref<100000x128xf32, #tpu.memory_space<hbm>>) target(%dma_start3A_716 : memref<80x128xf32, #tpu.memory_space<vmem>>) offsets(%dma_start3A_717 : memref<80xi32, #tpu.memory_space<vmem>>) semaphore(%arg11 : memref<!tpu.dma_semaphore, #tpu.memory_space<semaphore_mem>>)
        %dma_start3A_721 = arith.constant 80 : i32
        %dma_start3A_722 = arith.constant 0 : i32
        %dma_start3A_723 = tpu.memref_slice %arg8[%dma_start3A_721, %dma_start3A_722] : memref<320x128xf32, #tpu.memory_space<vmem>> -> memref<80x128xf32, #tpu.memory_space<vmem>>
        %dma_start3A_724 = tpu.memref_slice %arg6[%add3A_713] : memref<15680xi32, #tpu.memory_space<vmem>> -> memref<80xi32, #tpu.memory_space<vmem>>
        %dma_start3A_725 = arith.constant 0 : i32
        %dma_start3A_726 = arith.constant 0 : i32
        %dma_start3A_727 = tpu.memref_slice %arg2[%dma_start3A_725, %dma_start3A_726] : memref<100000x128xf32, #tpu.memory_space<hbm>> -> memref<100000x128xf32, #tpu.memory_space<hbm>>
        tpu.enqueue_indirect_dma source(%dma_start3A_727 : memref<100000x128xf32, #tpu.memory_space<hbm>>) target(%dma_start3A_723 : memref<80x128xf32, #tpu.memory_space<vmem>>) offsets(%dma_start3A_724 : memref<80xi32, #tpu.memory_space<vmem>>) semaphore(%arg11 : memref<!tpu.dma_semaphore, #tpu.memory_space<semaphore_mem>>)
      } else {
      }
      %add3A_434 = arith.constant 1 : i32
      %add3A_435 = arith.addi %mul3A_144, %add3A_434 : i32
      %add3A_436 = arith.addi %select_n3A, %add3A_435 : i32
      %min3A_437 = arith.minsi %add3A_436, %sub3A_48 : i32
      %sub3A_438 = arith.subi %min3A_437, %select_n3A : i32
      %mul3A_439 = arith.constant 160 : i32
      %mul3A_440 = arith.muli %sub3A_438, %mul3A_439 : i32
      %add3A_441 = vector.broadcast %mul3A_440 : i32 to vector<16xi32>
      %add3A_442 = arith.addi %mul3A_72, %add3A_441 : vector<16xi32>
      %add3A_443 = arith.constant 0 : i32
      %add3A_444 = vector.broadcast %add3A_443 : i32 to vector<16xi32>
      %add3A_445 = arith.addi %add3A_442, %add3A_444 : vector<16xi32>
      %gather3A_446 = tpu.vector_load_idx %arg6[%add3A_445] : memref<15680xi32, #tpu.memory_space<vmem>>[vector<16xi32>], vector<16xi32>,
      %add3A_447 = arith.constant 1 : i32
      %add3A_448 = vector.broadcast %add3A_447 : i32 to vector<16xi32>
      %add3A_449 = arith.addi %add3A_442, %add3A_448 : vector<16xi32>
      %gather3A_450 = tpu.vector_load_idx %arg6[%add3A_449] : memref<15680xi32, #tpu.memory_space<vmem>>[vector<16xi32>], vector<16xi32>,
      %add3A_451 = arith.constant 2 : i32
      %add3A_452 = vector.broadcast %add3A_451 : i32 to vector<16xi32>
      %add3A_453 = arith.addi %add3A_442, %add3A_452 : vector<16xi32>
      %gather3A_454 = tpu.vector_load_idx %arg6[%add3A_453] : memref<15680xi32, #tpu.memory_space<vmem>>[vector<16xi32>], vector<16xi32>,
      %add3A_455 = arith.constant 3 : i32
      %add3A_456 = vector.broadcast %add3A_455 : i32 to vector<16xi32>
      %add3A_457 = arith.addi %add3A_442, %add3A_456 : vector<16xi32>
      %gather3A_458 = tpu.vector_load_idx %arg6[%add3A_457] : memref<15680xi32, #tpu.memory_space<vmem>>[vector<16xi32>], vector<16xi32>,
      %add3A_459 = arith.constant 4 : i32
      %add3A_460 = vector.broadcast %add3A_459 : i32 to vector<16xi32>
      %add3A_461 = arith.addi %add3A_442, %add3A_460 : vector<16xi32>
      %gather3A_462 = tpu.vector_load_idx %arg6[%add3A_461] : memref<15680xi32, #tpu.memory_space<vmem>>[vector<16xi32>], vector<16xi32>,
      %add3A_463 = arith.constant 5 : i32
      %add3A_464 = vector.broadcast %add3A_463 : i32 to vector<16xi32>
      %add3A_465 = arith.addi %add3A_442, %add3A_464 : vector<16xi32>
      %gather3A_466 = tpu.vector_load_idx %arg6[%add3A_465] : memref<15680xi32, #tpu.memory_space<vmem>>[vector<16xi32>], vector<16xi32>,
      %add3A_467 = arith.constant 6 : i32
      %add3A_468 = vector.broadcast %add3A_467 : i32 to vector<16xi32>
      %add3A_469 = arith.addi %add3A_442, %add3A_468 : vector<16xi32>
      %gather3A_470 = tpu.vector_load_idx %arg6[%add3A_469] : memref<15680xi32, #tpu.memory_space<vmem>>[vector<16xi32>], vector<16xi32>,
      %add3A_471 = arith.constant 7 : i32
      %add3A_472 = vector.broadcast %add3A_471 : i32 to vector<16xi32>
      %add3A_473 = arith.addi %add3A_442, %add3A_472 : vector<16xi32>
      %gather3A_474 = tpu.vector_load_idx %arg6[%add3A_473] : memref<15680xi32, #tpu.memory_space<vmem>>[vector<16xi32>], vector<16xi32>,
      %add3A_475 = arith.constant 8 : i32
      %add3A_476 = vector.broadcast %add3A_475 : i32 to vector<16xi32>
      %add3A_477 = arith.addi %add3A_442, %add3A_476 : vector<16xi32>
      %gather3A_478 = tpu.vector_load_idx %arg6[%add3A_477] : memref<15680xi32, #tpu.memory_space<vmem>>[vector<16xi32>], vector<16xi32>,
      %add3A_479 = arith.constant 9 : i32
      %add3A_480 = vector.broadcast %add3A_479 : i32 to vector<16xi32>
      %add3A_481 = arith.addi %add3A_442, %add3A_480 : vector<16xi32>
      %gather3A_482 = tpu.vector_load_idx %arg6[%add3A_481] : memref<15680xi32, #tpu.memory_space<vmem>>[vector<16xi32>], vector<16xi32>,
      %broadcast_in_dim3A_483 = arith.constant 1.000000e+00 : f32
      %broadcast_in_dim3A_484 = vector.broadcast %broadcast_in_dim3A_483 : f32 to vector<16xf32>
      %mul3A_485 = vector.broadcast %squeeze3A : f32 to vector<16xf32>
      %mul3A_486 = arith.mulf %broadcast_in_dim3A_484, %mul3A_485 : vector<16xf32>
      %eq3A_487 = arith.cmpi eq, %gather3A_450, %gather3A_446 : vector<16xi32>
      %jit3A_488 = arith.constant 0.000000e+00 : f32
      %broadcast_in_dim3A_489 = vector.broadcast %jit3A_488 : f32 to vector<16xf32>
      %broadcast_in_dim3A_490 = vector.broadcast %squeeze3A_53 : f32 to vector<16xf32>
      %select_n3A_491 = arith.select %eq3A_487, %broadcast_in_dim3A_489, %broadcast_in_dim3A_490 : vector<16xi1>, vector<16xf32>
      %eq3A_492 = arith.cmpi eq, %gather3A_454, %gather3A_446 : vector<16xi32>
      %eq3A_493 = arith.cmpi eq, %gather3A_454, %gather3A_450 : vector<16xi32>
      %or3A_494 = arith.ori %eq3A_492, %eq3A_493 : vector<16xi1>
      %jit3A_495 = arith.constant 0.000000e+00 : f32
      %broadcast_in_dim3A_496 = vector.broadcast %jit3A_495 : f32 to vector<16xf32>
      %broadcast_in_dim3A_497 = vector.broadcast %squeeze3A_55 : f32 to vector<16xf32>
      %select_n3A_498 = arith.select %or3A_494, %broadcast_in_dim3A_496, %broadcast_in_dim3A_497 : vector<16xi1>, vector<16xf32>
      %eq3A_499 = arith.cmpi eq, %gather3A_458, %gather3A_446 : vector<16xi32>
      %eq3A_500 = arith.cmpi eq, %gather3A_458, %gather3A_450 : vector<16xi32>
      %or3A_501 = arith.ori %eq3A_499, %eq3A_500 : vector<16xi1>
      %eq3A_502 = arith.cmpi eq, %gather3A_458, %gather3A_454 : vector<16xi32>
      %or3A_503 = arith.ori %or3A_501, %eq3A_502 : vector<16xi1>
      %jit3A_504 = arith.constant 0.000000e+00 : f32
      %broadcast_in_dim3A_505 = vector.broadcast %jit3A_504 : f32 to vector<16xf32>
      %broadcast_in_dim3A_506 = vector.broadcast %squeeze3A_57 : f32 to vector<16xf32>
      %select_n3A_507 = arith.select %or3A_503, %broadcast_in_dim3A_505, %broadcast_in_dim3A_506 : vector<16xi1>, vector<16xf32>
      %eq3A_508 = arith.cmpi eq, %gather3A_462, %gather3A_446 : vector<16xi32>
      %eq3A_509 = arith.cmpi eq, %gather3A_462, %gather3A_450 : vector<16xi32>
      %or3A_510 = arith.ori %eq3A_508, %eq3A_509 : vector<16xi1>
      %eq3A_511 = arith.cmpi eq, %gather3A_462, %gather3A_454 : vector<16xi32>
      %or3A_512 = arith.ori %or3A_510, %eq3A_511 : vector<16xi1>
      %eq3A_513 = arith.cmpi eq, %gather3A_462, %gather3A_458 : vector<16xi32>
      %or3A_514 = arith.ori %or3A_512, %eq3A_513 : vector<16xi1>
      %jit3A_515 = arith.constant 0.000000e+00 : f32
      %broadcast_in_dim3A_516 = vector.broadcast %jit3A_515 : f32 to vector<16xf32>
      %broadcast_in_dim3A_517 = vector.broadcast %squeeze3A_59 : f32 to vector<16xf32>
      %select_n3A_518 = arith.select %or3A_514, %broadcast_in_dim3A_516, %broadcast_in_dim3A_517 : vector<16xi1>, vector<16xf32>
      %eq3A_519 = arith.cmpi eq, %gather3A_466, %gather3A_446 : vector<16xi32>
      %eq3A_520 = arith.cmpi eq, %gather3A_466, %gather3A_450 : vector<16xi32>
      %or3A_521 = arith.ori %eq3A_519, %eq3A_520 : vector<16xi1>
      %eq3A_522 = arith.cmpi eq, %gather3A_466, %gather3A_454 : vector<16xi32>
      %or3A_523 = arith.ori %or3A_521, %eq3A_522 : vector<16xi1>
      %eq3A_524 = arith.cmpi eq, %gather3A_466, %gather3A_458 : vector<16xi32>
      %or3A_525 = arith.ori %or3A_523, %eq3A_524 : vector<16xi1>
      %eq3A_526 = arith.cmpi eq, %gather3A_466, %gather3A_462 : vector<16xi32>
      %or3A_527 = arith.ori %or3A_525, %eq3A_526 : vector<16xi1>
      %jit3A_528 = arith.constant 0.000000e+00 : f32
      %broadcast_in_dim3A_529 = vector.broadcast %jit3A_528 : f32 to vector<16xf32>
      %broadcast_in_dim3A_530 = vector.broadcast %squeeze3A_61 : f32 to vector<16xf32>
      %select_n3A_531 = arith.select %or3A_527, %broadcast_in_dim3A_529, %broadcast_in_dim3A_530 : vector<16xi1>, vector<16xf32>
      %eq3A_532 = arith.cmpi eq, %gather3A_470, %gather3A_446 : vector<16xi32>
      %eq3A_533 = arith.cmpi eq, %gather3A_470, %gather3A_450 : vector<16xi32>
      %or3A_534 = arith.ori %eq3A_532, %eq3A_533 : vector<16xi1>
      %eq3A_535 = arith.cmpi eq, %gather3A_470, %gather3A_454 : vector<16xi32>
      %or3A_536 = arith.ori %or3A_534, %eq3A_535 : vector<16xi1>
      %eq3A_537 = arith.cmpi eq, %gather3A_470, %gather3A_458 : vector<16xi32>
      %or3A_538 = arith.ori %or3A_536, %eq3A_537 : vector<16xi1>
      %eq3A_539 = arith.cmpi eq, %gather3A_470, %gather3A_462 : vector<16xi32>
      %or3A_540 = arith.ori %or3A_538, %eq3A_539 : vector<16xi1>
      %eq3A_541 = arith.cmpi eq, %gather3A_470, %gather3A_466 : vector<16xi32>
      %or3A_542 = arith.ori %or3A_540, %eq3A_541 : vector<16xi1>
      %jit3A_543 = arith.constant 0.000000e+00 : f32
      %broadcast_in_dim3A_544 = vector.broadcast %jit3A_543 : f32 to vector<16xf32>
      %broadcast_in_dim3A_545 = vector.broadcast %squeeze3A_63 : f32 to vector<16xf32>
      %select_n3A_546 = arith.select %or3A_542, %broadcast_in_dim3A_544, %broadcast_in_dim3A_545 : vector<16xi1>, vector<16xf32>
      %eq3A_547 = arith.cmpi eq, %gather3A_474, %gather3A_446 : vector<16xi32>
      %eq3A_548 = arith.cmpi eq, %gather3A_474, %gather3A_450 : vector<16xi32>
      %or3A_549 = arith.ori %eq3A_547, %eq3A_548 : vector<16xi1>
      %eq3A_550 = arith.cmpi eq, %gather3A_474, %gather3A_454 : vector<16xi32>
      %or3A_551 = arith.ori %or3A_549, %eq3A_550 : vector<16xi1>
      %eq3A_552 = arith.cmpi eq, %gather3A_474, %gather3A_458 : vector<16xi32>
      %or3A_553 = arith.ori %or3A_551, %eq3A_552 : vector<16xi1>
      %eq3A_554 = arith.cmpi eq, %gather3A_474, %gather3A_462 : vector<16xi32>
      %or3A_555 = arith.ori %or3A_553, %eq3A_554 : vector<16xi1>
      %eq3A_556 = arith.cmpi eq, %gather3A_474, %gather3A_466 : vector<16xi32>
      %or3A_557 = arith.ori %or3A_555, %eq3A_556 : vector<16xi1>
      %eq3A_558 = arith.cmpi eq, %gather3A_474, %gather3A_470 : vector<16xi32>
      %or3A_559 = arith.ori %or3A_557, %eq3A_558 : vector<16xi1>
      %jit3A_560 = arith.constant 0.000000e+00 : f32
      %broadcast_in_dim3A_561 = vector.broadcast %jit3A_560 : f32 to vector<16xf32>
      %broadcast_in_dim3A_562 = vector.broadcast %squeeze3A_65 : f32 to vector<16xf32>
      %select_n3A_563 = arith.select %or3A_559, %broadcast_in_dim3A_561, %broadcast_in_dim3A_562 : vector<16xi1>, vector<16xf32>
      %eq3A_564 = arith.cmpi eq, %gather3A_478, %gather3A_446 : vector<16xi32>
      %eq3A_565 = arith.cmpi eq, %gather3A_478, %gather3A_450 : vector<16xi32>
      %or3A_566 = arith.ori %eq3A_564, %eq3A_565 : vector<16xi1>
      %eq3A_567 = arith.cmpi eq, %gather3A_478, %gather3A_454 : vector<16xi32>
      %or3A_568 = arith.ori %or3A_566, %eq3A_567 : vector<16xi1>
      %eq3A_569 = arith.cmpi eq, %gather3A_478, %gather3A_458 : vector<16xi32>
      %or3A_570 = arith.ori %or3A_568, %eq3A_569 : vector<16xi1>
      %eq3A_571 = arith.cmpi eq, %gather3A_478, %gather3A_462 : vector<16xi32>
      %or3A_572 = arith.ori %or3A_570, %eq3A_571 : vector<16xi1>
      %eq3A_573 = arith.cmpi eq, %gather3A_478, %gather3A_466 : vector<16xi32>
      %or3A_574 = arith.ori %or3A_572, %eq3A_573 : vector<16xi1>
      %eq3A_575 = arith.cmpi eq, %gather3A_478, %gather3A_470 : vector<16xi32>
      %or3A_576 = arith.ori %or3A_574, %eq3A_575 : vector<16xi1>
      %eq3A_577 = arith.cmpi eq, %gather3A_478, %gather3A_474 : vector<16xi32>
      %or3A_578 = arith.ori %or3A_576, %eq3A_577 : vector<16xi1>
      %jit3A_579 = arith.constant 0.000000e+00 : f32
      %broadcast_in_dim3A_580 = vector.broadcast %jit3A_579 : f32 to vector<16xf32>
      %broadcast_in_dim3A_581 = vector.broadcast %squeeze3A_67 : f32 to vector<16xf32>
      %select_n3A_582 = arith.select %or3A_578, %broadcast_in_dim3A_580, %broadcast_in_dim3A_581 : vector<16xi1>, vector<16xf32>
      %eq3A_583 = arith.cmpi eq, %gather3A_482, %gather3A_446 : vector<16xi32>
      %eq3A_584 = arith.cmpi eq, %gather3A_482, %gather3A_450 : vector<16xi32>
      %or3A_585 = arith.ori %eq3A_583, %eq3A_584 : vector<16xi1>
      %eq3A_586 = arith.cmpi eq, %gather3A_482, %gather3A_454 : vector<16xi32>
      %or3A_587 = arith.ori %or3A_585, %eq3A_586 : vector<16xi1>
      %eq3A_588 = arith.cmpi eq, %gather3A_482, %gather3A_458 : vector<16xi32>
      %or3A_589 = arith.ori %or3A_587, %eq3A_588 : vector<16xi1>
      %eq3A_590 = arith.cmpi eq, %gather3A_482, %gather3A_462 : vector<16xi32>
      %or3A_591 = arith.ori %or3A_589, %eq3A_590 : vector<16xi1>
      %eq3A_592 = arith.cmpi eq, %gather3A_482, %gather3A_466 : vector<16xi32>
      %or3A_593 = arith.ori %or3A_591, %eq3A_592 : vector<16xi1>
      %eq3A_594 = arith.cmpi eq, %gather3A_482, %gather3A_470 : vector<16xi32>
      %or3A_595 = arith.ori %or3A_593, %eq3A_594 : vector<16xi1>
      %eq3A_596 = arith.cmpi eq, %gather3A_482, %gather3A_474 : vector<16xi32>
      %or3A_597 = arith.ori %or3A_595, %eq3A_596 : vector<16xi1>
      %eq3A_598 = arith.cmpi eq, %gather3A_482, %gather3A_478 : vector<16xi32>
      %or3A_599 = arith.ori %or3A_597, %eq3A_598 : vector<16xi1>
      %jit3A_600 = arith.constant 0.000000e+00 : f32
      %broadcast_in_dim3A_601 = vector.broadcast %jit3A_600 : f32 to vector<16xf32>
      %broadcast_in_dim3A_602 = vector.broadcast %squeeze3A_69 : f32 to vector<16xf32>
      %select_n3A_603 = arith.select %or3A_599, %broadcast_in_dim3A_601, %broadcast_in_dim3A_602 : vector<16xi1>, vector<16xf32>
      %add3A_604 = arith.addf %mul3A_486, %select_n3A_491 : vector<16xf32>
      %add3A_605 = arith.addf %add3A_604, %select_n3A_498 : vector<16xf32>
      %add3A_606 = arith.addf %add3A_605, %select_n3A_507 : vector<16xf32>
      %add3A_607 = arith.addf %add3A_606, %select_n3A_518 : vector<16xf32>
      %add3A_608 = arith.addf %add3A_607, %select_n3A_531 : vector<16xf32>
      %add3A_609 = arith.addf %add3A_608, %select_n3A_546 : vector<16xf32>
      %add3A_610 = arith.addf %add3A_609, %select_n3A_563 : vector<16xf32>
      %add3A_611 = arith.addf %add3A_610, %select_n3A_582 : vector<16xf32>
      %add3A_612 = arith.addf %add3A_611, %select_n3A_603 : vector<16xf32>
      %div3A_613 = arith.constant 1.000000e+00 : f32
      %div3A_614 = vector.broadcast %div3A_613 : f32 to vector<16xf32>
      %div3A_615 = arith.divf %div3A_614, %add3A_612 : vector<16xf32>
      %add3A_616 = arith.constant 256 : i32
      %add3A_617 = vector.broadcast %add3A_616 : i32 to vector<16xi32>
      %add3A_618 = arith.addi %mul3A_75, %add3A_617 : vector<16xi32>
      %mul3A_619 = arith.mulf %mul3A_486, %div3A_615 : vector<16xf32>
      tpu.vector_store_idx %arg10[%add3A_618], %mul3A_619 : memref<512xf32, #tpu.memory_space<vmem>>[vector<16xi32>], vector<16xf32>,
      %add3A_620 = arith.constant 257 : i32
      %add3A_621 = vector.broadcast %add3A_620 : i32 to vector<16xi32>
      %add3A_622 = arith.addi %mul3A_75, %add3A_621 : vector<16xi32>
      %mul3A_623 = arith.mulf %select_n3A_491, %div3A_615 : vector<16xf32>
      tpu.vector_store_idx %arg10[%add3A_622], %mul3A_623 : memref<512xf32, #tpu.memory_space<vmem>>[vector<16xi32>], vector<16xf32>,
      %add3A_624 = arith.constant 258 : i32
      %add3A_625 = vector.broadcast %add3A_624 : i32 to vector<16xi32>
      %add3A_626 = arith.addi %mul3A_75, %add3A_625 : vector<16xi32>
      %mul3A_627 = arith.mulf %select_n3A_498, %div3A_615 : vector<16xf32>
      tpu.vector_store_idx %arg10[%add3A_626], %mul3A_627 : memref<512xf32, #tpu.memory_space<vmem>>[vector<16xi32>], vector<16xf32>,
      %add3A_628 = arith.constant 259 : i32
      %add3A_629 = vector.broadcast %add3A_628 : i32 to vector<16xi32>
      %add3A_630 = arith.addi %mul3A_75, %add3A_629 : vector<16xi32>
      %mul3A_631 = arith.mulf %select_n3A_507, %div3A_615 : vector<16xf32>
      tpu.vector_store_idx %arg10[%add3A_630], %mul3A_631 : memref<512xf32, #tpu.memory_space<vmem>>[vector<16xi32>], vector<16xf32>,
      %add3A_632 = arith.constant 260 : i32
      %add3A_633 = vector.broadcast %add3A_632 : i32 to vector<16xi32>
      %add3A_634 = arith.addi %mul3A_75, %add3A_633 : vector<16xi32>
      %mul3A_635 = arith.mulf %select_n3A_518, %div3A_615 : vector<16xf32>
      tpu.vector_store_idx %arg10[%add3A_634], %mul3A_635 : memref<512xf32, #tpu.memory_space<vmem>>[vector<16xi32>], vector<16xf32>,
      %add3A_636 = arith.constant 261 : i32
      %add3A_637 = vector.broadcast %add3A_636 : i32 to vector<16xi32>
      %add3A_638 = arith.addi %mul3A_75, %add3A_637 : vector<16xi32>
      %mul3A_639 = arith.mulf %select_n3A_531, %div3A_615 : vector<16xf32>
      tpu.vector_store_idx %arg10[%add3A_638], %mul3A_639 : memref<512xf32, #tpu.memory_space<vmem>>[vector<16xi32>], vector<16xf32>,
      %add3A_640 = arith.constant 262 : i32
      %add3A_641 = vector.broadcast %add3A_640 : i32 to vector<16xi32>
      %add3A_642 = arith.addi %mul3A_75, %add3A_641 : vector<16xi32>
      %mul3A_643 = arith.mulf %select_n3A_546, %div3A_615 : vector<16xf32>
      tpu.vector_store_idx %arg10[%add3A_642], %mul3A_643 : memref<512xf32, #tpu.memory_space<vmem>>[vector<16xi32>], vector<16xf32>,
      %add3A_644 = arith.constant 263 : i32
      %add3A_645 = vector.broadcast %add3A_644 : i32 to vector<16xi32>
      %add3A_646 = arith.addi %mul3A_75, %add3A_645 : vector<16xi32>
      %mul3A_647 = arith.mulf %select_n3A_563, %div3A_615 : vector<16xf32>
      tpu.vector_store_idx %arg10[%add3A_646], %mul3A_647 : memref<512xf32, #tpu.memory_space<vmem>>[vector<16xi32>], vector<16xf32>,
      %add3A_648 = arith.constant 264 : i32
      %add3A_649 = vector.broadcast %add3A_648 : i32 to vector<16xi32>
      %add3A_650 = arith.addi %mul3A_75, %add3A_649 : vector<16xi32>
      %mul3A_651 = arith.mulf %select_n3A_582, %div3A_615 : vector<16xf32>
      tpu.vector_store_idx %arg10[%add3A_650], %mul3A_651 : memref<512xf32, #tpu.memory_space<vmem>>[vector<16xi32>], vector<16xf32>,
      %add3A_652 = arith.constant 265 : i32
      %add3A_653 = vector.broadcast %add3A_652 : i32 to vector<16xi32>
      %add3A_654 = arith.addi %mul3A_75, %add3A_653 : vector<16xi32>
      %mul3A_655 = arith.mulf %select_n3A_603, %div3A_615 : vector<16xf32>
      tpu.vector_store_idx %arg10[%add3A_654], %mul3A_655 : memref<512xf32, #tpu.memory_space<vmem>>[vector<16xi32>], vector<16xf32>,
      %mul3A_656 = arith.constant 160 : i32
      %mul3A_657 = arith.muli %sub3A_438, %mul3A_656 : i32
      %add3A_658 = arith.constant 0 : i32
      %add3A_659 = arith.addi %mul3A_657, %add3A_658 : i32
      %mul3A_660 = arith.constant 160 : i32
      %mul3A_661 = arith.muli %sub3A_438, %mul3A_660 : i32
      %add3A_662 = arith.constant 80 : i32
      %add3A_663 = arith.addi %mul3A_661, %add3A_662 : i32
      %dma_wait3A_664 = arith.constant 160 : i32
      %dma_wait3A_665 = arith.constant 0 : i32
      %dma_wait3A_666 = tpu.memref_slice %arg8[%dma_wait3A_664, %dma_wait3A_665] : memref<320x128xf32, #tpu.memory_space<vmem>> -> memref<80x128xf32, #tpu.memory_space<vmem>>
      %dma_wait3A_667 = tpu.memref_slice %arg6[%add3A_659] : memref<15680xi32, #tpu.memory_space<vmem>> -> memref<80xi32, #tpu.memory_space<vmem>>
      %dma_wait3A_668 = arith.constant 0 : i32
      %dma_wait3A_669 = arith.constant 0 : i32
      %dma_wait3A_670 = tpu.memref_slice %arg2[%dma_wait3A_668, %dma_wait3A_669] : memref<100000x128xf32, #tpu.memory_space<hbm>> -> memref<100000x128xf32, #tpu.memory_space<hbm>>
      tpu.wait_indirect_dma semaphore(%arg12 : memref<!tpu.dma_semaphore, #tpu.memory_space<semaphore_mem>>) src(%dma_wait3A_670 : memref<100000x128xf32, #tpu.memory_space<hbm>>) dst(%dma_wait3A_666 : memref<80x128xf32, #tpu.memory_space<vmem>>)
      %dma_wait3A_671 = arith.constant 240 : i32
      %dma_wait3A_672 = arith.constant 0 : i32
      %dma_wait3A_673 = tpu.memref_slice %arg8[%dma_wait3A_671, %dma_wait3A_672] : memref<320x128xf32, #tpu.memory_space<vmem>> -> memref<80x128xf32, #tpu.memory_space<vmem>>
      %dma_wait3A_674 = tpu.memref_slice %arg6[%add3A_663] : memref<15680xi32, #tpu.memory_space<vmem>> -> memref<80xi32, #tpu.memory_space<vmem>>
      %dma_wait3A_675 = arith.constant 0 : i32
      %dma_wait3A_676 = arith.constant 0 : i32
      %dma_wait3A_677 = tpu.memref_slice %arg2[%dma_wait3A_675, %dma_wait3A_676] : memref<100000x128xf32, #tpu.memory_space<hbm>> -> memref<100000x128xf32, #tpu.memory_space<hbm>>
      tpu.wait_indirect_dma semaphore(%arg12 : memref<!tpu.dma_semaphore, #tpu.memory_space<semaphore_mem>>) src(%dma_wait3A_677 : memref<100000x128xf32, #tpu.memory_space<hbm>>) dst(%dma_wait3A_673 : memref<80x128xf32, #tpu.memory_space<vmem>>)
      %gt3A_678 = arith.constant 0 : i32
      %gt3A_679 = arith.cmpi sgt, %scan3A_142, %gt3A_678 : i32
      %convert_element_type3A_680 = arith.extui %gt3A_679 : i1 to i32
      %cond3A_681 = arith.constant 0 : i32
      %cond3A_682 = arith.cmpi ne, %convert_element_type3A_680, %cond3A_681 : i32
      scf.if %cond3A_682 {
        %mul3A_701 = arith.constant 16 : i32
        %mul3A_702 = arith.muli %min3A_437, %mul3A_701 : i32
        %dma_wait3A_703 = arith.constant 16 : i32
        %dma_wait3A_704 = arith.constant 0 : i32
        %dma_wait3A_705 = tpu.memref_slice %arg9[%dma_wait3A_703, %dma_wait3A_704] : memref<32x128xf32, #tpu.memory_space<vmem>> -> memref<16x128xf32, #tpu.memory_space<vmem>>
        %dma_wait3A_706 = arith.constant 0 : i32
        %dma_wait3A_707 = tpu.memref_slice %arg5[%mul3A_702, %dma_wait3A_706] : memref<50000x128xf32, #tpu.memory_space<hbm>> -> memref<16x128xf32, #tpu.memory_space<hbm>>
        %dma_wait3A_708 = arith.constant 0 : i32
        %dma_wait3A_709 = tpu.memref_slice %arg5[%mul3A_702, %dma_wait3A_708] : memref<50000x128xf32, #tpu.memory_space<hbm>> -> memref<16x128xf32, #tpu.memory_space<hbm>>
        %dma_wait3A_710 = arith.constant 16 : i32
        %dma_wait3A_711 = arith.constant 0 : i32
        %dma_wait3A_712 = tpu.memref_slice %arg9[%dma_wait3A_710, %dma_wait3A_711] : memref<32x128xf32, #tpu.memory_space<vmem>> -> memref<16x128xf32, #tpu.memory_space<vmem>>
        tpu.wait_dma2 semaphore(%arg14 : memref<!tpu.dma_semaphore, #tpu.memory_space<semaphore_mem>>) src(%dma_wait3A_712 : memref<16x128xf32, #tpu.memory_space<vmem>>) dst(%dma_wait3A_709 : memref<16x128xf32, #tpu.memory_space<hbm>>)
      } else {
      }
      %scan3A_683 = arith.constant 0 : i32
      %scan3A_684 = arith.constant 0 : i32
      %scan3A_685 = arith.constant 16 : i32
      %scan3A_686 = arith.addi %scan3A_684, %scan3A_685 : i32
      %scan3A_687 = arith.constant 1 : i32
      scf.for %scan3A_701 = %scan3A_684 to %scan3A_686 step %scan3A_687  : i32 {
        %mul3A_702 = arith.constant 16 : i32
        %mul3A_703 = arith.muli %scan3A_701, %mul3A_702 : i32
        %add3A_704 = arith.constant 256 : i32
        %add3A_705 = arith.addi %add3A_704, %mul3A_703 : i32
        %get3A_706 = arith.index_cast %add3A_705 : i32 to index
        %get3A_707 = tpu.vector_load %arg10[%get3A_706] {strides = array<i32>} : memref<512xf32, #tpu.memory_space<vmem>>, vector<16xf32>,
        %mul3A_708 = arith.constant 10 : i32
        %mul3A_709 = arith.muli %scan3A_701, %mul3A_708 : i32
        %add3A_710 = arith.constant 160 : i32
        %add3A_711 = arith.addi %add3A_710, %mul3A_709 : i32
        %slice3A_712 = vector.extract_strided_slice %get3A_707 {offsets = [0], sizes = [1], strides = [1]} : vector<16xf32> to vector<1xf32>
        %squeeze3A_713 = vector.extract %slice3A_712[0] : f32 from vector<1xf32>
        %add3A_714 = arith.constant 0 : i32
        %add3A_715 = arith.addi %add3A_711, %add3A_714 : i32
        %get3A_716 = arith.index_cast %add3A_715 : i32 to index
        %get3A_717 = arith.constant 0 : index
        %get3A_718 = tpu.vector_load %arg8[%get3A_716, %get3A_717] {strides = array<i32>} : memref<320x128xf32, #tpu.memory_space<vmem>>, vector<16xf32>,
        %mul3A_719 = vector.broadcast %squeeze3A_713 : f32 to vector<16xf32>
        %mul3A_720 = arith.mulf %mul3A_719, %get3A_718 : vector<16xf32>
        %add3A_721 = arith.constant 0 : i32
        %add3A_722 = arith.addi %add3A_711, %add3A_721 : i32
        %get3A_723 = arith.index_cast %add3A_722 : i32 to index
        %get3A_724 = arith.constant 16 : index
        %get3A_725 = tpu.vector_load %arg8[%get3A_723, %get3A_724] {strides = array<i32>} : memref<320x128xf32, #tpu.memory_space<vmem>>, vector<16xf32>,
        %mul3A_726 = vector.broadcast %squeeze3A_713 : f32 to vector<16xf32>
        %mul3A_727 = arith.mulf %mul3A_726, %get3A_725 : vector<16xf32>
        %add3A_728 = arith.constant 0 : i32
        %add3A_729 = arith.addi %add3A_711, %add3A_728 : i32
        %get3A_730 = arith.index_cast %add3A_729 : i32 to index
        %get3A_731 = arith.constant 32 : index
        %get3A_732 = tpu.vector_load %arg8[%get3A_730, %get3A_731] {strides = array<i32>} : memref<320x128xf32, #tpu.memory_space<vmem>>, vector<16xf32>,
        %mul3A_733 = vector.broadcast %squeeze3A_713 : f32 to vector<16xf32>
        %mul3A_734 = arith.mulf %mul3A_733, %get3A_732 : vector<16xf32>
        %add3A_735 = arith.constant 0 : i32
        %add3A_736 = arith.addi %add3A_711, %add3A_735 : i32
        %get3A_737 = arith.index_cast %add3A_736 : i32 to index
        %get3A_738 = arith.constant 48 : index
        %get3A_739 = tpu.vector_load %arg8[%get3A_737, %get3A_738] {strides = array<i32>} : memref<320x128xf32, #tpu.memory_space<vmem>>, vector<16xf32>,
        %mul3A_740 = vector.broadcast %squeeze3A_713 : f32 to vector<16xf32>
        %mul3A_741 = arith.mulf %mul3A_740, %get3A_739 : vector<16xf32>
        %add3A_742 = arith.constant 0 : i32
        %add3A_743 = arith.addi %add3A_711, %add3A_742 : i32
        %get3A_744 = arith.index_cast %add3A_743 : i32 to index
        %get3A_745 = arith.constant 64 : index
        %get3A_746 = tpu.vector_load %arg8[%get3A_744, %get3A_745] {strides = array<i32>} : memref<320x128xf32, #tpu.memory_space<vmem>>, vector<16xf32>,
        %mul3A_747 = vector.broadcast %squeeze3A_713 : f32 to vector<16xf32>
        %mul3A_748 = arith.mulf %mul3A_747, %get3A_746 : vector<16xf32>
        %add3A_749 = arith.constant 0 : i32
        %add3A_750 = arith.addi %add3A_711, %add3A_749 : i32
        %get3A_751 = arith.index_cast %add3A_750 : i32 to index
        %get3A_752 = arith.constant 80 : index
        %get3A_753 = tpu.vector_load %arg8[%get3A_751, %get3A_752] {strides = array<i32>} : memref<320x128xf32, #tpu.memory_space<vmem>>, vector<16xf32>,
        %mul3A_754 = vector.broadcast %squeeze3A_713 : f32 to vector<16xf32>
        %mul3A_755 = arith.mulf %mul3A_754, %get3A_753 : vector<16xf32>
        %add3A_756 = arith.constant 0 : i32
        %add3A_757 = arith.addi %add3A_711, %add3A_756 : i32
        %get3A_758 = arith.index_cast %add3A_757 : i32 to index
        %get3A_759 = arith.constant 96 : index
        %get3A_760 = tpu.vector_load %arg8[%get3A_758, %get3A_759] {strides = array<i32>} : memref<320x128xf32, #tpu.memory_space<vmem>>, vector<16xf32>,
        %mul3A_761 = vector.broadcast %squeeze3A_713 : f32 to vector<16xf32>
        %mul3A_762 = arith.mulf %mul3A_761, %get3A_760 : vector<16xf32>
        %add3A_763 = arith.constant 0 : i32
        %add3A_764 = arith.addi %add3A_711, %add3A_763 : i32
        %get3A_765 = arith.index_cast %add3A_764 : i32 to index
        %get3A_766 = arith.constant 112 : index
        %get3A_767 = tpu.vector_load %arg8[%get3A_765, %get3A_766] {strides = array<i32>} : memref<320x128xf32, #tpu.memory_space<vmem>>, vector<16xf32>,
        %mul3A_768 = vector.broadcast %squeeze3A_713 : f32 to vector<16xf32>
        %mul3A_769 = arith.mulf %mul3A_768, %get3A_767 : vector<16xf32>
        %slice3A_770 = vector.extract_strided_slice %get3A_707 {offsets = [1], sizes = [1], strides = [1]} : vector<16xf32> to vector<1xf32>
        %squeeze3A_771 = vector.extract %slice3A_770[0] : f32 from vector<1xf32>
        %add3A_772 = arith.constant 1 : i32
        %add3A_773 = arith.addi %add3A_711, %add3A_772 : i32
        %get3A_774 = arith.index_cast %add3A_773 : i32 to index
        %get3A_775 = arith.constant 0 : index
        %get3A_776 = tpu.vector_load %arg8[%get3A_774, %get3A_775] {strides = array<i32>} : memref<320x128xf32, #tpu.memory_space<vmem>>, vector<16xf32>,
        %mul3A_777 = vector.broadcast %squeeze3A_771 : f32 to vector<16xf32>
        %mul3A_778 = arith.mulf %mul3A_777, %get3A_776 : vector<16xf32>
        %add3A_779 = arith.addf %mul3A_720, %mul3A_778 : vector<16xf32>
        %add3A_780 = arith.constant 1 : i32
        %add3A_781 = arith.addi %add3A_711, %add3A_780 : i32
        %get3A_782 = arith.index_cast %add3A_781 : i32 to index
        %get3A_783 = arith.constant 16 : index
        %get3A_784 = tpu.vector_load %arg8[%get3A_782, %get3A_783] {strides = array<i32>} : memref<320x128xf32, #tpu.memory_space<vmem>>, vector<16xf32>,
        %mul3A_785 = vector.broadcast %squeeze3A_771 : f32 to vector<16xf32>
        %mul3A_786 = arith.mulf %mul3A_785, %get3A_784 : vector<16xf32>
        %add3A_787 = arith.addf %mul3A_727, %mul3A_786 : vector<16xf32>
        %add3A_788 = arith.constant 1 : i32
        %add3A_789 = arith.addi %add3A_711, %add3A_788 : i32
        %get3A_790 = arith.index_cast %add3A_789 : i32 to index
        %get3A_791 = arith.constant 32 : index
        %get3A_792 = tpu.vector_load %arg8[%get3A_790, %get3A_791] {strides = array<i32>} : memref<320x128xf32, #tpu.memory_space<vmem>>, vector<16xf32>,
        %mul3A_793 = vector.broadcast %squeeze3A_771 : f32 to vector<16xf32>
        %mul3A_794 = arith.mulf %mul3A_793, %get3A_792 : vector<16xf32>
        %add3A_795 = arith.addf %mul3A_734, %mul3A_794 : vector<16xf32>
        %add3A_796 = arith.constant 1 : i32
        %add3A_797 = arith.addi %add3A_711, %add3A_796 : i32
        %get3A_798 = arith.index_cast %add3A_797 : i32 to index
        %get3A_799 = arith.constant 48 : index
        %get3A_800 = tpu.vector_load %arg8[%get3A_798, %get3A_799] {strides = array<i32>} : memref<320x128xf32, #tpu.memory_space<vmem>>, vector<16xf32>,
        %mul3A_801 = vector.broadcast %squeeze3A_771 : f32 to vector<16xf32>
        %mul3A_802 = arith.mulf %mul3A_801, %get3A_800 : vector<16xf32>
        %add3A_803 = arith.addf %mul3A_741, %mul3A_802 : vector<16xf32>
        %add3A_804 = arith.constant 1 : i32
        %add3A_805 = arith.addi %add3A_711, %add3A_804 : i32
        %get3A_806 = arith.index_cast %add3A_805 : i32 to index
        %get3A_807 = arith.constant 64 : index
        %get3A_808 = tpu.vector_load %arg8[%get3A_806, %get3A_807] {strides = array<i32>} : memref<320x128xf32, #tpu.memory_space<vmem>>, vector<16xf32>,
        %mul3A_809 = vector.broadcast %squeeze3A_771 : f32 to vector<16xf32>
        %mul3A_810 = arith.mulf %mul3A_809, %get3A_808 : vector<16xf32>
        %add3A_811 = arith.addf %mul3A_748, %mul3A_810 : vector<16xf32>
        %add3A_812 = arith.constant 1 : i32
        %add3A_813 = arith.addi %add3A_711, %add3A_812 : i32
        %get3A_814 = arith.index_cast %add3A_813 : i32 to index
        %get3A_815 = arith.constant 80 : index
        %get3A_816 = tpu.vector_load %arg8[%get3A_814, %get3A_815] {strides = array<i32>} : memref<320x128xf32, #tpu.memory_space<vmem>>, vector<16xf32>,
        %mul3A_817 = vector.broadcast %squeeze3A_771 : f32 to vector<16xf32>
        %mul3A_818 = arith.mulf %mul3A_817, %get3A_816 : vector<16xf32>
        %add3A_819 = arith.addf %mul3A_755, %mul3A_818 : vector<16xf32>
        %add3A_820 = arith.constant 1 : i32
        %add3A_821 = arith.addi %add3A_711, %add3A_820 : i32
        %get3A_822 = arith.index_cast %add3A_821 : i32 to index
        %get3A_823 = arith.constant 96 : index
        %get3A_824 = tpu.vector_load %arg8[%get3A_822, %get3A_823] {strides = array<i32>} : memref<320x128xf32, #tpu.memory_space<vmem>>, vector<16xf32>,
        %mul3A_825 = vector.broadcast %squeeze3A_771 : f32 to vector<16xf32>
        %mul3A_826 = arith.mulf %mul3A_825, %get3A_824 : vector<16xf32>
        %add3A_827 = arith.addf %mul3A_762, %mul3A_826 : vector<16xf32>
        %add3A_828 = arith.constant 1 : i32
        %add3A_829 = arith.addi %add3A_711, %add3A_828 : i32
        %get3A_830 = arith.index_cast %add3A_829 : i32 to index
        %get3A_831 = arith.constant 112 : index
        %get3A_832 = tpu.vector_load %arg8[%get3A_830, %get3A_831] {strides = array<i32>} : memref<320x128xf32, #tpu.memory_space<vmem>>, vector<16xf32>,
        %mul3A_833 = vector.broadcast %squeeze3A_771 : f32 to vector<16xf32>
        %mul3A_834 = arith.mulf %mul3A_833, %get3A_832 : vector<16xf32>
        %add3A_835 = arith.addf %mul3A_769, %mul3A_834 : vector<16xf32>
        %slice3A_836 = vector.extract_strided_slice %get3A_707 {offsets = [2], sizes = [1], strides = [1]} : vector<16xf32> to vector<1xf32>
        %squeeze3A_837 = vector.extract %slice3A_836[0] : f32 from vector<1xf32>
        %add3A_838 = arith.constant 2 : i32
        %add3A_839 = arith.addi %add3A_711, %add3A_838 : i32
        %get3A_840 = arith.index_cast %add3A_839 : i32 to index
        %get3A_841 = arith.constant 0 : index
        %get3A_842 = tpu.vector_load %arg8[%get3A_840, %get3A_841] {strides = array<i32>} : memref<320x128xf32, #tpu.memory_space<vmem>>, vector<16xf32>,
        %mul3A_843 = vector.broadcast %squeeze3A_837 : f32 to vector<16xf32>
        %mul3A_844 = arith.mulf %mul3A_843, %get3A_842 : vector<16xf32>
        %add3A_845 = arith.addf %add3A_779, %mul3A_844 : vector<16xf32>
        %add3A_846 = arith.constant 2 : i32
        %add3A_847 = arith.addi %add3A_711, %add3A_846 : i32
        %get3A_848 = arith.index_cast %add3A_847 : i32 to index
        %get3A_849 = arith.constant 16 : index
        %get3A_850 = tpu.vector_load %arg8[%get3A_848, %get3A_849] {strides = array<i32>} : memref<320x128xf32, #tpu.memory_space<vmem>>, vector<16xf32>,
        %mul3A_851 = vector.broadcast %squeeze3A_837 : f32 to vector<16xf32>
        %mul3A_852 = arith.mulf %mul3A_851, %get3A_850 : vector<16xf32>
        %add3A_853 = arith.addf %add3A_787, %mul3A_852 : vector<16xf32>
        %add3A_854 = arith.constant 2 : i32
        %add3A_855 = arith.addi %add3A_711, %add3A_854 : i32
        %get3A_856 = arith.index_cast %add3A_855 : i32 to index
        %get3A_857 = arith.constant 32 : index
        %get3A_858 = tpu.vector_load %arg8[%get3A_856, %get3A_857] {strides = array<i32>} : memref<320x128xf32, #tpu.memory_space<vmem>>, vector<16xf32>,
        %mul3A_859 = vector.broadcast %squeeze3A_837 : f32 to vector<16xf32>
        %mul3A_860 = arith.mulf %mul3A_859, %get3A_858 : vector<16xf32>
        %add3A_861 = arith.addf %add3A_795, %mul3A_860 : vector<16xf32>
        %add3A_862 = arith.constant 2 : i32
        %add3A_863 = arith.addi %add3A_711, %add3A_862 : i32
        %get3A_864 = arith.index_cast %add3A_863 : i32 to index
        %get3A_865 = arith.constant 48 : index
        %get3A_866 = tpu.vector_load %arg8[%get3A_864, %get3A_865] {strides = array<i32>} : memref<320x128xf32, #tpu.memory_space<vmem>>, vector<16xf32>,
        %mul3A_867 = vector.broadcast %squeeze3A_837 : f32 to vector<16xf32>
        %mul3A_868 = arith.mulf %mul3A_867, %get3A_866 : vector<16xf32>
        %add3A_869 = arith.addf %add3A_803, %mul3A_868 : vector<16xf32>
        %add3A_870 = arith.constant 2 : i32
        %add3A_871 = arith.addi %add3A_711, %add3A_870 : i32
        %get3A_872 = arith.index_cast %add3A_871 : i32 to index
        %get3A_873 = arith.constant 64 : index
        %get3A_874 = tpu.vector_load %arg8[%get3A_872, %get3A_873] {strides = array<i32>} : memref<320x128xf32, #tpu.memory_space<vmem>>, vector<16xf32>,
        %mul3A_875 = vector.broadcast %squeeze3A_837 : f32 to vector<16xf32>
        %mul3A_876 = arith.mulf %mul3A_875, %get3A_874 : vector<16xf32>
        %add3A_877 = arith.addf %add3A_811, %mul3A_876 : vector<16xf32>
        %add3A_878 = arith.constant 2 : i32
        %add3A_879 = arith.addi %add3A_711, %add3A_878 : i32
        %get3A_880 = arith.index_cast %add3A_879 : i32 to index
        %get3A_881 = arith.constant 80 : index
        %get3A_882 = tpu.vector_load %arg8[%get3A_880, %get3A_881] {strides = array<i32>} : memref<320x128xf32, #tpu.memory_space<vmem>>, vector<16xf32>,
        %mul3A_883 = vector.broadcast %squeeze3A_837 : f32 to vector<16xf32>
        %mul3A_884 = arith.mulf %mul3A_883, %get3A_882 : vector<16xf32>
        %add3A_885 = arith.addf %add3A_819, %mul3A_884 : vector<16xf32>
        %add3A_886 = arith.constant 2 : i32
        %add3A_887 = arith.addi %add3A_711, %add3A_886 : i32
        %get3A_888 = arith.index_cast %add3A_887 : i32 to index
        %get3A_889 = arith.constant 96 : index
        %get3A_890 = tpu.vector_load %arg8[%get3A_888, %get3A_889] {strides = array<i32>} : memref<320x128xf32, #tpu.memory_space<vmem>>, vector<16xf32>,
        %mul3A_891 = vector.broadcast %squeeze3A_837 : f32 to vector<16xf32>
        %mul3A_892 = arith.mulf %mul3A_891, %get3A_890 : vector<16xf32>
        %add3A_893 = arith.addf %add3A_827, %mul3A_892 : vector<16xf32>
        %add3A_894 = arith.constant 2 : i32
        %add3A_895 = arith.addi %add3A_711, %add3A_894 : i32
        %get3A_896 = arith.index_cast %add3A_895 : i32 to index
        %get3A_897 = arith.constant 112 : index
        %get3A_898 = tpu.vector_load %arg8[%get3A_896, %get3A_897] {strides = array<i32>} : memref<320x128xf32, #tpu.memory_space<vmem>>, vector<16xf32>,
        %mul3A_899 = vector.broadcast %squeeze3A_837 : f32 to vector<16xf32>
        %mul3A_900 = arith.mulf %mul3A_899, %get3A_898 : vector<16xf32>
        %add3A_901 = arith.addf %add3A_835, %mul3A_900 : vector<16xf32>
        %slice3A_902 = vector.extract_strided_slice %get3A_707 {offsets = [3], sizes = [1], strides = [1]} : vector<16xf32> to vector<1xf32>
        %squeeze3A_903 = vector.extract %slice3A_902[0] : f32 from vector<1xf32>
        %add3A_904 = arith.constant 3 : i32
        %add3A_905 = arith.addi %add3A_711, %add3A_904 : i32
        %get3A_906 = arith.index_cast %add3A_905 : i32 to index
        %get3A_907 = arith.constant 0 : index
        %get3A_908 = tpu.vector_load %arg8[%get3A_906, %get3A_907] {strides = array<i32>} : memref<320x128xf32, #tpu.memory_space<vmem>>, vector<16xf32>,
        %mul3A_909 = vector.broadcast %squeeze3A_903 : f32 to vector<16xf32>
        %mul3A_910 = arith.mulf %mul3A_909, %get3A_908 : vector<16xf32>
        %add3A_911 = arith.addf %add3A_845, %mul3A_910 : vector<16xf32>
        %add3A_912 = arith.constant 3 : i32
        %add3A_913 = arith.addi %add3A_711, %add3A_912 : i32
        %get3A_914 = arith.index_cast %add3A_913 : i32 to index
        %get3A_915 = arith.constant 16 : index
        %get3A_916 = tpu.vector_load %arg8[%get3A_914, %get3A_915] {strides = array<i32>} : memref<320x128xf32, #tpu.memory_space<vmem>>, vector<16xf32>,
        %mul3A_917 = vector.broadcast %squeeze3A_903 : f32 to vector<16xf32>
        %mul3A_918 = arith.mulf %mul3A_917, %get3A_916 : vector<16xf32>
        %add3A_919 = arith.addf %add3A_853, %mul3A_918 : vector<16xf32>
        %add3A_920 = arith.constant 3 : i32
        %add3A_921 = arith.addi %add3A_711, %add3A_920 : i32
        %get3A_922 = arith.index_cast %add3A_921 : i32 to index
        %get3A_923 = arith.constant 32 : index
        %get3A_924 = tpu.vector_load %arg8[%get3A_922, %get3A_923] {strides = array<i32>} : memref<320x128xf32, #tpu.memory_space<vmem>>, vector<16xf32>,
        %mul3A_925 = vector.broadcast %squeeze3A_903 : f32 to vector<16xf32>
        %mul3A_926 = arith.mulf %mul3A_925, %get3A_924 : vector<16xf32>
        %add3A_927 = arith.addf %add3A_861, %mul3A_926 : vector<16xf32>
        %add3A_928 = arith.constant 3 : i32
        %add3A_929 = arith.addi %add3A_711, %add3A_928 : i32
        %get3A_930 = arith.index_cast %add3A_929 : i32 to index
        %get3A_931 = arith.constant 48 : index
        %get3A_932 = tpu.vector_load %arg8[%get3A_930, %get3A_931] {strides = array<i32>} : memref<320x128xf32, #tpu.memory_space<vmem>>, vector<16xf32>,
        %mul3A_933 = vector.broadcast %squeeze3A_903 : f32 to vector<16xf32>
        %mul3A_934 = arith.mulf %mul3A_933, %get3A_932 : vector<16xf32>
        %add3A_935 = arith.addf %add3A_869, %mul3A_934 : vector<16xf32>
        %add3A_936 = arith.constant 3 : i32
        %add3A_937 = arith.addi %add3A_711, %add3A_936 : i32
        %get3A_938 = arith.index_cast %add3A_937 : i32 to index
        %get3A_939 = arith.constant 64 : index
        %get3A_940 = tpu.vector_load %arg8[%get3A_938, %get3A_939] {strides = array<i32>} : memref<320x128xf32, #tpu.memory_space<vmem>>, vector<16xf32>,
        %mul3A_941 = vector.broadcast %squeeze3A_903 : f32 to vector<16xf32>
        %mul3A_942 = arith.mulf %mul3A_941, %get3A_940 : vector<16xf32>
        %add3A_943 = arith.addf %add3A_877, %mul3A_942 : vector<16xf32>
        %add3A_944 = arith.constant 3 : i32
        %add3A_945 = arith.addi %add3A_711, %add3A_944 : i32
        %get3A_946 = arith.index_cast %add3A_945 : i32 to index
        %get3A_947 = arith.constant 80 : index
        %get3A_948 = tpu.vector_load %arg8[%get3A_946, %get3A_947] {strides = array<i32>} : memref<320x128xf32, #tpu.memory_space<vmem>>, vector<16xf32>,
        %mul3A_949 = vector.broadcast %squeeze3A_903 : f32 to vector<16xf32>
        %mul3A_950 = arith.mulf %mul3A_949, %get3A_948 : vector<16xf32>
        %add3A_951 = arith.addf %add3A_885, %mul3A_950 : vector<16xf32>
        %add3A_952 = arith.constant 3 : i32
        %add3A_953 = arith.addi %add3A_711, %add3A_952 : i32
        %get3A_954 = arith.index_cast %add3A_953 : i32 to index
        %get3A_955 = arith.constant 96 : index
        %get3A_956 = tpu.vector_load %arg8[%get3A_954, %get3A_955] {strides = array<i32>} : memref<320x128xf32, #tpu.memory_space<vmem>>, vector<16xf32>,
        %mul3A_957 = vector.broadcast %squeeze3A_903 : f32 to vector<16xf32>
        %mul3A_958 = arith.mulf %mul3A_957, %get3A_956 : vector<16xf32>
        %add3A_959 = arith.addf %add3A_893, %mul3A_958 : vector<16xf32>
        %add3A_960 = arith.constant 3 : i32
        %add3A_961 = arith.addi %add3A_711, %add3A_960 : i32
        %get3A_962 = arith.index_cast %add3A_961 : i32 to index
        %get3A_963 = arith.constant 112 : index
        %get3A_964 = tpu.vector_load %arg8[%get3A_962, %get3A_963] {strides = array<i32>} : memref<320x128xf32, #tpu.memory_space<vmem>>, vector<16xf32>,
        %mul3A_965 = vector.broadcast %squeeze3A_903 : f32 to vector<16xf32>
        %mul3A_966 = arith.mulf %mul3A_965, %get3A_964 : vector<16xf32>
        %add3A_967 = arith.addf %add3A_901, %mul3A_966 : vector<16xf32>
        %slice3A_968 = vector.extract_strided_slice %get3A_707 {offsets = [4], sizes = [1], strides = [1]} : vector<16xf32> to vector<1xf32>
        %squeeze3A_969 = vector.extract %slice3A_968[0] : f32 from vector<1xf32>
        %add3A_970 = arith.constant 4 : i32
        %add3A_971 = arith.addi %add3A_711, %add3A_970 : i32
        %get3A_972 = arith.index_cast %add3A_971 : i32 to index
        %get3A_973 = arith.constant 0 : index
        %get3A_974 = tpu.vector_load %arg8[%get3A_972, %get3A_973] {strides = array<i32>} : memref<320x128xf32, #tpu.memory_space<vmem>>, vector<16xf32>,
        %mul3A_975 = vector.broadcast %squeeze3A_969 : f32 to vector<16xf32>
        %mul3A_976 = arith.mulf %mul3A_975, %get3A_974 : vector<16xf32>
        %add3A_977 = arith.addf %add3A_911, %mul3A_976 : vector<16xf32>
        %add3A_978 = arith.constant 4 : i32
        %add3A_979 = arith.addi %add3A_711, %add3A_978 : i32
        %get3A_980 = arith.index_cast %add3A_979 : i32 to index
        %get3A_981 = arith.constant 16 : index
        %get3A_982 = tpu.vector_load %arg8[%get3A_980, %get3A_981] {strides = array<i32>} : memref<320x128xf32, #tpu.memory_space<vmem>>, vector<16xf32>,
        %mul3A_983 = vector.broadcast %squeeze3A_969 : f32 to vector<16xf32>
        %mul3A_984 = arith.mulf %mul3A_983, %get3A_982 : vector<16xf32>
        %add3A_985 = arith.addf %add3A_919, %mul3A_984 : vector<16xf32>
        %add3A_986 = arith.constant 4 : i32
        %add3A_987 = arith.addi %add3A_711, %add3A_986 : i32
        %get3A_988 = arith.index_cast %add3A_987 : i32 to index
        %get3A_989 = arith.constant 32 : index
        %get3A_990 = tpu.vector_load %arg8[%get3A_988, %get3A_989] {strides = array<i32>} : memref<320x128xf32, #tpu.memory_space<vmem>>, vector<16xf32>,
        %mul3A_991 = vector.broadcast %squeeze3A_969 : f32 to vector<16xf32>
        %mul3A_992 = arith.mulf %mul3A_991, %get3A_990 : vector<16xf32>
        %add3A_993 = arith.addf %add3A_927, %mul3A_992 : vector<16xf32>
        %add3A_994 = arith.constant 4 : i32
        %add3A_995 = arith.addi %add3A_711, %add3A_994 : i32
        %get3A_996 = arith.index_cast %add3A_995 : i32 to index
        %get3A_997 = arith.constant 48 : index
        %get3A_998 = tpu.vector_load %arg8[%get3A_996, %get3A_997] {strides = array<i32>} : memref<320x128xf32, #tpu.memory_space<vmem>>, vector<16xf32>,
        %mul3A_999 = vector.broadcast %squeeze3A_969 : f32 to vector<16xf32>
        %mul3A_1000 = arith.mulf %mul3A_999, %get3A_998 : vector<16xf32>
        %add3A_1001 = arith.addf %add3A_935, %mul3A_1000 : vector<16xf32>
        %add3A_1002 = arith.constant 4 : i32
        %add3A_1003 = arith.addi %add3A_711, %add3A_1002 : i32
        %get3A_1004 = arith.index_cast %add3A_1003 : i32 to index
        %get3A_1005 = arith.constant 64 : index
        %get3A_1006 = tpu.vector_load %arg8[%get3A_1004, %get3A_1005] {strides = array<i32>} : memref<320x128xf32, #tpu.memory_space<vmem>>, vector<16xf32>,
        %mul3A_1007 = vector.broadcast %squeeze3A_969 : f32 to vector<16xf32>
        %mul3A_1008 = arith.mulf %mul3A_1007, %get3A_1006 : vector<16xf32>
        %add3A_1009 = arith.addf %add3A_943, %mul3A_1008 : vector<16xf32>
        %add3A_1010 = arith.constant 4 : i32
        %add3A_1011 = arith.addi %add3A_711, %add3A_1010 : i32
        %get3A_1012 = arith.index_cast %add3A_1011 : i32 to index
        %get3A_1013 = arith.constant 80 : index
        %get3A_1014 = tpu.vector_load %arg8[%get3A_1012, %get3A_1013] {strides = array<i32>} : memref<320x128xf32, #tpu.memory_space<vmem>>, vector<16xf32>,
        %mul3A_1015 = vector.broadcast %squeeze3A_969 : f32 to vector<16xf32>
        %mul3A_1016 = arith.mulf %mul3A_1015, %get3A_1014 : vector<16xf32>
        %add3A_1017 = arith.addf %add3A_951, %mul3A_1016 : vector<16xf32>
        %add3A_1018 = arith.constant 4 : i32
        %add3A_1019 = arith.addi %add3A_711, %add3A_1018 : i32
        %get3A_1020 = arith.index_cast %add3A_1019 : i32 to index
        %get3A_1021 = arith.constant 96 : index
        %get3A_1022 = tpu.vector_load %arg8[%get3A_1020, %get3A_1021] {strides = array<i32>} : memref<320x128xf32, #tpu.memory_space<vmem>>, vector<16xf32>,
        %mul3A_1023 = vector.broadcast %squeeze3A_969 : f32 to vector<16xf32>
        %mul3A_1024 = arith.mulf %mul3A_1023, %get3A_1022 : vector<16xf32>
        %add3A_1025 = arith.addf %add3A_959, %mul3A_1024 : vector<16xf32>
        %add3A_1026 = arith.constant 4 : i32
        %add3A_1027 = arith.addi %add3A_711, %add3A_1026 : i32
        %get3A_1028 = arith.index_cast %add3A_1027 : i32 to index
        %get3A_1029 = arith.constant 112 : index
        %get3A_1030 = tpu.vector_load %arg8[%get3A_1028, %get3A_1029] {strides = array<i32>} : memref<320x128xf32, #tpu.memory_space<vmem>>, vector<16xf32>,
        %mul3A_1031 = vector.broadcast %squeeze3A_969 : f32 to vector<16xf32>
        %mul3A_1032 = arith.mulf %mul3A_1031, %get3A_1030 : vector<16xf32>
        %add3A_1033 = arith.addf %add3A_967, %mul3A_1032 : vector<16xf32>
        %slice3A_1034 = vector.extract_strided_slice %get3A_707 {offsets = [5], sizes = [1], strides = [1]} : vector<16xf32> to vector<1xf32>
        %squeeze3A_1035 = vector.extract %slice3A_1034[0] : f32 from vector<1xf32>
        %add3A_1036 = arith.constant 5 : i32
        %add3A_1037 = arith.addi %add3A_711, %add3A_1036 : i32
        %get3A_1038 = arith.index_cast %add3A_1037 : i32 to index
        %get3A_1039 = arith.constant 0 : index
        %get3A_1040 = tpu.vector_load %arg8[%get3A_1038, %get3A_1039] {strides = array<i32>} : memref<320x128xf32, #tpu.memory_space<vmem>>, vector<16xf32>,
        %mul3A_1041 = vector.broadcast %squeeze3A_1035 : f32 to vector<16xf32>
        %mul3A_1042 = arith.mulf %mul3A_1041, %get3A_1040 : vector<16xf32>
        %add3A_1043 = arith.addf %add3A_977, %mul3A_1042 : vector<16xf32>
        %add3A_1044 = arith.constant 5 : i32
        %add3A_1045 = arith.addi %add3A_711, %add3A_1044 : i32
        %get3A_1046 = arith.index_cast %add3A_1045 : i32 to index
        %get3A_1047 = arith.constant 16 : index
        %get3A_1048 = tpu.vector_load %arg8[%get3A_1046, %get3A_1047] {strides = array<i32>} : memref<320x128xf32, #tpu.memory_space<vmem>>, vector<16xf32>,
        %mul3A_1049 = vector.broadcast %squeeze3A_1035 : f32 to vector<16xf32>
        %mul3A_1050 = arith.mulf %mul3A_1049, %get3A_1048 : vector<16xf32>
        %add3A_1051 = arith.addf %add3A_985, %mul3A_1050 : vector<16xf32>
        %add3A_1052 = arith.constant 5 : i32
        %add3A_1053 = arith.addi %add3A_711, %add3A_1052 : i32
        %get3A_1054 = arith.index_cast %add3A_1053 : i32 to index
        %get3A_1055 = arith.constant 32 : index
        %get3A_1056 = tpu.vector_load %arg8[%get3A_1054, %get3A_1055] {strides = array<i32>} : memref<320x128xf32, #tpu.memory_space<vmem>>, vector<16xf32>,
        %mul3A_1057 = vector.broadcast %squeeze3A_1035 : f32 to vector<16xf32>
        %mul3A_1058 = arith.mulf %mul3A_1057, %get3A_1056 : vector<16xf32>
        %add3A_1059 = arith.addf %add3A_993, %mul3A_1058 : vector<16xf32>
        %add3A_1060 = arith.constant 5 : i32
        %add3A_1061 = arith.addi %add3A_711, %add3A_1060 : i32
        %get3A_1062 = arith.index_cast %add3A_1061 : i32 to index
        %get3A_1063 = arith.constant 48 : index
        %get3A_1064 = tpu.vector_load %arg8[%get3A_1062, %get3A_1063] {strides = array<i32>} : memref<320x128xf32, #tpu.memory_space<vmem>>, vector<16xf32>,
        %mul3A_1065 = vector.broadcast %squeeze3A_1035 : f32 to vector<16xf32>
        %mul3A_1066 = arith.mulf %mul3A_1065, %get3A_1064 : vector<16xf32>
        %add3A_1067 = arith.addf %add3A_1001, %mul3A_1066 : vector<16xf32>
        %add3A_1068 = arith.constant 5 : i32
        %add3A_1069 = arith.addi %add3A_711, %add3A_1068 : i32
        %get3A_1070 = arith.index_cast %add3A_1069 : i32 to index
        %get3A_1071 = arith.constant 64 : index
        %get3A_1072 = tpu.vector_load %arg8[%get3A_1070, %get3A_1071] {strides = array<i32>} : memref<320x128xf32, #tpu.memory_space<vmem>>, vector<16xf32>,
        %mul3A_1073 = vector.broadcast %squeeze3A_1035 : f32 to vector<16xf32>
        %mul3A_1074 = arith.mulf %mul3A_1073, %get3A_1072 : vector<16xf32>
        %add3A_1075 = arith.addf %add3A_1009, %mul3A_1074 : vector<16xf32>
        %add3A_1076 = arith.constant 5 : i32
        %add3A_1077 = arith.addi %add3A_711, %add3A_1076 : i32
        %get3A_1078 = arith.index_cast %add3A_1077 : i32 to index
        %get3A_1079 = arith.constant 80 : index
        %get3A_1080 = tpu.vector_load %arg8[%get3A_1078, %get3A_1079] {strides = array<i32>} : memref<320x128xf32, #tpu.memory_space<vmem>>, vector<16xf32>,
        %mul3A_1081 = vector.broadcast %squeeze3A_1035 : f32 to vector<16xf32>
        %mul3A_1082 = arith.mulf %mul3A_1081, %get3A_1080 : vector<16xf32>
        %add3A_1083 = arith.addf %add3A_1017, %mul3A_1082 : vector<16xf32>
        %add3A_1084 = arith.constant 5 : i32
        %add3A_1085 = arith.addi %add3A_711, %add3A_1084 : i32
        %get3A_1086 = arith.index_cast %add3A_1085 : i32 to index
        %get3A_1087 = arith.constant 96 : index
        %get3A_1088 = tpu.vector_load %arg8[%get3A_1086, %get3A_1087] {strides = array<i32>} : memref<320x128xf32, #tpu.memory_space<vmem>>, vector<16xf32>,
        %mul3A_1089 = vector.broadcast %squeeze3A_1035 : f32 to vector<16xf32>
        %mul3A_1090 = arith.mulf %mul3A_1089, %get3A_1088 : vector<16xf32>
        %add3A_1091 = arith.addf %add3A_1025, %mul3A_1090 : vector<16xf32>
        %add3A_1092 = arith.constant 5 : i32
        %add3A_1093 = arith.addi %add3A_711, %add3A_1092 : i32
        %get3A_1094 = arith.index_cast %add3A_1093 : i32 to index
        %get3A_1095 = arith.constant 112 : index
        %get3A_1096 = tpu.vector_load %arg8[%get3A_1094, %get3A_1095] {strides = array<i32>} : memref<320x128xf32, #tpu.memory_space<vmem>>, vector<16xf32>,
        %mul3A_1097 = vector.broadcast %squeeze3A_1035 : f32 to vector<16xf32>
        %mul3A_1098 = arith.mulf %mul3A_1097, %get3A_1096 : vector<16xf32>
        %add3A_1099 = arith.addf %add3A_1033, %mul3A_1098 : vector<16xf32>
        %slice3A_1100 = vector.extract_strided_slice %get3A_707 {offsets = [6], sizes = [1], strides = [1]} : vector<16xf32> to vector<1xf32>
        %squeeze3A_1101 = vector.extract %slice3A_1100[0] : f32 from vector<1xf32>
        %add3A_1102 = arith.constant 6 : i32
        %add3A_1103 = arith.addi %add3A_711, %add3A_1102 : i32
        %get3A_1104 = arith.index_cast %add3A_1103 : i32 to index
        %get3A_1105 = arith.constant 0 : index
        %get3A_1106 = tpu.vector_load %arg8[%get3A_1104, %get3A_1105] {strides = array<i32>} : memref<320x128xf32, #tpu.memory_space<vmem>>, vector<16xf32>,
        %mul3A_1107 = vector.broadcast %squeeze3A_1101 : f32 to vector<16xf32>
        %mul3A_1108 = arith.mulf %mul3A_1107, %get3A_1106 : vector<16xf32>
        %add3A_1109 = arith.addf %add3A_1043, %mul3A_1108 : vector<16xf32>
        %add3A_1110 = arith.constant 6 : i32
        %add3A_1111 = arith.addi %add3A_711, %add3A_1110 : i32
        %get3A_1112 = arith.index_cast %add3A_1111 : i32 to index
        %get3A_1113 = arith.constant 16 : index
        %get3A_1114 = tpu.vector_load %arg8[%get3A_1112, %get3A_1113] {strides = array<i32>} : memref<320x128xf32, #tpu.memory_space<vmem>>, vector<16xf32>,
        %mul3A_1115 = vector.broadcast %squeeze3A_1101 : f32 to vector<16xf32>
        %mul3A_1116 = arith.mulf %mul3A_1115, %get3A_1114 : vector<16xf32>
        %add3A_1117 = arith.addf %add3A_1051, %mul3A_1116 : vector<16xf32>
        %add3A_1118 = arith.constant 6 : i32
        %add3A_1119 = arith.addi %add3A_711, %add3A_1118 : i32
        %get3A_1120 = arith.index_cast %add3A_1119 : i32 to index
        %get3A_1121 = arith.constant 32 : index
        %get3A_1122 = tpu.vector_load %arg8[%get3A_1120, %get3A_1121] {strides = array<i32>} : memref<320x128xf32, #tpu.memory_space<vmem>>, vector<16xf32>,
        %mul3A_1123 = vector.broadcast %squeeze3A_1101 : f32 to vector<16xf32>
        %mul3A_1124 = arith.mulf %mul3A_1123, %get3A_1122 : vector<16xf32>
        %add3A_1125 = arith.addf %add3A_1059, %mul3A_1124 : vector<16xf32>
        %add3A_1126 = arith.constant 6 : i32
        %add3A_1127 = arith.addi %add3A_711, %add3A_1126 : i32
        %get3A_1128 = arith.index_cast %add3A_1127 : i32 to index
        %get3A_1129 = arith.constant 48 : index
        %get3A_1130 = tpu.vector_load %arg8[%get3A_1128, %get3A_1129] {strides = array<i32>} : memref<320x128xf32, #tpu.memory_space<vmem>>, vector<16xf32>,
        %mul3A_1131 = vector.broadcast %squeeze3A_1101 : f32 to vector<16xf32>
        %mul3A_1132 = arith.mulf %mul3A_1131, %get3A_1130 : vector<16xf32>
        %add3A_1133 = arith.addf %add3A_1067, %mul3A_1132 : vector<16xf32>
        %add3A_1134 = arith.constant 6 : i32
        %add3A_1135 = arith.addi %add3A_711, %add3A_1134 : i32
        %get3A_1136 = arith.index_cast %add3A_1135 : i32 to index
        %get3A_1137 = arith.constant 64 : index
        %get3A_1138 = tpu.vector_load %arg8[%get3A_1136, %get3A_1137] {strides = array<i32>} : memref<320x128xf32, #tpu.memory_space<vmem>>, vector<16xf32>,
        %mul3A_1139 = vector.broadcast %squeeze3A_1101 : f32 to vector<16xf32>
        %mul3A_1140 = arith.mulf %mul3A_1139, %get3A_1138 : vector<16xf32>
        %add3A_1141 = arith.addf %add3A_1075, %mul3A_1140 : vector<16xf32>
        %add3A_1142 = arith.constant 6 : i32
        %add3A_1143 = arith.addi %add3A_711, %add3A_1142 : i32
        %get3A_1144 = arith.index_cast %add3A_1143 : i32 to index
        %get3A_1145 = arith.constant 80 : index
        %get3A_1146 = tpu.vector_load %arg8[%get3A_1144, %get3A_1145] {strides = array<i32>} : memref<320x128xf32, #tpu.memory_space<vmem>>, vector<16xf32>,
        %mul3A_1147 = vector.broadcast %squeeze3A_1101 : f32 to vector<16xf32>
        %mul3A_1148 = arith.mulf %mul3A_1147, %get3A_1146 : vector<16xf32>
        %add3A_1149 = arith.addf %add3A_1083, %mul3A_1148 : vector<16xf32>
        %add3A_1150 = arith.constant 6 : i32
        %add3A_1151 = arith.addi %add3A_711, %add3A_1150 : i32
        %get3A_1152 = arith.index_cast %add3A_1151 : i32 to index
        %get3A_1153 = arith.constant 96 : index
        %get3A_1154 = tpu.vector_load %arg8[%get3A_1152, %get3A_1153] {strides = array<i32>} : memref<320x128xf32, #tpu.memory_space<vmem>>, vector<16xf32>,
        %mul3A_1155 = vector.broadcast %squeeze3A_1101 : f32 to vector<16xf32>
        %mul3A_1156 = arith.mulf %mul3A_1155, %get3A_1154 : vector<16xf32>
        %add3A_1157 = arith.addf %add3A_1091, %mul3A_1156 : vector<16xf32>
        %add3A_1158 = arith.constant 6 : i32
        %add3A_1159 = arith.addi %add3A_711, %add3A_1158 : i32
        %get3A_1160 = arith.index_cast %add3A_1159 : i32 to index
        %get3A_1161 = arith.constant 112 : index
        %get3A_1162 = tpu.vector_load %arg8[%get3A_1160, %get3A_1161] {strides = array<i32>} : memref<320x128xf32, #tpu.memory_space<vmem>>, vector<16xf32>,
        %mul3A_1163 = vector.broadcast %squeeze3A_1101 : f32 to vector<16xf32>
        %mul3A_1164 = arith.mulf %mul3A_1163, %get3A_1162 : vector<16xf32>
        %add3A_1165 = arith.addf %add3A_1099, %mul3A_1164 : vector<16xf32>
        %slice3A_1166 = vector.extract_strided_slice %get3A_707 {offsets = [7], sizes = [1], strides = [1]} : vector<16xf32> to vector<1xf32>
        %squeeze3A_1167 = vector.extract %slice3A_1166[0] : f32 from vector<1xf32>
        %add3A_1168 = arith.constant 7 : i32
        %add3A_1169 = arith.addi %add3A_711, %add3A_1168 : i32
        %get3A_1170 = arith.index_cast %add3A_1169 : i32 to index
        %get3A_1171 = arith.constant 0 : index
        %get3A_1172 = tpu.vector_load %arg8[%get3A_1170, %get3A_1171] {strides = array<i32>} : memref<320x128xf32, #tpu.memory_space<vmem>>, vector<16xf32>,
        %mul3A_1173 = vector.broadcast %squeeze3A_1167 : f32 to vector<16xf32>
        %mul3A_1174 = arith.mulf %mul3A_1173, %get3A_1172 : vector<16xf32>
        %add3A_1175 = arith.addf %add3A_1109, %mul3A_1174 : vector<16xf32>
        %add3A_1176 = arith.constant 7 : i32
        %add3A_1177 = arith.addi %add3A_711, %add3A_1176 : i32
        %get3A_1178 = arith.index_cast %add3A_1177 : i32 to index
        %get3A_1179 = arith.constant 16 : index
        %get3A_1180 = tpu.vector_load %arg8[%get3A_1178, %get3A_1179] {strides = array<i32>} : memref<320x128xf32, #tpu.memory_space<vmem>>, vector<16xf32>,
        %mul3A_1181 = vector.broadcast %squeeze3A_1167 : f32 to vector<16xf32>
        %mul3A_1182 = arith.mulf %mul3A_1181, %get3A_1180 : vector<16xf32>
        %add3A_1183 = arith.addf %add3A_1117, %mul3A_1182 : vector<16xf32>
        %add3A_1184 = arith.constant 7 : i32
        %add3A_1185 = arith.addi %add3A_711, %add3A_1184 : i32
        %get3A_1186 = arith.index_cast %add3A_1185 : i32 to index
        %get3A_1187 = arith.constant 32 : index
        %get3A_1188 = tpu.vector_load %arg8[%get3A_1186, %get3A_1187] {strides = array<i32>} : memref<320x128xf32, #tpu.memory_space<vmem>>, vector<16xf32>,
        %mul3A_1189 = vector.broadcast %squeeze3A_1167 : f32 to vector<16xf32>
        %mul3A_1190 = arith.mulf %mul3A_1189, %get3A_1188 : vector<16xf32>
        %add3A_1191 = arith.addf %add3A_1125, %mul3A_1190 : vector<16xf32>
        %add3A_1192 = arith.constant 7 : i32
        %add3A_1193 = arith.addi %add3A_711, %add3A_1192 : i32
        %get3A_1194 = arith.index_cast %add3A_1193 : i32 to index
        %get3A_1195 = arith.constant 48 : index
        %get3A_1196 = tpu.vector_load %arg8[%get3A_1194, %get3A_1195] {strides = array<i32>} : memref<320x128xf32, #tpu.memory_space<vmem>>, vector<16xf32>,
        %mul3A_1197 = vector.broadcast %squeeze3A_1167 : f32 to vector<16xf32>
        %mul3A_1198 = arith.mulf %mul3A_1197, %get3A_1196 : vector<16xf32>
        %add3A_1199 = arith.addf %add3A_1133, %mul3A_1198 : vector<16xf32>
        %add3A_1200 = arith.constant 7 : i32
        %add3A_1201 = arith.addi %add3A_711, %add3A_1200 : i32
        %get3A_1202 = arith.index_cast %add3A_1201 : i32 to index
        %get3A_1203 = arith.constant 64 : index
        %get3A_1204 = tpu.vector_load %arg8[%get3A_1202, %get3A_1203] {strides = array<i32>} : memref<320x128xf32, #tpu.memory_space<vmem>>, vector<16xf32>,
        %mul3A_1205 = vector.broadcast %squeeze3A_1167 : f32 to vector<16xf32>
        %mul3A_1206 = arith.mulf %mul3A_1205, %get3A_1204 : vector<16xf32>
        %add3A_1207 = arith.addf %add3A_1141, %mul3A_1206 : vector<16xf32>
        %add3A_1208 = arith.constant 7 : i32
        %add3A_1209 = arith.addi %add3A_711, %add3A_1208 : i32
        %get3A_1210 = arith.index_cast %add3A_1209 : i32 to index
        %get3A_1211 = arith.constant 80 : index
        %get3A_1212 = tpu.vector_load %arg8[%get3A_1210, %get3A_1211] {strides = array<i32>} : memref<320x128xf32, #tpu.memory_space<vmem>>, vector<16xf32>,
        %mul3A_1213 = vector.broadcast %squeeze3A_1167 : f32 to vector<16xf32>
        %mul3A_1214 = arith.mulf %mul3A_1213, %get3A_1212 : vector<16xf32>
        %add3A_1215 = arith.addf %add3A_1149, %mul3A_1214 : vector<16xf32>
        %add3A_1216 = arith.constant 7 : i32
        %add3A_1217 = arith.addi %add3A_711, %add3A_1216 : i32
        %get3A_1218 = arith.index_cast %add3A_1217 : i32 to index
        %get3A_1219 = arith.constant 96 : index
        %get3A_1220 = tpu.vector_load %arg8[%get3A_1218, %get3A_1219] {strides = array<i32>} : memref<320x128xf32, #tpu.memory_space<vmem>>, vector<16xf32>,
        %mul3A_1221 = vector.broadcast %squeeze3A_1167 : f32 to vector<16xf32>
        %mul3A_1222 = arith.mulf %mul3A_1221, %get3A_1220 : vector<16xf32>
        %add3A_1223 = arith.addf %add3A_1157, %mul3A_1222 : vector<16xf32>
        %add3A_1224 = arith.constant 7 : i32
        %add3A_1225 = arith.addi %add3A_711, %add3A_1224 : i32
        %get3A_1226 = arith.index_cast %add3A_1225 : i32 to index
        %get3A_1227 = arith.constant 112 : index
        %get3A_1228 = tpu.vector_load %arg8[%get3A_1226, %get3A_1227] {strides = array<i32>} : memref<320x128xf32, #tpu.memory_space<vmem>>, vector<16xf32>,
        %mul3A_1229 = vector.broadcast %squeeze3A_1167 : f32 to vector<16xf32>
        %mul3A_1230 = arith.mulf %mul3A_1229, %get3A_1228 : vector<16xf32>
        %add3A_1231 = arith.addf %add3A_1165, %mul3A_1230 : vector<16xf32>
        %slice3A_1232 = vector.extract_strided_slice %get3A_707 {offsets = [8], sizes = [1], strides = [1]} : vector<16xf32> to vector<1xf32>
        %squeeze3A_1233 = vector.extract %slice3A_1232[0] : f32 from vector<1xf32>
        %add3A_1234 = arith.constant 8 : i32
        %add3A_1235 = arith.addi %add3A_711, %add3A_1234 : i32
        %get3A_1236 = arith.index_cast %add3A_1235 : i32 to index
        %get3A_1237 = arith.constant 0 : index
        %get3A_1238 = tpu.vector_load %arg8[%get3A_1236, %get3A_1237] {strides = array<i32>} : memref<320x128xf32, #tpu.memory_space<vmem>>, vector<16xf32>,
        %mul3A_1239 = vector.broadcast %squeeze3A_1233 : f32 to vector<16xf32>
        %mul3A_1240 = arith.mulf %mul3A_1239, %get3A_1238 : vector<16xf32>
        %add3A_1241 = arith.addf %add3A_1175, %mul3A_1240 : vector<16xf32>
        %add3A_1242 = arith.constant 8 : i32
        %add3A_1243 = arith.addi %add3A_711, %add3A_1242 : i32
        %get3A_1244 = arith.index_cast %add3A_1243 : i32 to index
        %get3A_1245 = arith.constant 16 : index
        %get3A_1246 = tpu.vector_load %arg8[%get3A_1244, %get3A_1245] {strides = array<i32>} : memref<320x128xf32, #tpu.memory_space<vmem>>, vector<16xf32>,
        %mul3A_1247 = vector.broadcast %squeeze3A_1233 : f32 to vector<16xf32>
        %mul3A_1248 = arith.mulf %mul3A_1247, %get3A_1246 : vector<16xf32>
        %add3A_1249 = arith.addf %add3A_1183, %mul3A_1248 : vector<16xf32>
        %add3A_1250 = arith.constant 8 : i32
        %add3A_1251 = arith.addi %add3A_711, %add3A_1250 : i32
        %get3A_1252 = arith.index_cast %add3A_1251 : i32 to index
        %get3A_1253 = arith.constant 32 : index
        %get3A_1254 = tpu.vector_load %arg8[%get3A_1252, %get3A_1253] {strides = array<i32>} : memref<320x128xf32, #tpu.memory_space<vmem>>, vector<16xf32>,
        %mul3A_1255 = vector.broadcast %squeeze3A_1233 : f32 to vector<16xf32>
        %mul3A_1256 = arith.mulf %mul3A_1255, %get3A_1254 : vector<16xf32>
        %add3A_1257 = arith.addf %add3A_1191, %mul3A_1256 : vector<16xf32>
        %add3A_1258 = arith.constant 8 : i32
        %add3A_1259 = arith.addi %add3A_711, %add3A_1258 : i32
        %get3A_1260 = arith.index_cast %add3A_1259 : i32 to index
        %get3A_1261 = arith.constant 48 : index
        %get3A_1262 = tpu.vector_load %arg8[%get3A_1260, %get3A_1261] {strides = array<i32>} : memref<320x128xf32, #tpu.memory_space<vmem>>, vector<16xf32>,
        %mul3A_1263 = vector.broadcast %squeeze3A_1233 : f32 to vector<16xf32>
        %mul3A_1264 = arith.mulf %mul3A_1263, %get3A_1262 : vector<16xf32>
        %add3A_1265 = arith.addf %add3A_1199, %mul3A_1264 : vector<16xf32>
        %add3A_1266 = arith.constant 8 : i32
        %add3A_1267 = arith.addi %add3A_711, %add3A_1266 : i32
        %get3A_1268 = arith.index_cast %add3A_1267 : i32 to index
        %get3A_1269 = arith.constant 64 : index
        %get3A_1270 = tpu.vector_load %arg8[%get3A_1268, %get3A_1269] {strides = array<i32>} : memref<320x128xf32, #tpu.memory_space<vmem>>, vector<16xf32>,
        %mul3A_1271 = vector.broadcast %squeeze3A_1233 : f32 to vector<16xf32>
        %mul3A_1272 = arith.mulf %mul3A_1271, %get3A_1270 : vector<16xf32>
        %add3A_1273 = arith.addf %add3A_1207, %mul3A_1272 : vector<16xf32>
        %add3A_1274 = arith.constant 8 : i32
        %add3A_1275 = arith.addi %add3A_711, %add3A_1274 : i32
        %get3A_1276 = arith.index_cast %add3A_1275 : i32 to index
        %get3A_1277 = arith.constant 80 : index
        %get3A_1278 = tpu.vector_load %arg8[%get3A_1276, %get3A_1277] {strides = array<i32>} : memref<320x128xf32, #tpu.memory_space<vmem>>, vector<16xf32>,
        %mul3A_1279 = vector.broadcast %squeeze3A_1233 : f32 to vector<16xf32>
        %mul3A_1280 = arith.mulf %mul3A_1279, %get3A_1278 : vector<16xf32>
        %add3A_1281 = arith.addf %add3A_1215, %mul3A_1280 : vector<16xf32>
        %add3A_1282 = arith.constant 8 : i32
        %add3A_1283 = arith.addi %add3A_711, %add3A_1282 : i32
        %get3A_1284 = arith.index_cast %add3A_1283 : i32 to index
        %get3A_1285 = arith.constant 96 : index
        %get3A_1286 = tpu.vector_load %arg8[%get3A_1284, %get3A_1285] {strides = array<i32>} : memref<320x128xf32, #tpu.memory_space<vmem>>, vector<16xf32>,
        %mul3A_1287 = vector.broadcast %squeeze3A_1233 : f32 to vector<16xf32>
        %mul3A_1288 = arith.mulf %mul3A_1287, %get3A_1286 : vector<16xf32>
        %add3A_1289 = arith.addf %add3A_1223, %mul3A_1288 : vector<16xf32>
        %add3A_1290 = arith.constant 8 : i32
        %add3A_1291 = arith.addi %add3A_711, %add3A_1290 : i32
        %get3A_1292 = arith.index_cast %add3A_1291 : i32 to index
        %get3A_1293 = arith.constant 112 : index
        %get3A_1294 = tpu.vector_load %arg8[%get3A_1292, %get3A_1293] {strides = array<i32>} : memref<320x128xf32, #tpu.memory_space<vmem>>, vector<16xf32>,
        %mul3A_1295 = vector.broadcast %squeeze3A_1233 : f32 to vector<16xf32>
        %mul3A_1296 = arith.mulf %mul3A_1295, %get3A_1294 : vector<16xf32>
        %add3A_1297 = arith.addf %add3A_1231, %mul3A_1296 : vector<16xf32>
        %slice3A_1298 = vector.extract_strided_slice %get3A_707 {offsets = [9], sizes = [1], strides = [1]} : vector<16xf32> to vector<1xf32>
        %squeeze3A_1299 = vector.extract %slice3A_1298[0] : f32 from vector<1xf32>
        %add3A_1300 = arith.constant 9 : i32
        %add3A_1301 = arith.addi %add3A_711, %add3A_1300 : i32
        %get3A_1302 = arith.index_cast %add3A_1301 : i32 to index
        %get3A_1303 = arith.constant 0 : index
        %get3A_1304 = tpu.vector_load %arg8[%get3A_1302, %get3A_1303] {strides = array<i32>} : memref<320x128xf32, #tpu.memory_space<vmem>>, vector<16xf32>,
        %mul3A_1305 = vector.broadcast %squeeze3A_1299 : f32 to vector<16xf32>
        %mul3A_1306 = arith.mulf %mul3A_1305, %get3A_1304 : vector<16xf32>
        %add3A_1307 = arith.addf %add3A_1241, %mul3A_1306 : vector<16xf32>
        %add3A_1308 = arith.constant 9 : i32
        %add3A_1309 = arith.addi %add3A_711, %add3A_1308 : i32
        %get3A_1310 = arith.index_cast %add3A_1309 : i32 to index
        %get3A_1311 = arith.constant 16 : index
        %get3A_1312 = tpu.vector_load %arg8[%get3A_1310, %get3A_1311] {strides = array<i32>} : memref<320x128xf32, #tpu.memory_space<vmem>>, vector<16xf32>,
        %mul3A_1313 = vector.broadcast %squeeze3A_1299 : f32 to vector<16xf32>
        %mul3A_1314 = arith.mulf %mul3A_1313, %get3A_1312 : vector<16xf32>
        %add3A_1315 = arith.addf %add3A_1249, %mul3A_1314 : vector<16xf32>
        %add3A_1316 = arith.constant 9 : i32
        %add3A_1317 = arith.addi %add3A_711, %add3A_1316 : i32
        %get3A_1318 = arith.index_cast %add3A_1317 : i32 to index
        %get3A_1319 = arith.constant 32 : index
        %get3A_1320 = tpu.vector_load %arg8[%get3A_1318, %get3A_1319] {strides = array<i32>} : memref<320x128xf32, #tpu.memory_space<vmem>>, vector<16xf32>,
        %mul3A_1321 = vector.broadcast %squeeze3A_1299 : f32 to vector<16xf32>
        %mul3A_1322 = arith.mulf %mul3A_1321, %get3A_1320 : vector<16xf32>
        %add3A_1323 = arith.addf %add3A_1257, %mul3A_1322 : vector<16xf32>
        %add3A_1324 = arith.constant 9 : i32
        %add3A_1325 = arith.addi %add3A_711, %add3A_1324 : i32
        %get3A_1326 = arith.index_cast %add3A_1325 : i32 to index
        %get3A_1327 = arith.constant 48 : index
        %get3A_1328 = tpu.vector_load %arg8[%get3A_1326, %get3A_1327] {strides = array<i32>} : memref<320x128xf32, #tpu.memory_space<vmem>>, vector<16xf32>,
        %mul3A_1329 = vector.broadcast %squeeze3A_1299 : f32 to vector<16xf32>
        %mul3A_1330 = arith.mulf %mul3A_1329, %get3A_1328 : vector<16xf32>
        %add3A_1331 = arith.addf %add3A_1265, %mul3A_1330 : vector<16xf32>
        %add3A_1332 = arith.constant 9 : i32
        %add3A_1333 = arith.addi %add3A_711, %add3A_1332 : i32
        %get3A_1334 = arith.index_cast %add3A_1333 : i32 to index
        %get3A_1335 = arith.constant 64 : index
        %get3A_1336 = tpu.vector_load %arg8[%get3A_1334, %get3A_1335] {strides = array<i32>} : memref<320x128xf32, #tpu.memory_space<vmem>>, vector<16xf32>,
        %mul3A_1337 = vector.broadcast %squeeze3A_1299 : f32 to vector<16xf32>
        %mul3A_1338 = arith.mulf %mul3A_1337, %get3A_1336 : vector<16xf32>
        %add3A_1339 = arith.addf %add3A_1273, %mul3A_1338 : vector<16xf32>
        %add3A_1340 = arith.constant 9 : i32
        %add3A_1341 = arith.addi %add3A_711, %add3A_1340 : i32
        %get3A_1342 = arith.index_cast %add3A_1341 : i32 to index
        %get3A_1343 = arith.constant 80 : index
        %get3A_1344 = tpu.vector_load %arg8[%get3A_1342, %get3A_1343] {strides = array<i32>} : memref<320x128xf32, #tpu.memory_space<vmem>>, vector<16xf32>,
        %mul3A_1345 = vector.broadcast %squeeze3A_1299 : f32 to vector<16xf32>
        %mul3A_1346 = arith.mulf %mul3A_1345, %get3A_1344 : vector<16xf32>
        %add3A_1347 = arith.addf %add3A_1281, %mul3A_1346 : vector<16xf32>
        %add3A_1348 = arith.constant 9 : i32
        %add3A_1349 = arith.addi %add3A_711, %add3A_1348 : i32
        %get3A_1350 = arith.index_cast %add3A_1349 : i32 to index
        %get3A_1351 = arith.constant 96 : index
        %get3A_1352 = tpu.vector_load %arg8[%get3A_1350, %get3A_1351] {strides = array<i32>} : memref<320x128xf32, #tpu.memory_space<vmem>>, vector<16xf32>,
        %mul3A_1353 = vector.broadcast %squeeze3A_1299 : f32 to vector<16xf32>
        %mul3A_1354 = arith.mulf %mul3A_1353, %get3A_1352 : vector<16xf32>
        %add3A_1355 = arith.addf %add3A_1289, %mul3A_1354 : vector<16xf32>
        %add3A_1356 = arith.constant 9 : i32
        %add3A_1357 = arith.addi %add3A_711, %add3A_1356 : i32
        %get3A_1358 = arith.index_cast %add3A_1357 : i32 to index
        %get3A_1359 = arith.constant 112 : index
        %get3A_1360 = tpu.vector_load %arg8[%get3A_1358, %get3A_1359] {strides = array<i32>} : memref<320x128xf32, #tpu.memory_space<vmem>>, vector<16xf32>,
        %mul3A_1361 = vector.broadcast %squeeze3A_1299 : f32 to vector<16xf32>
        %mul3A_1362 = arith.mulf %mul3A_1361, %get3A_1360 : vector<16xf32>
        %add3A_1363 = arith.addf %add3A_1297, %mul3A_1362 : vector<16xf32>
        %add3A_1364 = arith.constant 16 : i32
        %add3A_1365 = arith.addi %add3A_1364, %scan3A_701 : i32
        %swap3A = arith.index_cast %add3A_1365 : i32 to index
        %swap3A_1366 = arith.constant 0 : index
        %swap3A_1367 = tpu.vector_load %arg9[%swap3A, %swap3A_1366] {strides = array<i32>} : memref<32x128xf32, #tpu.memory_space<vmem>>, vector<16xf32>,
        tpu.vector_store %arg9[%swap3A, %swap3A_1366], %add3A_1307 {strides = array<i32>} : memref<32x128xf32, #tpu.memory_space<vmem>>, vector<16xf32>,
        %add3A_1368 = arith.constant 16 : i32
        %add3A_1369 = arith.addi %add3A_1368, %scan3A_701 : i32
        %swap3A_1370 = arith.index_cast %add3A_1369 : i32 to index
        %swap3A_1371 = arith.constant 16 : index
        %swap3A_1372 = tpu.vector_load %arg9[%swap3A_1370, %swap3A_1371] {strides = array<i32>} : memref<32x128xf32, #tpu.memory_space<vmem>>, vector<16xf32>,
        tpu.vector_store %arg9[%swap3A_1370, %swap3A_1371], %add3A_1315 {strides = array<i32>} : memref<32x128xf32, #tpu.memory_space<vmem>>, vector<16xf32>,
        %add3A_1373 = arith.constant 16 : i32
        %add3A_1374 = arith.addi %add3A_1373, %scan3A_701 : i32
        %swap3A_1375 = arith.index_cast %add3A_1374 : i32 to index
        %swap3A_1376 = arith.constant 32 : index
        %swap3A_1377 = tpu.vector_load %arg9[%swap3A_1375, %swap3A_1376] {strides = array<i32>} : memref<32x128xf32, #tpu.memory_space<vmem>>, vector<16xf32>,
        tpu.vector_store %arg9[%swap3A_1375, %swap3A_1376], %add3A_1323 {strides = array<i32>} : memref<32x128xf32, #tpu.memory_space<vmem>>, vector<16xf32>,
        %add3A_1378 = arith.constant 16 : i32
        %add3A_1379 = arith.addi %add3A_1378, %scan3A_701 : i32
        %swap3A_1380 = arith.index_cast %add3A_1379 : i32 to index
        %swap3A_1381 = arith.constant 48 : index
        %swap3A_1382 = tpu.vector_load %arg9[%swap3A_1380, %swap3A_1381] {strides = array<i32>} : memref<32x128xf32, #tpu.memory_space<vmem>>, vector<16xf32>,
        tpu.vector_store %arg9[%swap3A_1380, %swap3A_1381], %add3A_1331 {strides = array<i32>} : memref<32x128xf32, #tpu.memory_space<vmem>>, vector<16xf32>,
        %add3A_1383 = arith.constant 16 : i32
        %add3A_1384 = arith.addi %add3A_1383, %scan3A_701 : i32
        %swap3A_1385 = arith.index_cast %add3A_1384 : i32 to index
        %swap3A_1386 = arith.constant 64 : index
        %swap3A_1387 = tpu.vector_load %arg9[%swap3A_1385, %swap3A_1386] {strides = array<i32>} : memref<32x128xf32, #tpu.memory_space<vmem>>, vector<16xf32>,
        tpu.vector_store %arg9[%swap3A_1385, %swap3A_1386], %add3A_1339 {strides = array<i32>} : memref<32x128xf32, #tpu.memory_space<vmem>>, vector<16xf32>,
        %add3A_1388 = arith.constant 16 : i32
        %add3A_1389 = arith.addi %add3A_1388, %scan3A_701 : i32
        %swap3A_1390 = arith.index_cast %add3A_1389 : i32 to index
        %swap3A_1391 = arith.constant 80 : index
        %swap3A_1392 = tpu.vector_load %arg9[%swap3A_1390, %swap3A_1391] {strides = array<i32>} : memref<32x128xf32, #tpu.memory_space<vmem>>, vector<16xf32>,
        tpu.vector_store %arg9[%swap3A_1390, %swap3A_1391], %add3A_1347 {strides = array<i32>} : memref<32x128xf32, #tpu.memory_space<vmem>>, vector<16xf32>,
        %add3A_1393 = arith.constant 16 : i32
        %add3A_1394 = arith.addi %add3A_1393, %scan3A_701 : i32
        %swap3A_1395 = arith.index_cast %add3A_1394 : i32 to index
        %swap3A_1396 = arith.constant 96 : index
        %swap3A_1397 = tpu.vector_load %arg9[%swap3A_1395, %swap3A_1396] {strides = array<i32>} : memref<32x128xf32, #tpu.memory_space<vmem>>, vector<16xf32>,
        tpu.vector_store %arg9[%swap3A_1395, %swap3A_1396], %add3A_1355 {strides = array<i32>} : memref<32x128xf32, #tpu.memory_space<vmem>>, vector<16xf32>,
        %add3A_1398 = arith.constant 16 : i32
        %add3A_1399 = arith.addi %add3A_1398, %scan3A_701 : i32
        %swap3A_1400 = arith.index_cast %add3A_1399 : i32 to index
        %swap3A_1401 = arith.constant 112 : index
        %swap3A_1402 = tpu.vector_load %arg9[%swap3A_1400, %swap3A_1401] {strides = array<i32>} : memref<32x128xf32, #tpu.memory_space<vmem>>, vector<16xf32>,
        tpu.vector_store %arg9[%swap3A_1400, %swap3A_1401], %add3A_1363 {strides = array<i32>} : memref<32x128xf32, #tpu.memory_space<vmem>>, vector<16xf32>,
      }
      %scan3A_688 = arith.constant 16 : i32
      %mul3A_689 = arith.constant 16 : i32
      %mul3A_690 = arith.muli %min3A_437, %mul3A_689 : i32
      %dma_start3A_691 = arith.constant 16 : i32
      %dma_start3A_692 = arith.constant 0 : i32
      %dma_start3A_693 = tpu.memref_slice %arg9[%dma_start3A_691, %dma_start3A_692] : memref<32x128xf32, #tpu.memory_space<vmem>> -> memref<16x128xf32, #tpu.memory_space<vmem>>
      %dma_start3A_694 = arith.constant 0 : i32
      %dma_start3A_695 = tpu.memref_slice %arg5[%mul3A_690, %dma_start3A_694] : memref<50000x128xf32, #tpu.memory_space<hbm>> -> memref<16x128xf32, #tpu.memory_space<hbm>>
      %dma_start3A_696 = arith.constant 0 : i32
      %dma_start3A_697 = tpu.memref_slice %arg5[%mul3A_690, %dma_start3A_696] : memref<50000x128xf32, #tpu.memory_space<hbm>> -> memref<16x128xf32, #tpu.memory_space<hbm>>
      %dma_start3A_698 = arith.constant 16 : i32
      %dma_start3A_699 = arith.constant 0 : i32
      %dma_start3A_700 = tpu.memref_slice %arg9[%dma_start3A_698, %dma_start3A_699] : memref<32x128xf32, #tpu.memory_space<vmem>> -> memref<16x128xf32, #tpu.memory_space<vmem>>
      tpu.enqueue_dma source(%dma_start3A_700 : memref<16x128xf32, #tpu.memory_space<vmem>>) target(%dma_start3A_697 : memref<16x128xf32, #tpu.memory_space<hbm>>) target_semaphore(%arg14 : memref<!tpu.dma_semaphore, #tpu.memory_space<semaphore_mem>>)
    }
    %scan3A_104 = arith.constant 49 : i32
    %add3A_105 = arith.constant 98 : i32
    %add3A_106 = arith.addi %select_n3A, %add3A_105 : i32
    %sub3A_107 = arith.constant 2 : i32
    %sub3A_108 = arith.subi %add3A_106, %sub3A_107 : i32
    %add3A_109 = arith.constant 0 : i32
    %add3A_110 = arith.addi %sub3A_108, %add3A_109 : i32
    %min3A_111 = arith.minsi %add3A_110, %sub3A_48 : i32
    %mul3A_112 = arith.constant 16 : i32
    %mul3A_113 = arith.muli %min3A_111, %mul3A_112 : i32
    %dma_wait3A = arith.constant 0 : i32
    %dma_wait3A_114 = arith.constant 0 : i32
    %dma_wait3A_115 = tpu.memref_slice %arg9[%dma_wait3A, %dma_wait3A_114] : memref<32x128xf32, #tpu.memory_space<vmem>> -> memref<16x128xf32, #tpu.memory_space<vmem>>
    %dma_wait3A_116 = arith.constant 0 : i32
    %dma_wait3A_117 = tpu.memref_slice %arg5[%mul3A_113, %dma_wait3A_116] : memref<50000x128xf32, #tpu.memory_space<hbm>> -> memref<16x128xf32, #tpu.memory_space<hbm>>
    %dma_wait3A_118 = arith.constant 0 : i32
    %dma_wait3A_119 = tpu.memref_slice %arg5[%mul3A_113, %dma_wait3A_118] : memref<50000x128xf32, #tpu.memory_space<hbm>> -> memref<16x128xf32, #tpu.memory_space<hbm>>
    %dma_wait3A_120 = arith.constant 0 : i32
    %dma_wait3A_121 = arith.constant 0 : i32
    %dma_wait3A_122 = tpu.memref_slice %arg9[%dma_wait3A_120, %dma_wait3A_121] : memref<32x128xf32, #tpu.memory_space<vmem>> -> memref<16x128xf32, #tpu.memory_space<vmem>>
    tpu.wait_dma2 semaphore(%arg13 : memref<!tpu.dma_semaphore, #tpu.memory_space<semaphore_mem>>) src(%dma_wait3A_122 : memref<16x128xf32, #tpu.memory_space<vmem>>) dst(%dma_wait3A_119 : memref<16x128xf32, #tpu.memory_space<hbm>>)
    %add3A_123 = arith.constant 98 : i32
    %add3A_124 = arith.addi %select_n3A, %add3A_123 : i32
    %sub3A_125 = arith.constant 2 : i32
    %sub3A_126 = arith.subi %add3A_124, %sub3A_125 : i32
    %add3A_127 = arith.constant 1 : i32
    %add3A_128 = arith.addi %sub3A_126, %add3A_127 : i32
    %min3A_129 = arith.minsi %add3A_128, %sub3A_48 : i32
    %mul3A_130 = arith.constant 16 : i32
    %mul3A_131 = arith.muli %min3A_129, %mul3A_130 : i32
    %dma_wait3A_132 = arith.constant 16 : i32
    %dma_wait3A_133 = arith.constant 0 : i32
    %dma_wait3A_134 = tpu.memref_slice %arg9[%dma_wait3A_132, %dma_wait3A_133] : memref<32x128xf32, #tpu.memory_space<vmem>> -> memref<16x128xf32, #tpu.memory_space<vmem>>
    %dma_wait3A_135 = arith.constant 0 : i32
    %dma_wait3A_136 = tpu.memref_slice %arg5[%mul3A_131, %dma_wait3A_135] : memref<50000x128xf32, #tpu.memory_space<hbm>> -> memref<16x128xf32, #tpu.memory_space<hbm>>
    %dma_wait3A_137 = arith.constant 0 : i32
    %dma_wait3A_138 = tpu.memref_slice %arg5[%mul3A_131, %dma_wait3A_137] : memref<50000x128xf32, #tpu.memory_space<hbm>> -> memref<16x128xf32, #tpu.memory_space<hbm>>
    %dma_wait3A_139 = arith.constant 16 : i32
    %dma_wait3A_140 = arith.constant 0 : i32
    %dma_wait3A_141 = tpu.memref_slice %arg9[%dma_wait3A_139, %dma_wait3A_140] : memref<32x128xf32, #tpu.memory_space<vmem>> -> memref<16x128xf32, #tpu.memory_space<vmem>>
    tpu.wait_dma2 semaphore(%arg14 : memref<!tpu.dma_semaphore, #tpu.memory_space<semaphore_mem>>) src(%dma_wait3A_141 : memref<16x128xf32, #tpu.memory_space<vmem>>) dst(%dma_wait3A_138 : memref<16x128xf32, #tpu.memory_space<hbm>>)
    return
  }
}

</mosaic_0001>

<sc_bundles>
// kernel: kernel.3.cloned.1.call-start
scs
__scs_entry_jumppad:
0x0: {  	(pc) =	sbr.rel $0x88, $3  }
0x1: {  	(tag) =	ssettag $0x0;
	lr =	simm.s32 $0x1  }
0x2: {  	[smem:$0x3F9E] =	sst lr;
	_ =	strace $0xD0000000  }
0x3: {  	_ = 	snop  }
0x4: {  	_ = 	snop  }
0x5: {  	_ = 	snop  }
0x6: {  	_ = 	snop  }
0x7: {  	_ = 	snop  }
__scs_overlays_trampoline_lowered:
0x8: {  	[smem:$0x3FAD] =	sst s0  }
0x9: {  	[smem:$0x3FAE] =	sst s1  }
0xa: {  	[smem:$0x3FAF] =	sst s2  }
0xb: {  	[smem:$0x3FB0] =	sst s3  }
0xc: {  	[smem:$0x3FB1] =	sst s4  }
0xd: {  	[smem:$0x3FB2] =	sst s5  }
0xe: {  	[smem:$0x3FB3] =	sst s6  }
0xf: {  	[smem:$0x3FB4] =	sst s7  }
0x10: {  	[smem:$0x3FB5] =	sst s8  }
0x11: {  	[smem:$0x3FB6] =	sst s9;
	s0 =	simm.s32 @!p0 $0x0  }
0x12: {  	s1 =	sld [smem:$0x3F9C];
	s0 =	simm.s32 @p0 $0x1  }
0x13: {  	[smem:$0x3FB7] =	sst s0;
	s0 =	simm.s32 @!p1 $0x0  }
0x14: {  	s2 =	sld [smem:$0x3F9B];
	s0 =	simm.s32 @p1 $0x1  }
0x15: {  	[smem:$0x3FB8] =	sst s0;
	s0 =	simm.s32 @!p2 $0x0  }
0x16: {  	s3 =	sld [smem:$0x3FDB];
	s0 =	simm.s32 @p2 $0x1  }
0x17: {  	s4 =	simm.s32 $0x1BF5;
	[smem:$0x3FBA] =	sst s0  }
0x18: {  	s0 =	sld [smem:$0x3F9D];
	_ =	swait.ge [sflag:s4], $0x0  }
0x19: {  	s7 =	sld [smem:$0x3F9E]  }
0x1a: {  	s8 =	sadd.s32 $0xFFFFE003, lr  }
0x1b: {  	s9 =	sadd.s32 $0xFFFFFEF7, lr;
	s5 =	simm.s32 $0xFFFFFFFF;
	p2 =	slt.u32 s8, $0xFFFFF086  }
0x1c: {  	p1 =	slt.u32 s9, $0xF7A;
	s5 =	simm.s32 @!p2 $0x0  }
0x1d: {  	s5 =	simm.s32 @p1 $0x1;
	p0 =	seq.s32 s7, s2  }
0x1e: {  	s7 =	smul.u32 @!p0 $0xF7A, s2;
	p2 =	seq.s32 @!p0 s5, $0x0  }
0x1f: {  	s9 =	smul.u32 $0xF7A, s1;
	s8 =	simm.s32 @!p0 $0x1BF5;
	p2 =	por !p2, p0  }
0x20: {  	[sflag:s8] =	ssyncset.s32 @!p0 $0xFFFFF086;
	s6 =	sadd.s32 @!p0 s3, s7;
	s7 =	simm.s32 @!p0 $0x108  }
0x21: {  	s3 =	sadd.s32 s3, s9;
	s6 =	sadd.s32 @!p0 $0x88, s6;
	s7 =	simm.s32 @p2 $0x1082  }
0x22: {  	[simem:s7], [sflag:s8] =	dma.local @!p0 [hbm:s6], $0xF7A  }
0x23: {  	s9 =	sor.u32 $0xD0000000, s2;
	s6 =	simm.s32 $0x108;
	_ =	swait.ge @!p0 [sflag:s8], $0x0  }
0x24: {  	s3 =	sadd.s32 $0x88, s3;
	s6 =	simm.s32 @!p1 $0x1082;
	[sflag:s4] =	ssyncset.s32 $0xFFFFF086  }
0x25: {  	[simem:s6], [sflag:s4] =	dma.local [hbm:s3], $0xF7A  }
0x26: {  	[smem:$0x3F9E] =	sst s1;
	(tag) =	ssettag s2;
	_ =	strace s9  }
0x27: {  	s1 =	sld [smem:$0x3FAE]  }
0x28: {  	s2 =	sld [smem:$0x3FAF]  }
0x29: {  	s4 =	sld [smem:$0x3FB1]  }
0x2a: {  	p0 =	seq.s32 s5, $0x0;
	s5 =	sld [smem:$0x3FB2]  }
0x2b: {  	s6 =	sld [smem:$0x3FB3]  }
0x2c: {  	s7 =	sld [smem:$0x3FB4]  }
0x2d: {  	s3 =	simm.s32 $0x108;
	s8 =	sld [smem:$0x3FB5]  }
0x2e: {  	s3 =	simm.s32 @!p0 $0x1082;
	s9 =	sld [smem:$0x3FB6]  }
0x2f: {  	lr =	sadd.s32 s0, s3;
	s0 =	sld [smem:$0x3FAD]  }
0x30: {  	s3 =	sld [smem:$0x3FB0]  }
0x31: {  	[smem:$0x3FB9] =	sst s10  }
0x32: {  	s10 =	sld [smem:$0x3FB7];
	_ =	sdelay $0x3  }
0x33: {  	p0 =	seq.s32 s10, $0x1;
	s10 =	sld [smem:$0x3FB9];
	_ =	sdelay $0x3  }
0x34: {  	[smem:$0x3FB9] =	sst s10  }
0x35: {  	s10 =	sld [smem:$0x3FB8];
	_ =	sdelay $0x3  }
0x36: {  	p1 =	seq.s32 s10, $0x1;
	s10 =	sld [smem:$0x3FB9];
	_ =	sdelay $0x3  }
0x37: {  	[smem:$0x3FB9] =	sst s10  }
0x38: {  	s10 =	sld [smem:$0x3FBA]  }
0x39: {  	_ = 	snop;
	(pc) =	sbr.ind lr, $3  }
0x3a: {  	_ = 	snop  }
0x3b: {  	_ = 	snop  }
0x3c: {  	p2 =	seq.s32 s10, $0x1;
	s10 =	sld [smem:$0x3FB9]  }
0x3d: {  	_ =	shalt  }
0x3e: {  	_ =	shalt  }
0x3f: {  	_ =	shalt  }
0x40: {  	_ =	shalt  }
0x41: {  	_ =	shalt  }
0x42: {  	_ =	shalt  }
0x43: {  	_ =	shalt  }
0x44: {  	_ =	shalt  }
0x45: {  	_ =	shalt  }
0x46: {  	_ =	shalt  }
0x47: {  	_ =	shalt  }
0x48: {  	_ =	shalt  }
0x49: {  	_ =	shalt  }
0x4a: {  	_ =	shalt  }
0x4b: {  	_ =	shalt  }
0x4c: {  	_ =	shalt  }
0x4d: {  	_ =	shalt  }
0x4e: {  	_ =	shalt  }
0x4f: {  	_ =	shalt  }
0x50: {  	_ =	shalt  }
0x51: {  	_ =	shalt  }
0x52: {  	_ =	shalt  }
0x53: {  	_ =	shalt  }
0x54: {  	_ =	shalt  }
0x55: {  	_ =	shalt  }
0x56: {  	_ =	shalt  }
0x57: {  	_ =	shalt  }
0x58: {  	_ =	shalt  }
0x59: {  	_ =	shalt  }
0x5a: {  	_ =	shalt  }
0x5b: {  	_ =	shalt  }
0x5c: {  	_ =	shalt  }
0x5d: {  	_ =	shalt  }
0x5e: {  	_ =	shalt  }
0x5f: {  	_ =	shalt  }
0x60: {  	_ =	shalt  }
0x61: {  	_ =	shalt  }
0x62: {  	_ =	shalt  }
0x63: {  	_ =	shalt  }
0x64: {  	_ =	shalt  }
0x65: {  	_ =	shalt  }
0x66: {  	_ =	shalt  }
0x67: {  	_ =	shalt  }
0x68: {  	_ =	shalt  }
0x69: {  	_ =	shalt  }
0x6a: {  	_ =	shalt  }
0x6b: {  	_ =	shalt  }
0x6c: {  	_ =	shalt  }
0x6d: {  	_ =	shalt  }
0x6e: {  	_ =	shalt  }
0x6f: {  	_ =	shalt  }
0x70: {  	_ =	shalt  }
0x71: {  	_ =	shalt  }
0x72: {  	_ =	shalt  }
0x73: {  	_ =	shalt  }
0x74: {  	_ =	shalt  }
0x75: {  	_ =	shalt  }
0x76: {  	_ =	shalt  }
0x77: {  	_ =	shalt  }
0x78: {  	_ =	shalt  }
0x79: {  	_ =	shalt  }
0x7a: {  	_ =	shalt  }
0x7b: {  	_ =	shalt  }
0x7c: {  	_ =	shalt  }
0x7d: {  	_ =	shalt  }
0x7e: {  	_ =	shalt  }
0x7f: {  	_ =	shalt  }
0x80: {  	_ =	shalt  }
0x81: {  	_ =	shalt  }
0x82: {  	_ =	shalt  }
0x83: {  	_ =	shalt  }
0x84: {  	_ =	shalt  }
0x85: {  	_ =	shalt  }
0x86: {  	_ =	shalt  }
0x87: {  	_ =	shalt  }
.Lfunc_end0:
.L_simem_size_0:
called_computation_lowered:
.L_overlay_start_0:
0x88: {  	s2 =	sld [smem:$0x3FD9]  }
0x89: {  	s3 =	sld [smem:$0x3FFE];
	_ =	sdelay $0x1  }
0x8a: {  	s1 =	srdreg.scid  }
0x8b: {  	s0 =	sand.u32 $0x1, s1  }
0x8c: {  	s17 =	sshll.u32 s0, $0xA;
	s2 =	sadd.s32 s3, s2  }
0x8d: {  	s2 =	sadd.s32 s2, s17  }
0x8e: {  	[smem:$0x3FC5] =	sst s2  }
0x8f: {  	_ = 	snop  }
0x90: {  	s2 =	sld [smem:$0x3FC9]  }
0x91: {  	s18 =	sld [smem:$0x3FD0];
	(tm) =	ssettm $0x1  }
0x92: {  	s4 =	sld [smem:$0x3FFB];
	_ =	sdelay $0x3  }
0x93: {  	_ =	strace s4  }
0x94: {  	s4 =	sld [smem:$0x3FFC];
	_ =	sdelay $0x3  }
0x95: {  	_ =	strace s4  }
0x96: {  	s4 =	sld [smem:$0x3FFD];
	_ =	sdelay $0x3  }
0x97: {  	_ =	strace s4  }
0x98: {  	_ =	strace $0x8FFFFFFF  }
0x99: {  	s19 =	sld [smem:$0x3FDB];
	_ =	sdelay $0x1  }
0x9a: {  	s5 =	simm.s32 $_scs_section_size  }
0x9b: {  	s6 =	simm.s32 $_size__tile_overlayer_lowered;
	s7 =	simm.s32 $_tile_overlayer_lowered  }
0x9c: {  	s22 =	simm.s32 $0x1BFF;
	s21 =	sshll.u32 s7, $0x1;
	s4 =	sadd.s32 s5, s19  }
0x9d: {  	s8 =	simm.s32 $0x0;
	s20 =	sshll.u32 s6, $0x1;
	s6 =	sadd.s32 s21, s4  }
0x9e: {  	[timem:s8], [sflag:s22] =	dma.local [hbm:s6], s20  }
0x9f: {  	_ =	swait.ge [sflag:s22], s20  }
0xa0: {  	s5 =	ssub.s32 $0x0, s20;
	[sflag:s22] =	ssyncset.done $0x0  }
0xa1: {  	[sflag:s22] =	ssyncadd.s32 s5;
	_ =	sdelay $0x1  }
0xa2: {  	s23 =	simm.s32 $0x1B8B  }
0xa3: {  	_ =	swait.ge [sflag:s23], $0x1  }
0xa4: {  	[sflag:s23] =	ssyncset.done $0x0  }
0xa5: {  	s25 =	simm.s32 $0x1B8E;
	s24 =	sld [smem:$0x3FFE];
	[sflag:s23] =	ssyncadd.s32 $0xFFFFFFFF  }
0xa6: {  	s26 =	simm.s32 $execute0_lowered;
	[smem:$0x3FD2] =	sst s25  }
0xa7: {  	s6 =	sshll.u32 s26, $0x1;
	_ =	strace $0x80000046;
	[dreg:$0x1] =	wrdreg $0xFFFFFFFF  }
0xa8: {  	s28 =	simm.s32 $_size_execute0_lowered;
	s4 =	sadd.s32 s4, s6;
	[dreg:$0x0] =	wrdreg $0x0  }
0xa9: {  	s6 =	sshll.u32 s28, $0x1;
	[dreg:$0x2] =	wrdreg s4  }
0xaa: {  	[dreg:$0x3] =	wrdreg s6  }
0xab: {  	[dreg:$0x4] =	wrdreg $0xC0  }
0xac: {  	_ =	task [dreg:s8], $0x5FFFF  }
0xad: {  	[dreg:$0x1] =	wrdreg $0xFFFFFFFF  }
0xae: {  	[dreg:$0x0] =	wrdreg $0x60  }
0xaf: {  	[dreg:$0x2] =	wrdreg s2  }
0xb0: {  	[dreg:$0x3] =	wrdreg s24  }
0xb1: {  	[dreg:$0x4] =	wrdreg s18  }
0xb2: {  	[dreg:$0x5] =	wrdreg $0x9  }
0xb3: {  	_ =	task.clear_ibuf [dreg:s8], $0x6FFFF;
	_ =	strace $0x90000046  }
0xb4: {  	s29 =	simm.s32 $0x9;
	_ =	strace $0x80000048  }
0xb5: {  	_ =	swait.ge [sflag:s29], $0x1  }
0xb6: {  	[sflag:s29] =	ssyncadd.s32 $0xFFFFFFFF  }
0xb7: {  	_ =	strace $0x90000048  }
0xb8: {  	_ =	sfence  }
0xb9: {  	s30 =	sld [smem:$0x0];
	_ =	sdelay $0x2  }
0xba: {  	s31 =	sshll.u32 s1, $0xD;
	s1 =	sshrl.u32 s1, $0x2  }
0xbb: {  	s3 =	sand.u32 $0x4000, s31;
	s1 =	sadd.s32 s1, s30  }
0xbc: {  	s0 =	sor.u32 s3, s0;
	s1 =	sshll.u32 s1, $0x11  }
0xbd: {  	s0 =	sor.u32 s1, s0  }
0xbe: {  	s0 =	sadd.s32 $0x8F2B, s0  }
0xbf: {  	[sflag:s0] =	ssyncadd.remote.s32 $0x1  }
0xc0: {  	_ =	sfence.sel $0xFFFF  }
0xc1: {  	[dreg:$0x0] =	wrdreg $0xFFFFFFFF;
	(pc) =	sbr.abs _section_cstart, $3  }
0xc2: {  	[dreg:$0x1] =	wrdreg $0xFFFFFFFF  }
0xc3: {  	_ =	task.clear_ibuf [dreg:s8], $0x2FFFF;
	_ =	strace $0x9FFFFFFF  }
0xc4: {  	(tm) =	ssettm $0x7FFFFFFF  }
0xc5: {  	_ =	shalt  }
tec
execute0_lowered:
.L_overlay_start_1:
0x0: {  	(tag) =	ssettag $0x1  }
0x1: {  	s0 =	srdreg.scid;
	s1 =	stileid.u32  }
0x2: {  	s0 =	sand.u32 $0x1, s0;
	s1 =	sshll.u32 s1, $0x1  }
0x3: {  	s1 =	sor.u32 s0, s1  }
0x4: {  	s2 =	smul.u32 $0xC35, s1;
	_ =	sdelay $0x1  }
0x5: {  	v5 =	vlaneseq.u32;
	s3 =	sadd.s32 $0xC35, s2  }
0x6: {  	s5 =	rddreg [dreg:$0x1];
	v0 =	vmul.u32 $0xA, v5;
	v5 =	vmul.u32 $0x10, v5;
	s6 =	sshrl.u32 s3, $0x5  }
0x7: {  	s1 =	rddreg [dreg:$0x0];
	s31 =	sadd.s32 $0xFFFFFFFF, s6;
	s6 =	simm.s32 $0x0  }
0x8: {  	v11 =	vor.u32 $0x1, v5;
	[smem:$0x7FF] =	sst s6  }
0x9: {  	s3 =	rddreg [dreg:$0x2];
	_ =	strace $0x80000047;
	[tilespmem:$0x1FF20] =	vst v11;
	v11 =	vor.u32 $0x2, v5  }
0xa: {  	[tilespmem:$0x1FF30] =	vst v11;
	v11 =	vor.u32 $0x3, v5  }
0xb: {  	[tilespmem:$0x1FF40] =	vst v11;
	v11 =	vor.u32 $0x4, v5  }
0xc: {  	[tilespmem:$0x1FF50] =	vst v11;
	v11 =	vor.u32 $0x5, v5  }
0xd: {  	s15 =	simm.s32 $0x5;
	s16 =	simm.s32 $0x50;
	s19 =	simm.s32 $0x8E00;
	[tilespmem:$0x1FF60] =	vst v11;
	v11 =	vor.u32 $0x6, v5  }
0xe: {  	s20 =	simm.s32 $0xB600;
	s21 =	simm.s32 $0xEE00;
	s22 =	simm.s32 $0x1;
	[tilespmem:$0x1FF70] =	vst v11;
	v11 =	vor.u32 $0x7, v5  }
0xf: {  	s23 =	simm.s32 $0xDE00;
	s24 =	simm.s32 $0x2;
	s25 =	simm.s32 $0xE600;
	[tilespmem:$0x1FF80] =	vst v11;
	v11 =	vor.u32 $0x8, v5  }
0x10: {  	s28 =	simm.s32 $0x4;
	s0 =	ssub.s32 $0x2, s0;
	v1 =	vor.u32 $0x1, v0;
	s4 =	sshrl.u32 s2, $0x5;
	[tilespmem:$0x1FF90] =	vst v11;
	v11 =	vor.u32 $0x9, v5  }
0x11: {  	s29 =	simm.s32 $0x0;
	v2 =	vadd.s32 $0x2, v0;
	v3 =	vadd.s32 $0x3, v0;
	s26 =	sshrl.u32 s0, $0x1;
	s2 =	smax.u32 s4, s31;
	[tilespmem:$0x1FFA0] =	vst v11;
	v11 =	vor.u32 $0x100, v5  }
0x12: {  	v4 =	vadd.s32 $0x4, v0;
	v6 =	vadd.s32 $0x5, v0;
	s0 =	ssub.s32 s0, s26;
	s7 =	smul.u32 $0x14, s4;
	s2 =	ssub.s32 s2, s31;
	[tilespmem:$0x1FFB0] =	vst v11;
	v11 =	vor.u32 $0x101, v5  }
0x13: {  	v7 =	vadd.s32 $0x6, v0;
	v8 =	vadd.s32 $0x7, v0;
	s26 =	simm.s32 $0x3;
	s13 =	smax.u32 s0, $0x1;
	s2 =	smul.u32 $0xFFFFFD80, s2;
	[tilespmem:$0x1FFC0] =	vst v11;
	v11 =	vor.u32 $0x102, v5  }
0x14: {  	v9 =	vadd.s32 $0x8, v0;
	v10 =	vadd.s32 $0x9, v0;
	s11 =	sadd.s32 $0x1, s4;
	s7 =	sadd.s32 s7, s5;
	s5 =	sadd.s32 $0x400, s5;
	[tilespmem:$0x1FFD0] =	vst v11;
	v11 =	vor.u32 $0x103, v5  }
0x15: {  	v25 =	vor.u32 $0x105, v5;
	v26 =	vor.u32 $0x106, v5;
	[dreg:$0x4] =	wrdreg s5;
	s30 =	sadd.s32 $0x600, s7;
	s8 =	sshra.s32 s2, $0x2;
	[tilespmem:$0x1FFE0] =	vst v11;
	v11 =	vor.u32 $0x104, v5  }
0x16: {  	v27 =	vor.u32 $0x107, v5;
	v28 =	vor.u32 $0x108, v5;
	v24 =	vmovc v5;
	v29 =	vor.u32 $0x109, v5;
	s12 =	sadd.s32 $0x2, s4;
	[dreg:$0x5] =	wrdreg s30;
	s10 =	sadd.s32 $0x50, s8;
	[tilespmem:$0x1FFF0] =	vst v11  }
.LBB2_1:
0x17: {  	s0 =	rddreg [dreg:$0x4];
	s2 =	simm.s32 $0x3D80  }
0x18: {  	[tilespmem:s2], [sflag:$0x5] =	stream.linear.gather [hbm4b:s0+s6], $0x80, $0x38;
	[tilespmem:$0xF000] =	vst v63  }
0x19: {  	_ =	swait.ge [sflag:s15], $0x80  }
0x1a: {  	[sflag:s15] =	ssyncset.done $0x0  }
0x1b: {  	s14 =	rddreg [dreg:$0x5];
	[sflag:s15] =	ssyncadd.s32 $0xFFFFFF80  }
0x1c: {  	[tilespmem:s6], [sflag:$0x5] =	stream.linear.gather [hbm4b:s14+s6], $0x3D40, $0x38;
	[tilespmem:$0xF000] =	vst v63  }
0x1d: {  	_ =	swait.ge [sflag:s15], $0x3D40  }
0x1e: {  	[sflag:s15] =	ssyncset.done $0x0  }
0x1f: {  	[sflag:s15] =	ssyncadd.s32 $0xFFFFC2C0  }
0x20: {  	v39 =	vld [tilespmem:$0x3D80];
	_ =	sdelay $0x4  }
0x21: {  	v30 =	vbroadcast v39, $0x0;
	v31 =	vbroadcast v39, $0x1  }
0x22: {  	s17 =	simm.s32 $0x3E00;
	v32 =	vbroadcast v39, $0x2;
	v33 =	vbroadcast v39, $0x3  }
0x23: {  	[tilespmem:s17], [sflag:$0x1] =	stream.indirect.gather [hbm4b:s1+s16], $0x80, s8, s16, $0xb8;
	v34 =	vbroadcast v39, $0x4;
	v35 =	vbroadcast v39, $0x5;
	[tilespmem:$0xF000] =	vst v63  }
0x24: {  	s18 =	simm.s32 $0x6600;
	s30 =	simm.s32 $0x0;
	v36 =	vbroadcast v39, $0x6;
	v37 =	vbroadcast v39, $0x7  }
0x25: {  	[tilespmem:s18], [sflag:$0x1] =	stream.indirect.gather [hbm4b:s1+s16], $0x80, s10, s16, $0xb8;
	v38 =	vbroadcast v39, $0x8;
	v39 =	vbroadcast v39, $0x9;
	[tilespmem:$0xF000] =	vst v63  }
.LBB2_2:
0x26: {  	s0 =	sshll.u32 s30, $0x1  }
0x27: {  	s2 =	sadd.s32 s4, s0  }
0x28: {  	s5 =	smov.u32 s31;
	p0 =	slt.s32 s2, s31  }
0x29: {  	s7 =	sadd.s32 s0, s11;
	s5 =	smov.u32 @p0 s2  }
0x2a: {  	s14 =	smov.u32 s31;
	p0 =	slt.s32 s7, s31;
	s2 =	ssub.s32 s5, s4  }
0x2b: {  	s14 =	smov.u32 @p0 s7;
	s9 =	smul.u32 $0xA0, s2  }
0x2c: {  	s18 =	ssub.s32 s14, s4  }
0x2d: {  	s2 =	smul.u32 $0xA0, s18;
	v40 =	vadd.s32 s9, v0  }
0x2e: {  	v41 =	vadd.s32 s9, v1  }
0x2f: {  	v42 =	vadd.s32 s9, v2;
	[tilespmem:s19], [sflag:$0x2] =	stream.indirect.gather [hbm4b:s1+s16], $0x80, s2, s16, $0xb8;
	[tilespmem:$0xF000] =	vst v63  }
0x30: {  	v43 =	vadd.s32 s9, v3;
	s17 =	sadd.s32 $0x50, s2  }
0x31: {  	v44 =	vadd.s32 s9, v4;
	[tilespmem:s20], [sflag:$0x2] =	stream.indirect.gather [hbm4b:s1+s16], $0x80, s17, s16, $0xb8;
	[tilespmem:$0xF000] =	vst v63  }
0x32: {  	v45 =	vadd.s32 s9, v6;
	v40 =	vld.idx.msk [tilespmem:v40+s6+$0x0], $0xffff  }
0x33: {  	v46 =	vadd.s32 s9, v7;
	v41 =	vld.idx.msk [tilespmem:v41+s6+$0x0], $0xffff  }
0x34: {  	v47 =	vadd.s32 s9, v8;
	v42 =	vld.idx.msk [tilespmem:v42+s6+$0x0], $0xffff  }
0x35: {  	v43 =	vld.idx.msk [tilespmem:v43+s6+$0x0], $0xffff  }
0x36: {  	v44 =	vld.idx.msk [tilespmem:v44+s6+$0x0], $0xffff  }
0x37: {  	v45 =	vld.idx.msk [tilespmem:v45+s6+$0x0], $0xffff  }
0x38: {  	v46 =	vld.idx.msk [tilespmem:v46+s6+$0x0], $0xffff  }
0x39: {  	v48 =	vadd.s32 s9, v9;
	v47 =	vld.idx.msk [tilespmem:v47+s6+$0x0], $0xffff  }
0x3a: {  	v49 =	vadd.s32 s9, v10;
	vm0 =	veq.s32 v41, v40;
	vm1 =	veq.s32 v42, v40  }
0x3b: {  	vm2 =	veq.s32 v42, v41;
	vm3 =	veq.s32 v43, v40;
	vm4 =	veq.s32 v43, v41  }
0x3c: {  	vm12 =	veq.s32 v43, v42;
	vm13 =	veq.s32 v44, v40;
	vm14 =	veq.s32 v44, v41  }
0x3d: {  	vm6 =	veq.s32 v44, v42;
	vm8 =	veq.s32 v44, v43;
	vm9 =	veq.s32 v45, v40  }
0x3e: {  	vm5 =	veq.s32 v47, v46;
	v50 =	vsel vm0, $0x0, v31;
	vm10 =	vmor vm1, vm2  }
0x3f: {  	vm11 =	vmor vm3, vm4;
	vm15 =	vmor vm13, vm14;
	vm14 =	veq.s32 v45, v43  }
0x40: {  	v49 =	vld.idx.msk [tilespmem:v49+s6+$0x0], $0xffff;
	vm1 =	vmor vm12, vm11;
	v51 =	vsel vm10, $0x0, v32;
	vm7 =	vmor vm6, vm15  }
0x41: {  	vm10 =	veq.s32 v45, v41;
	vm12 =	veq.s32 v45, v42;
	vm15 =	veq.s32 v46, v40  }
0x42: {  	vm6 =	veq.s32 v46, v41;
	v54 =	vadd.f32 v50, v30;
	v52 =	vsel vm1, $0x0, v33  }
0x43: {  	vm0 =	vmor vm8, vm7;
	vm11 =	vmor vm9, vm10;
	vm7 =	veq.s32 v45, v44  }
0x44: {  	vm1 =	vmor vm15, vm6;
	vm8 =	veq.s32 v46, v42;
	vm9 =	veq.s32 v46, v43  }
0x45: {  	v48 =	vld.idx.msk [tilespmem:v48+s6+$0x0], $0xffff;
	vm10 =	veq.s32 v47, v40;
	vm15 =	veq.s32 v46, v45;
	vm6 =	veq.s32 v49, v40  }
0x46: {  	v53 =	vsel vm0, $0x0, v34;
	vm13 =	vmor vm12, vm11;
	vm1 =	vmor vm8, vm1  }
0x47: {  	vm11 =	veq.s32 v47, v41;
	vm12 =	veq.s32 v46, v44;
	vm8 =	veq.s32 v47, v45  }
0x48: {  	v54 =	vadd.f32 v51, v54;
	vm0 =	vmor vm14, vm13;
	vm1 =	vmor vm9, vm1  }
0x49: {  	vm2 =	vmor vm10, vm11;
	vm13 =	veq.s32 v47, v42;
	vm14 =	veq.s32 v47, v43  }
0x4a: {  	vm9 =	veq.s32 v48, v40;
	vm10 =	veq.s32 v48, v41;
	vm11 =	veq.s32 v48, v42  }
0x4b: {  	vm0 =	vmor vm7, vm0;
	vm1 =	vmor vm12, vm1;
	vm2 =	vmor vm13, vm2  }
0x4c: {  	vm7 =	veq.s32 v47, v44;
	vm3 =	vmor vm9, vm10;
	vm12 =	veq.s32 v48, v43  }
0x4d: {  	vm13 =	veq.s32 v48, v44;
	v54 =	vadd.f32 v52, v54;
	vm9 =	veq.s32 v49, v43  }
0x4e: {  	vm10 =	veq.s32 v48, v47;
	vm2 =	vmor vm14, vm2;
	vm1 =	vmor vm15, vm1  }
0x4f: {  	vm3 =	vmor vm11, vm3;
	vm14 =	veq.s32 v48, v45;
	vm15 =	veq.s32 v48, v46  }
0x50: {  	v55 =	vsel vm0, $0x0, v35;
	vm11 =	veq.s32 v49, v44;
	vm2 =	vmor vm7, vm2  }
0x51: {  	vm3 =	vmor vm12, vm3;
	v56 =	vsel vm1, $0x0, v36;
	vm7 =	veq.s32 v49, v41  }
0x52: {  	v21 =	vadd.f32 v53, v54;
	vm12 =	veq.s32 v49, v45;
	vm2 =	vmor vm8, vm2  }
0x53: {  	vm3 =	vmor vm13, vm3;
	vm0 =	vmor vm6, vm7;
	vm8 =	veq.s32 v49, v42  }
0x54: {  	vm13 =	veq.s32 v49, v46;
	vm0 =	vmor vm8, vm0;
	v40 =	vadd.f32 v55, v21  }
0x55: {  	vm2 =	vmor vm5, vm2;
	vm3 =	vmor vm14, vm3;
	vm0 =	vmor vm9, vm0  }
0x56: {  	vm14 =	veq.s32 v49, v47;
	vm0 =	vmor vm11, vm0;
	v40 =	vadd.f32 v56, v40  }
0x57: {  	vm3 =	vmor vm15, vm3;
	v22 =	vsel vm2, $0x0, v37;
	vm0 =	vmor vm12, vm0  }
0x58: {  	vm2 =	vmor vm10, vm3;
	vm0 =	vmor vm13, vm0;
	v40 =	vadd.f32 v22, v40  }
0x59: {  	vm15 =	veq.s32 v49, v48;
	v23 =	vsel vm2, $0x0, v38;
	vm0 =	vmor vm14, vm0  }
0x5a: {  	vm0 =	vmor vm15, vm0;
	v40 =	vadd.f32 v23, v40  }
0x5b: {  	v54 =	vsel vm0, $0x0, v39  }
0x5c: {  	v40 =	vadd.f32 v54, v40;
	_ =	sdelay $0x1  }
0x5d: {  	(erf) = vrcp.f32 v40;
	_ =	sdelay $0x4  }
0x5e: {  	v5 =	vld [tilespmem:$0x1FF20];
	_ =	sdelay $0x3  }
0x5f: {  	v40 =	vpop (erf)  }
0x60: {  	v57 =	vmul.f32 v40, v30  }
0x61: {  	v58 =	vmul.f32 v40, v50  }
0x62: {  	[tilespmem:v24+s21+$0x0] =	vst.idx.msk $0xffff, v57  }
0x63: {  	[tilespmem:v5+s21+$0x0] =	vst.idx.msk $0xffff, v58;
	v5 =	vld [tilespmem:$0x1FF30];
	_ =	sdelay $0x5  }
0x64: {  	v59 =	vmul.f32 v40, v51;
	_ =	sdelay $0x1  }
0x65: {  	[tilespmem:v5+s21+$0x0] =	vst.idx.msk $0xffff, v59;
	v5 =	vld [tilespmem:$0x1FF40];
	_ =	sdelay $0x5  }
0x66: {  	v60 =	vmul.f32 v40, v52;
	_ =	sdelay $0x1  }
0x67: {  	[tilespmem:v5+s21+$0x0] =	vst.idx.msk $0xffff, v60;
	v5 =	vld [tilespmem:$0x1FF50];
	_ =	sdelay $0x5  }
0x68: {  	v61 =	vmul.f32 v40, v53;
	_ =	sdelay $0x1  }
0x69: {  	[tilespmem:v5+s21+$0x0] =	vst.idx.msk $0xffff, v61;
	v5 =	vld [tilespmem:$0x1FF60];
	_ =	sdelay $0x5  }
0x6a: {  	v62 =	vmul.f32 v40, v55;
	_ =	sdelay $0x1  }
0x6b: {  	[tilespmem:v5+s21+$0x0] =	vst.idx.msk $0xffff, v62;
	v5 =	vld [tilespmem:$0x1FF70];
	_ =	sdelay $0x5  }
0x6c: {  	v63 =	vmul.f32 v40, v56;
	_ =	sdelay $0x1  }
0x6d: {  	[tilespmem:v5+s21+$0x0] =	vst.idx.msk $0xffff, v63;
	v5 =	vld [tilespmem:$0x1FF80];
	_ =	sdelay $0x5  }
0x6e: {  	v41 =	vmul.f32 v40, v22;
	_ =	sdelay $0x1  }
0x6f: {  	[tilespmem:v5+s21+$0x0] =	vst.idx.msk $0xffff, v41;
	v5 =	vld [tilespmem:$0x1FF90];
	_ =	sdelay $0x5  }
0x70: {  	v42 =	vmul.f32 v40, v23;
	_ =	sdelay $0x1  }
0x71: {  	[tilespmem:v5+s21+$0x0] =	vst.idx.msk $0xffff, v42;
	v5 =	vld [tilespmem:$0x1FFA0];
	_ =	sdelay $0x5  }
0x72: {  	v40 =	vmul.f32 v40, v54;
	_ =	sdelay $0x1  }
0x73: {  	[tilespmem:v5+s21+$0x0] =	vst.idx.msk $0xffff, v40  }
0x74: {  	_ =	swait.ge [sflag:s22], $0x2800  }
0x75: {  	[sflag:s22] =	ssyncset.done $0x0  }
0x76: {  	[sflag:s22] =	ssyncadd.s32 $0xFFFFD800  }
0x77: {  	_ =	swait.ge [sflag:s22], $0x2800  }
0x78: {  	p0 =	seq.s32 s30, $0x0;
	[sflag:s22] =	ssyncset.done $0x0  }
0x79: {  	s7 =	simm.s32 @!p0 $0x3;
	[sflag:s22] =	ssyncadd.s32 $0xFFFFD800  }
0x7a: {  	_ =	swait.ge @!p0 [sflag:s7], $0x800  }
0x7b: {  	s18 =	simm.s32 $0xDE40;
	[sflag:s7] =	ssyncset.done @!p0 $0x0  }
0x7c: {  	s17 =	simm.s32 $0x0;
	[sflag:s7] =	ssyncadd.s32 @!p0 $0xFFFFF800;
	s7 =	simm.s32 $0x4080  }
.LBB2_3:
0x7d: {  	v41 =	vld [tilespmem:s7+$0xFFFFFD80]  }
0x7e: {  	v42 =	vld [tilespmem:s7+$0xFFFFFD90]  }
0x7f: {  	v43 =	vld [tilespmem:s7+$0xFFFFFDA0]  }
0x80: {  	v44 =	vld [tilespmem:s7+$0xFFFFFDB0]  }
0x81: {  	v45 =	vld [tilespmem:s7+$0xFFFFFDC0]  }
0x82: {  	v46 =	vld [tilespmem:s7+$0xFFFFFDD0]  }
0x83: {  	v47 =	vld [tilespmem:s7+$0xFFFFFDE0]  }
0x84: {  	v48 =	vld [tilespmem:s7+$0xFFFFFDF0]  }
0x85: {  	v49 =	vld [tilespmem:s7+$0xFFFFFE00]  }
0x86: {  	v50 =	vld [tilespmem:s7+$0xFFFFFE10]  }
0x87: {  	v51 =	vld [tilespmem:s7+$0xFFFFFE20]  }
0x88: {  	v52 =	vld [tilespmem:s7+$0xFFFFFE30]  }
0x89: {  	v53 =	vld [tilespmem:s7+$0xFFFFFE40]  }
0x8a: {  	v54 =	vld [tilespmem:s7+$0xFFFFFE50]  }
0x8b: {  	v55 =	vld [tilespmem:s7+$0xFFFFFE60]  }
0x8c: {  	v56 =	vld [tilespmem:s7+$0xFFFFFE70]  }
0x8d: {  	v57 =	vld [tilespmem:s7+$0xFFFFFE80]  }
0x8e: {  	v58 =	vld [tilespmem:s7+$0xFFFFFE90]  }
0x8f: {  	v59 =	vld [tilespmem:s7+$0xFFFFFEA0]  }
0x90: {  	v60 =	vld [tilespmem:s7+$0xFFFFFEB0]  }
0x91: {  	v61 =	vld [tilespmem:s7+$0xFFFFFEC0]  }
0x92: {  	v62 =	vld [tilespmem:s7+$0xFFFFFED0]  }
0x93: {  	v63 =	vld [tilespmem:s7+$0xFFFFFEE0]  }
0x94: {  	s9 =	sshra.s32 s17, $0x2;
	v11 =	vld [tilespmem:s7+$0xFFFFFEF0]  }
0x95: {  	v40 =	vld [tilespmem:s9+$0xEE00]  }
0x96: {  	v12 =	vld [tilespmem:s7+$0xFFFFFF00]  }
0x97: {  	v13 =	vld [tilespmem:s7+$0xFFFFFF10]  }
0x98: {  	v5 =	vld [tilespmem:s7+$0xFFFFFF20]  }
0x99: {  	v14 =	vld [tilespmem:s7+$0xFFFFFF30]  }
0x9a: {  	v16 =	vld [tilespmem:s7+$0xFFFFFF40];
	v15 =	vbroadcast v40, $0x0  }
0x9b: {  	v17 =	vld [tilespmem:s7+$0xFFFFFF50]  }
0x9c: {  	v18 =	vld [tilespmem:s7+$0xFFFFFF60];
	v20 =	vbroadcast v40, $0x1;
	v41 =	vmul.f32 v41, v15  }
0x9d: {  	v19 =	vld [tilespmem:s7+$0xFFFFFF70];
	v42 =	vmul.f32 v42, v15;
	v43 =	vmul.f32 v43, v15  }
0x9e: {  	v21 =	vld [tilespmem:s7+$0xFFFFFF80];
	v44 =	vmul.f32 v44, v15;
	v45 =	vmul.f32 v45, v15  }
0x9f: {  	v22 =	vld [tilespmem:s7+$0xFFFFFF90];
	v46 =	vmul.f32 v46, v15;
	v47 =	vmul.f32 v47, v15  }
0xa0: {  	v23 =	vld [tilespmem:s7+$0xFFFFFFA0];
	v49 =	vmul.f32 v49, v20;
	v50 =	vmul.f32 v50, v20  }
0xa1: {  	v15 =	vmul.f32 v48, v15;
	v48 =	vmul.f32 v51, v20;
	v51 =	vld [tilespmem:s7+$0xFFFFFFB0]  }
0xa2: {  	v41 =	vadd.f32 v49, v41;
	v42 =	vadd.f32 v50, v42;
	v49 =	vmul.f32 v52, v20;
	v50 =	vld [tilespmem:s7+$0xFFFFFFC0]  }
0xa3: {  	v43 =	vadd.f32 v48, v43;
	v48 =	vmul.f32 v53, v20;
	v52 =	vbroadcast v40, $0x2;
	v53 =	vld [tilespmem:s7+$0xFFFFFFD0]  }
0xa4: {  	v44 =	vadd.f32 v49, v44;
	v49 =	vmul.f32 v54, v20;
	v54 =	vmul.f32 v55, v20;
	v55 =	vld [tilespmem:s7+$0xFFFFFFE0]  }
0xa5: {  	v45 =	vadd.f32 v48, v45;
	v20 =	vmul.f32 v56, v20;
	v48 =	vmul.f32 v57, v52;
	v56 =	vld [tilespmem:s7+$0xFFFFFFF0]  }
0xa6: {  	v58 =	vmul.f32 v58, v52;
	v57 =	vmul.f32 v61, v52;
	v47 =	vadd.f32 v54, v47;
	v54 =	vld [tilespmem:s7+$0x0]  }
0xa7: {  	v63 =	vmul.f32 v63, v52;
	v15 =	vadd.f32 v20, v15;
	v20 =	vadd.f32 v48, v41;
	v48 =	vld [tilespmem:s7+$0x10]  }
0xa8: {  	v11 =	vmul.f32 v11, v52;
	v41 =	vmul.f32 v59, v52;
	v42 =	vadd.f32 v58, v42;
	v58 =	vld [tilespmem:s7+$0x20]  }
0xa9: {  	v46 =	vadd.f32 v49, v46;
	v49 =	vmul.f32 v60, v52;
	v59 =	vbroadcast v40, $0x3;
	v60 =	vld [tilespmem:s7+$0x30]  }
0xaa: {  	v45 =	vadd.f32 v57, v45;
	v57 =	vld [tilespmem:s7+$0x40];
	v41 =	vadd.f32 v41, v43;
	v43 =	vmul.f32 v62, v52  }
0xab: {  	v44 =	vadd.f32 v49, v44;
	v12 =	vmul.f32 v12, v59;
	v13 =	vmul.f32 v13, v59;
	v49 =	vld [tilespmem:s7+$0x60]  }
0xac: {  	v5 =	vmul.f32 v5, v59;
	v11 =	vadd.f32 v11, v15;
	v14 =	vmul.f32 v14, v59;
	v15 =	vld [tilespmem:s7+$0x70]  }
0xad: {  	v47 =	vadd.f32 v63, v47;
	v16 =	vmul.f32 v16, v59;
	v17 =	vmul.f32 v17, v59;
	v52 =	vld [tilespmem:s7+$0x100]  }
0xae: {  	v18 =	vmul.f32 v18, v59;
	v43 =	vadd.f32 v43, v46;
	v46 =	vld [tilespmem:s7+$0x50];
	v12 =	vadd.f32 v12, v20  }
0xaf: {  	v13 =	vadd.f32 v13, v42;
	v5 =	vadd.f32 v5, v41;
	v20 =	vld [tilespmem:s7+$0x80];
	v41 =	vbroadcast v40, $0x4  }
0xb0: {  	v19 =	vmul.f32 v19, v59;
	v14 =	vadd.f32 v14, v44;
	v42 =	vld [tilespmem:s7+$0x90];
	v16 =	vadd.f32 v16, v45  }
0xb1: {  	v44 =	vld [tilespmem:s7+$0xA0];
	v18 =	vadd.f32 v18, v47;
	v45 =	vbroadcast v40, $0x5;
	v21 =	vmul.f32 v21, v41  }
0xb2: {  	v11 =	vadd.f32 v19, v11;
	v47 =	vld [tilespmem:s7+$0xE0];
	v22 =	vmul.f32 v22, v41;
	v61 =	vmul.f32 v23, v41  }
0xb3: {  	v19 =	vld [tilespmem:s7+$0x180];
	v17 =	vadd.f32 v17, v43;
	v62 =	vmul.f32 v51, v41;
	v63 =	vmul.f32 v50, v41  }
0xb4: {  	v43 =	vld [tilespmem:s7+$0xB0];
	v59 =	vmul.f32 v53, v41;
	v58 =	vmul.f32 v58, v45;
	v12 =	vadd.f32 v21, v12  }
0xb5: {  	v23 =	vld [tilespmem:s7+$0xC0];
	v15 =	vmul.f32 v15, v45;
	v13 =	vadd.f32 v22, v13;
	v5 =	vadd.f32 v61, v5  }
0xb6: {  	v51 =	vld [tilespmem:s7+$0xF0];
	v14 =	vadd.f32 v62, v14;
	v61 =	vmul.f32 v55, v41;
	v16 =	vadd.f32 v63, v16  }
0xb7: {  	v53 =	vld [tilespmem:s7+$0x130];
	v62 =	vmul.f32 v56, v41;
	v63 =	vmul.f32 v54, v45;
	v17 =	vadd.f32 v59, v17  }
0xb8: {  	v22 =	vld [tilespmem:s7+$0xD0];
	v56 =	vmul.f32 v48, v45;
	v59 =	vmul.f32 v60, v45;
	v18 =	vadd.f32 v61, v18  }
0xb9: {  	v48 =	vld [tilespmem:s7+$0x110];
	v60 =	vmul.f32 v57, v45;
	v11 =	vadd.f32 v62, v11;
	v12 =	vadd.f32 v63, v12  }
0xba: {  	v41 =	vld [tilespmem:s7+$0x120];
	v13 =	vadd.f32 v56, v13;
	v5 =	vadd.f32 v58, v5;
	v62 =	vbroadcast v40, $0x6  }
0xbb: {  	v54 =	vld [tilespmem:s7+$0x140];
	v61 =	vmul.f32 v46, v45;
	v14 =	vadd.f32 v59, v14;
	v63 =	vmul.f32 v49, v45  }
0xbc: {  	v16 =	vadd.f32 v60, v16;
	v49 =	vld [tilespmem:s7+$0x150];
	v60 =	vbroadcast v40, $0x7;
	v50 =	vmul.f32 v20, v62  }
0xbd: {  	v45 =	vld [tilespmem:s7+$0x1B0];
	v17 =	vadd.f32 v61, v17;
	v55 =	vmul.f32 v42, v62;
	v56 =	vmul.f32 v44, v62  }
0xbe: {  	v20 =	vld [tilespmem:s7+$0x160];
	v18 =	vadd.f32 v63, v18;
	v57 =	vmul.f32 v43, v62;
	v58 =	vmul.f32 v23, v62  }
0xbf: {  	v44 =	vld [tilespmem:s7+$0x170];
	v11 =	vadd.f32 v15, v11;
	v61 =	vmul.f32 v47, v62;
	v63 =	vmul.f32 v52, v60  }
0xc0: {  	v23 =	vld [tilespmem:s7+$0x190];
	v52 =	vmul.f32 v53, v60;
	v59 =	vmul.f32 v22, v62;
	v12 =	vadd.f32 v50, v12  }
0xc1: {  	v42 =	vld [tilespmem:s7+$0x1A0];
	v62 =	vmul.f32 v51, v62;
	v13 =	vadd.f32 v55, v13;
	v5 =	vadd.f32 v56, v5  }
0xc2: {  	v47 =	vld [tilespmem:s7+$0x1C0];
	v51 =	vmul.f32 v41, v60;
	v14 =	vadd.f32 v57, v14;
	v16 =	vadd.f32 v58, v16  }
0xc3: {  	v43 =	vld [tilespmem:s7+$0x1E0];
	v50 =	vmul.f32 v48, v60;
	v18 =	vadd.f32 v61, v18;
	v15 =	vadd.f32 v59, v17  }
0xc4: {  	v41 =	vld [tilespmem:s7+$0x1D0];
	v53 =	vmul.f32 v54, v60;
	v11 =	vadd.f32 v62, v11;
	v12 =	vadd.f32 v63, v12  }
0xc5: {  	v56 =	vld [tilespmem:s7+$0x200];
	v54 =	vmul.f32 v49, v60;
	v13 =	vadd.f32 v50, v13;
	v5 =	vadd.f32 v51, v5  }
0xc6: {  	v48 =	vld [tilespmem:s7+$0x1F0];
	v14 =	vadd.f32 v52, v14;
	v55 =	vmul.f32 v20, v60;
	v20 =	vbroadcast v40, $0x8  }
0xc7: {  	v58 =	vld [tilespmem:s7+$0x210];
	v16 =	vadd.f32 v53, v16;
	v57 =	vmul.f32 v44, v60;
	v40 =	vbroadcast v40, $0x9  }
0xc8: {  	v61 =	vld [tilespmem:s7+$0x220];
	v15 =	vadd.f32 v54, v15;
	v59 =	vmul.f32 v19, v20;
	v60 =	vmul.f32 v23, v20  }
0xc9: {  	v63 =	vld [tilespmem:s7+$0x230];
	v17 =	vadd.f32 v55, v18;
	v62 =	vmul.f32 v42, v20;
	v50 =	vmul.f32 v45, v20  }
0xca: {  	v51 =	vld [tilespmem:s7+$0x240];
	v11 =	vadd.f32 v57, v11;
	v52 =	vmul.f32 v47, v20;
	v53 =	vmul.f32 v56, v40  }
0xcb: {  	v54 =	vld [tilespmem:s7+$0x250];
	v55 =	vmul.f32 v41, v20;
	v12 =	vadd.f32 v59, v12;
	v13 =	vadd.f32 v60, v13  }
0xcc: {  	v22 =	vmul.f32 v58, v40;
	v56 =	vld [tilespmem:s7+$0x260];
	v5 =	vadd.f32 v62, v5;
	v14 =	vadd.f32 v50, v14  }
0xcd: {  	v57 =	vmul.f32 v61, v40;
	v58 =	vld [tilespmem:s7+$0x270];
	v16 =	vadd.f32 v52, v16;
	v12 =	vadd.f32 v53, v12  }
0xce: {  	v15 =	vadd.f32 v55, v15;
	v59 =	vmul.f32 v63, v40;
	v13 =	vadd.f32 v22, v13  }
0xcf: {  	v60 =	vmul.f32 v43, v20;
	v19 =	vmul.f32 v51, v40;
	v5 =	vadd.f32 v57, v5;
	[tilespmem:s18+$0xFFFFFFC0] =	vst v12  }
0xd0: {  	v20 =	vmul.f32 v48, v20;
	v61 =	vmul.f32 v54, v40;
	v14 =	vadd.f32 v59, v14;
	[tilespmem:s18+$0xFFFFFFD0] =	vst v13  }
0xd1: {  	p1 =	sne.s32 s17, $0x3C0;
	v16 =	vadd.f32 v19, v16;
	v62 =	vmul.f32 v56, v40;
	v12 =	vadd.f32 v60, v17;
	[tilespmem:s18+$0xFFFFFFE0] =	vst v5  }
.Ltmp0:
0xd2: {  	v63 =	vmul.f32 v58, v40;
	v5 =	vadd.f32 v20, v11;
	v11 =	vadd.f32 v61, v15;
	[tilespmem:s18+$0xFFFFFFF0] =	vst v14;
	(pc) =	sbr.rel @p1 .LBB2_3-.Ltmp0, $4  }
0xd3: {  	[tilespmem:s18+$0x0] =	vst v16;
	v12 =	vadd.f32 v62, v12  }
0xd4: {  	v5 =	vadd.f32 v63, v5;
	[tilespmem:s18+$0x10] =	vst v11  }
0xd5: {  	[tilespmem:s18+$0x20] =	vst v12  }
0xd6: {  	s17 =	sadd.s32 $0x40, s17;
	s7 =	sadd.s32 $0x500, s7;
	[tilespmem:s18+$0x30] =	vst v5;
	s18 =	sadd.s32 $0x80, s18  }
0xd7: {  	p1 =	seq.s32 s30, $0x30  }
0xd8: {  	s0 =	sadd.s32 @!p1 s0, s12  }
0xd9: {  	p2 =	slt.s32 @!p1 s0, s31  }
0xda: {  	p2 =	por !p2, p1  }
0xdb: {  	s5 =	sshll.u32 s5, $0x8;
	s0 =	smov.u32 @p2 s31  }
0xdc: {  	s5 =	sand.u32 $0x1FFFFF00, s5;
	s0 =	ssub.s32 @!p1 s0, s4  }
0xdd: {  	s5 =	sadd.s32 s3, s5;
	s0 =	smul.u32 @!p1 $0x280, s0  }
0xde: {  	v5 =	vadd.s32 s2, v0;
	[hbm4b:s5+s6] =	stream.linear.scatter [tilespmem:s23], [sflag:$0x3], $0x800, $0x38;
	[tilespmem:$0xF000] =	vst v63  }
0xdf: {  	v11 =	vadd.s32 s2, v1;
	s7 =	simm.s32 @!p1 $0x3E00;
	s5 =	simm.s32 @!p1 $0x50;
	s0 =	sshra.s32 @!p1 s0, $0x2  }
0xe0: {  	v12 =	vadd.s32 s2, v2;
	[tilespmem:s7], [sflag:$0x1] =	stream.indirect.gather @!p1 [hbm4b:s1+s5], $0x80, s0, s5, $0xb8;
	[tilespmem:$0xF000] =	vst v63  }
0xe1: {  	v13 =	vadd.s32 s2, v3;
	s0 =	sadd.s32 @!p1 $0x50, s0;
	s7 =	simm.s32 @!p1 $0x6600  }
0xe2: {  	v14 =	vadd.s32 s2, v4;
	[tilespmem:s7], [sflag:$0x1] =	stream.indirect.gather @!p1 [hbm4b:s1+s5], $0x80, s0, s5, $0xb8;
	[tilespmem:$0xF000] =	vst v63  }
0xe3: {  	v15 =	vadd.s32 s2, v6;
	v5 =	vld.idx.msk [tilespmem:v5+s6+$0x0], $0xffff  }
0xe4: {  	v16 =	vadd.s32 s2, v7;
	v11 =	vld.idx.msk [tilespmem:v11+s6+$0x0], $0xffff  }
0xe5: {  	v17 =	vadd.s32 s2, v8;
	v12 =	vld.idx.msk [tilespmem:v12+s6+$0x0], $0xffff  }
0xe6: {  	v13 =	vld.idx.msk [tilespmem:v13+s6+$0x0], $0xffff  }
0xe7: {  	v14 =	vld.idx.msk [tilespmem:v14+s6+$0x0], $0xffff  }
0xe8: {  	v15 =	vld.idx.msk [tilespmem:v15+s6+$0x0], $0xffff  }
0xe9: {  	v16 =	vld.idx.msk [tilespmem:v16+s6+$0x0], $0xffff  }
0xea: {  	v18 =	vadd.s32 s2, v9;
	v17 =	vld.idx.msk [tilespmem:v17+s6+$0x0], $0xffff  }
0xeb: {  	v19 =	vadd.s32 s2, v10;
	vm0 =	veq.s32 v11, v5;
	vm1 =	veq.s32 v12, v5  }
0xec: {  	vm2 =	veq.s32 v12, v11;
	vm3 =	veq.s32 v13, v5;
	vm4 =	veq.s32 v13, v11  }
0xed: {  	vm12 =	veq.s32 v13, v12;
	vm13 =	veq.s32 v14, v5;
	vm14 =	veq.s32 v14, v11  }
0xee: {  	vm6 =	veq.s32 v14, v12;
	vm8 =	veq.s32 v14, v13;
	vm9 =	veq.s32 v15, v5  }
0xef: {  	vm5 =	veq.s32 v17, v16;
	v20 =	vsel vm0, $0x0, v31;
	vm10 =	vmor vm1, vm2  }
0xf0: {  	vm11 =	vmor vm3, vm4;
	vm15 =	vmor vm13, vm14;
	vm14 =	veq.s32 v15, v13  }
0xf1: {  	v19 =	vld.idx.msk [tilespmem:v19+s6+$0x0], $0xffff;
	vm1 =	vmor vm12, vm11;
	v21 =	vsel vm10, $0x0, v32;
	vm7 =	vmor vm6, vm15  }
0xf2: {  	vm10 =	veq.s32 v15, v11;
	vm12 =	veq.s32 v15, v12;
	vm15 =	veq.s32 v16, v5  }
0xf3: {  	vm6 =	veq.s32 v16, v11;
	v40 =	vadd.f32 v20, v30;
	v22 =	vsel vm1, $0x0, v33  }
0xf4: {  	vm0 =	vmor vm8, vm7;
	vm11 =	vmor vm9, vm10;
	vm7 =	veq.s32 v15, v14  }
0xf5: {  	vm1 =	vmor vm15, vm6;
	vm8 =	veq.s32 v16, v12;
	vm9 =	veq.s32 v16, v13  }
0xf6: {  	v18 =	vld.idx.msk [tilespmem:v18+s6+$0x0], $0xffff;
	vm10 =	veq.s32 v17, v5;
	vm15 =	veq.s32 v16, v15;
	vm6 =	veq.s32 v19, v5  }
0xf7: {  	v23 =	vsel vm0, $0x0, v34;
	vm13 =	vmor vm12, vm11;
	vm1 =	vmor vm8, vm1  }
0xf8: {  	vm11 =	veq.s32 v17, v11;
	vm12 =	veq.s32 v16, v14;
	vm8 =	veq.s32 v17, v15  }
0xf9: {  	v40 =	vadd.f32 v21, v40;
	vm0 =	vmor vm14, vm13;
	vm1 =	vmor vm9, vm1  }
0xfa: {  	vm2 =	vmor vm10, vm11;
	vm13 =	veq.s32 v17, v12;
	vm14 =	veq.s32 v17, v13  }
0xfb: {  	vm9 =	veq.s32 v18, v5;
	vm10 =	veq.s32 v18, v11;
	vm11 =	veq.s32 v18, v12  }
0xfc: {  	vm0 =	vmor vm7, vm0;
	vm1 =	vmor vm12, vm1;
	vm2 =	vmor vm13, vm2  }
0xfd: {  	vm7 =	veq.s32 v17, v14;
	vm3 =	vmor vm9, vm10;
	vm12 =	veq.s32 v18, v13  }
0xfe: {  	vm13 =	veq.s32 v18, v14;
	v40 =	vadd.f32 v22, v40;
	vm9 =	veq.s32 v19, v13  }
0xff: {  	vm10 =	veq.s32 v18, v17;
	vm2 =	vmor vm14, vm2;
	vm1 =	vmor vm15, vm1  }
0x100: {  	vm3 =	vmor vm11, vm3;
	vm14 =	veq.s32 v18, v15;
	vm15 =	veq.s32 v18, v16  }
0x101: {  	v41 =	vsel vm0, $0x0, v35;
	vm11 =	veq.s32 v19, v14;
	vm2 =	vmor vm7, vm2  }
0x102: {  	vm3 =	vmor vm12, vm3;
	v42 =	vsel vm1, $0x0, v36;
	vm7 =	veq.s32 v19, v11  }
0x103: {  	v5 =	vadd.f32 v23, v40;
	vm12 =	veq.s32 v19, v15;
	vm2 =	vmor vm8, vm2  }
0x104: {  	vm3 =	vmor vm13, vm3;
	vm0 =	vmor vm6, vm7;
	vm8 =	veq.s32 v19, v12  }
0x105: {  	vm13 =	veq.s32 v19, v16;
	vm0 =	vmor vm8, vm0;
	v5 =	vadd.f32 v41, v5  }
0x106: {  	vm2 =	vmor vm5, vm2;
	vm3 =	vmor vm14, vm3;
	vm0 =	vmor vm9, vm0  }
0x107: {  	vm14 =	veq.s32 v19, v17;
	vm0 =	vmor vm11, vm0;
	v5 =	vadd.f32 v42, v5  }
0x108: {  	vm3 =	vmor vm15, vm3;
	v11 =	vsel vm2, $0x0, v37;
	vm0 =	vmor vm12, vm0  }
0x109: {  	vm2 =	vmor vm10, vm3;
	vm0 =	vmor vm13, vm0;
	v5 =	vadd.f32 v11, v5  }
0x10a: {  	vm15 =	veq.s32 v19, v18;
	v50 =	vsel vm2, $0x0, v38;
	vm0 =	vmor vm14, vm0  }
0x10b: {  	vm0 =	vmor vm15, vm0;
	v5 =	vadd.f32 v50, v5  }
0x10c: {  	v51 =	vsel vm0, $0x0, v39  }
0x10d: {  	v5 =	vadd.f32 v51, v5;
	_ =	sdelay $0x1  }
0x10e: {  	(erf) = vrcp.f32 v5;
	_ =	sdelay $0x3  }
0x10f: {  	v54 =	vld [tilespmem:$0x1FFB0]  }
0x110: {  	v56 =	vld [tilespmem:$0x1FFC0]  }
0x111: {  	v58 =	vld [tilespmem:$0x1FFD0]  }
0x112: {  	v60 =	vld [tilespmem:$0x1FFE0]  }
0x113: {  	v62 =	vld [tilespmem:$0x1FFF0]  }
0x114: {  	v5 =	vpop (erf)  }
0x115: {  	v52 =	vmul.f32 v5, v30  }
0x116: {  	v53 =	vmul.f32 v5, v20  }
0x117: {  	v55 =	vmul.f32 v5, v21;
	[tilespmem:v54+s21+$0x0] =	vst.idx.msk $0xffff, v52  }
0x118: {  	v57 =	vmul.f32 v5, v22;
	[tilespmem:v56+s21+$0x0] =	vst.idx.msk $0xffff, v53  }
0x119: {  	v59 =	vmul.f32 v5, v23;
	[tilespmem:v58+s21+$0x0] =	vst.idx.msk $0xffff, v55  }
0x11a: {  	v61 =	vmul.f32 v5, v41;
	[tilespmem:v60+s21+$0x0] =	vst.idx.msk $0xffff, v57  }
0x11b: {  	v63 =	vmul.f32 v5, v42;
	[tilespmem:v62+s21+$0x0] =	vst.idx.msk $0xffff, v59  }
0x11c: {  	v11 =	vmul.f32 v5, v11;
	[tilespmem:v25+s21+$0x0] =	vst.idx.msk $0xffff, v61  }
0x11d: {  	v12 =	vmul.f32 v5, v50;
	[tilespmem:v26+s21+$0x0] =	vst.idx.msk $0xffff, v63  }
0x11e: {  	v5 =	vmul.f32 v5, v51;
	[tilespmem:v27+s21+$0x0] =	vst.idx.msk $0xffff, v11  }
0x11f: {  	[tilespmem:v28+s21+$0x0] =	vst.idx.msk $0xffff, v12  }
0x120: {  	[tilespmem:v29+s21+$0x0] =	vst.idx.msk $0xffff, v5  }
0x121: {  	_ =	swait.ge [sflag:s24], $0x2800  }
0x122: {  	[sflag:s24] =	ssyncset.done $0x0  }
0x123: {  	[sflag:s24] =	ssyncadd.s32 $0xFFFFD800  }
0x124: {  	_ =	swait.ge [sflag:s24], $0x2800  }
0x125: {  	[sflag:s24] =	ssyncset.done $0x0  }
0x126: {  	s0 =	simm.s32 @!p0 $0x4;
	[sflag:s24] =	ssyncadd.s32 $0xFFFFD800  }
0x127: {  	_ =	swait.ge @!p0 [sflag:s0], $0x800  }
0x128: {  	s2 =	simm.s32 $0xE670;
	[sflag:s0] =	ssyncset.done @!p0 $0x0  }
0x129: {  	s5 =	simm.s32 $0x0;
	[sflag:s0] =	ssyncadd.s32 @!p0 $0xFFFFF800;
	s0 =	simm.s32 $0x0  }
.LBB2_5:
0x12a: {  	s7 =	sand.u32 $0xF0, s0  }
0x12b: {  	s18 =	sshra.s32 s5, $0x2;
	v40 =	vld [tilespmem:s7+$0xEF00]  }
0x12c: {  	v5 =	vld [tilespmem:s18+$0x8E00]  }
0x12d: {  	v11 =	vld [tilespmem:s18+$0x8E10]  }
0x12e: {  	v12 =	vld [tilespmem:s18+$0x8E20]  }
0x12f: {  	v13 =	vld [tilespmem:s18+$0x8E30]  }
0x130: {  	v14 =	vld [tilespmem:s18+$0x8E40]  }
0x131: {  	v15 =	vld [tilespmem:s18+$0x8E50]  }
0x132: {  	v16 =	vld [tilespmem:s18+$0x8E60]  }
0x133: {  	v17 =	vld [tilespmem:s18+$0x8E70]  }
0x134: {  	v18 =	vld [tilespmem:s18+$0x8E80]  }
0x135: {  	v19 =	vld [tilespmem:s18+$0x8E90]  }
0x136: {  	v20 =	vld [tilespmem:s18+$0x8EA0]  }
0x137: {  	v21 =	vld [tilespmem:s18+$0x8EB0]  }
0x138: {  	v22 =	vld [tilespmem:s18+$0x8EC0]  }
0x139: {  	v23 =	vld [tilespmem:s18+$0x8ED0]  }
0x13a: {  	v41 =	vld [tilespmem:s18+$0x8EE0]  }
0x13b: {  	v42 =	vld [tilespmem:s18+$0x8EF0]  }
0x13c: {  	v43 =	vld [tilespmem:s18+$0x8F00]  }
0x13d: {  	v44 =	vld [tilespmem:s18+$0x8F10]  }
0x13e: {  	v45 =	vld [tilespmem:s18+$0x8F20]  }
0x13f: {  	v46 =	vld [tilespmem:s18+$0x8F30]  }
0x140: {  	v47 =	vld [tilespmem:s18+$0x8F40]  }
0x141: {  	v48 =	vld [tilespmem:s18+$0x8F50]  }
0x142: {  	v49 =	vld [tilespmem:s18+$0x8F60]  }
0x143: {  	v50 =	vld [tilespmem:s18+$0x8F70]  }
0x144: {  	v51 =	vld [tilespmem:s18+$0x8F80]  }
0x145: {  	v52 =	vld [tilespmem:s18+$0x8F90]  }
0x146: {  	v53 =	vld [tilespmem:s18+$0x8FA0]  }
0x147: {  	v54 =	vld [tilespmem:s18+$0x8FB0]  }
0x148: {  	v56 =	vld [tilespmem:s18+$0x8FC0];
	v55 =	vbroadcast v40, $0x0  }
0x149: {  	v57 =	vld [tilespmem:s18+$0x8FD0];
	v60 =	vbroadcast v40, $0x1  }
0x14a: {  	v58 =	vld [tilespmem:s18+$0x8FE0];
	v5 =	vmul.f32 v5, v55;
	v11 =	vmul.f32 v11, v55  }
0x14b: {  	v59 =	vld [tilespmem:s18+$0x8FF0];
	v12 =	vmul.f32 v12, v55;
	v13 =	vmul.f32 v13, v55  }
0x14c: {  	v61 =	vld [tilespmem:s18+$0x9000];
	v14 =	vmul.f32 v14, v55;
	v15 =	vmul.f32 v15, v55  }
0x14d: {  	v62 =	vld [tilespmem:s18+$0x9010];
	v16 =	vmul.f32 v16, v55;
	v18 =	vmul.f32 v18, v60  }
0x14e: {  	v63 =	vld [tilespmem:s18+$0x9020];
	v19 =	vmul.f32 v19, v60;
	v20 =	vmul.f32 v20, v60  }
0x14f: {  	v17 =	vmul.f32 v17, v55;
	v55 =	vld [tilespmem:s18+$0x9030];
	v5 =	vadd.f32 v18, v5;
	v18 =	vmul.f32 v21, v60  }
0x150: {  	v11 =	vadd.f32 v19, v11;
	v19 =	vld [tilespmem:s18+$0x9040];
	v12 =	vadd.f32 v20, v12;
	v20 =	vmul.f32 v22, v60  }
0x151: {  	v21 =	vbroadcast v40, $0x2;
	v22 =	vld [tilespmem:s18+$0x9050];
	v13 =	vadd.f32 v18, v13;
	v18 =	vmul.f32 v23, v60  }
0x152: {  	v23 =	vmul.f32 v41, v60;
	v41 =	vld [tilespmem:s18+$0x9060];
	v14 =	vadd.f32 v20, v14;
	v20 =	vmul.f32 v42, v60  }
0x153: {  	v42 =	vmul.f32 v43, v21;
	v43 =	vld [tilespmem:s18+$0x9070];
	v60 =	vmul.f32 v44, v21  }
0x154: {  	v48 =	vmul.f32 v48, v21;
	v44 =	vld [tilespmem:s18+$0x90C0];
	v15 =	vadd.f32 v18, v15;
	v16 =	vadd.f32 v23, v16  }
0x155: {  	v23 =	vld [tilespmem:s18+$0x9080];
	v17 =	vadd.f32 v20, v17;
	v20 =	vmul.f32 v45, v21;
	v18 =	vmul.f32 v46, v21  }
0x156: {  	v5 =	vadd.f32 v42, v5;
	v42 =	vld [tilespmem:s18+$0x9090];
	v11 =	vadd.f32 v60, v11;
	v60 =	vmul.f32 v47, v21  }
0x157: {  	v45 =	vld [tilespmem:s18+$0x90A0];
	v46 =	vbroadcast v40, $0x3;
	v12 =	vadd.f32 v20, v12;
	v13 =	vadd.f32 v18, v13  }
0x158: {  	v47 =	vld [tilespmem:s18+$0x90B0];
	v14 =	vadd.f32 v60, v14;
	v18 =	vmul.f32 v49, v21;
	v20 =	vmul.f32 v50, v21  }
0x159: {  	v15 =	vadd.f32 v48, v15;
	v60 =	vmul.f32 v51, v46;
	v48 =	vld [tilespmem:s18+$0x90D0];
	v52 =	vmul.f32 v52, v46  }
0x15a: {  	v53 =	vmul.f32 v53, v46;
	v50 =	vld [tilespmem:s18+$0x90E0];
	v54 =	vmul.f32 v54, v46  }
0x15b: {  	v21 =	vld [tilespmem:s18+$0x90F0];
	v56 =	vmul.f32 v56, v46;
	v16 =	vadd.f32 v18, v16;
	v17 =	vadd.f32 v20, v17  }
0x15c: {  	v49 =	vld [tilespmem:s18+$0x9100];
	v57 =	vmul.f32 v57, v46;
	v5 =	vadd.f32 v60, v5;
	v11 =	vadd.f32 v52, v11  }
0x15d: {  	v51 =	vbroadcast v40, $0x4;
	v12 =	vadd.f32 v53, v12;
	v13 =	vadd.f32 v54, v13;
	v52 =	vld [tilespmem:s18+$0x9110]  }
0x15e: {  	v14 =	vadd.f32 v56, v14;
	v60 =	vmul.f32 v58, v46;
	v46 =	vmul.f32 v59, v46;
	v53 =	vld [tilespmem:s18+$0x9120]  }
0x15f: {  	v15 =	vadd.f32 v57, v15;
	v61 =	vmul.f32 v61, v51;
	v62 =	vmul.f32 v62, v51;
	v56 =	vld [tilespmem:s18+$0x9130]  }
0x160: {  	v58 =	vmul.f32 v63, v51;
	v59 =	vmul.f32 v55, v51;
	v54 =	vld [tilespmem:s18+$0x9150];
	v16 =	vadd.f32 v60, v16  }
0x161: {  	v55 =	vld [tilespmem:s18+$0x9160];
	v63 =	vmul.f32 v43, v51;
	v17 =	vadd.f32 v46, v17;
	v5 =	vadd.f32 v61, v5  }
0x162: {  	v43 =	vld [tilespmem:s18+$0x9180];
	v11 =	vadd.f32 v62, v11;
	v60 =	vmul.f32 v19, v51;
	v19 =	vbroadcast v40, $0x5  }
0x163: {  	v46 =	vld [tilespmem:s18+$0x9140];
	v12 =	vadd.f32 v58, v12;
	v13 =	vadd.f32 v59, v13;
	v61 =	vmul.f32 v22, v51  }
0x164: {  	v62 =	vmul.f32 v41, v51;
	v41 =	vld [tilespmem:s18+$0x9170];
	v14 =	vadd.f32 v60, v14;
	v23 =	vmul.f32 v23, v19  }
0x165: {  	v22 =	vld [tilespmem:s18+$0x9190];
	v15 =	vadd.f32 v61, v15;
	v51 =	vmul.f32 v42, v19;
	v57 =	vmul.f32 v45, v19  }
0x166: {  	v16 =	vadd.f32 v62, v16;
	v58 =	vmul.f32 v47, v19;
	v59 =	vmul.f32 v44, v19;
	v44 =	vld [tilespmem:s18+$0x91B0]  }
0x167: {  	v17 =	vadd.f32 v63, v17;
	v60 =	vmul.f32 v48, v19;
	v45 =	vbroadcast v40, $0x6;
	v47 =	vld [tilespmem:s18+$0x91C0]  }
0x168: {  	v61 =	vmul.f32 v50, v19;
	v42 =	vld [tilespmem:s18+$0x91D0];
	v5 =	vadd.f32 v23, v5;
	v11 =	vadd.f32 v51, v11  }
0x169: {  	v62 =	vmul.f32 v21, v19;
	v21 =	vld [tilespmem:s18+$0x91E0];
	v12 =	vadd.f32 v57, v12;
	v13 =	vadd.f32 v58, v13  }
0x16a: {  	v19 =	vld [tilespmem:s18+$0x9200];
	v14 =	vadd.f32 v59, v14;
	v15 =	vadd.f32 v60, v15;
	v63 =	vmul.f32 v49, v45  }
0x16b: {  	v50 =	vld [tilespmem:s18+$0x9220];
	v16 =	vadd.f32 v61, v16;
	v52 =	vmul.f32 v52, v45;
	v57 =	vmul.f32 v53, v45  }
0x16c: {  	v48 =	vld [tilespmem:s18+$0x92B0];
	v17 =	vadd.f32 v62, v17;
	v58 =	vmul.f32 v56, v45;
	v60 =	vmul.f32 v54, v45  }
0x16d: {  	v23 =	vld [tilespmem:s18+$0x91A0];
	v61 =	vbroadcast v40, $0x7;
	v62 =	vmul.f32 v55, v45;
	v5 =	vadd.f32 v63, v5  }
0x16e: {  	v49 =	vld [tilespmem:s18+$0x91F0];
	v59 =	vmul.f32 v46, v45;
	v11 =	vadd.f32 v52, v11;
	v12 =	vadd.f32 v57, v12  }
0x16f: {  	v51 =	vld [tilespmem:s18+$0x9240];
	v41 =	vmul.f32 v41, v45;
	v13 =	vadd.f32 v58, v13;
	v15 =	vadd.f32 v60, v15  }
0x170: {  	v46 =	vld [tilespmem:s18+$0x9210];
	v63 =	vmul.f32 v43, v61;
	v22 =	vmul.f32 v22, v61;
	v16 =	vadd.f32 v62, v16  }
0x171: {  	v45 =	vld [tilespmem:s18+$0x9230];
	v14 =	vadd.f32 v59, v14;
	v53 =	vmul.f32 v44, v61;
	v54 =	vmul.f32 v47, v61  }
0x172: {  	v57 =	vld [tilespmem:s18+$0x9280];
	v17 =	vadd.f32 v41, v17;
	v55 =	vmul.f32 v42, v61;
	v56 =	vmul.f32 v21, v61  }
0x173: {  	v62 =	vld [tilespmem:s18+$0x92A0];
	v21 =	vbroadcast v40, $0x8;
	v40 =	vbroadcast v40, $0x9;
	v5 =	vadd.f32 v63, v5  }
0x174: {  	v42 =	vld [tilespmem:s18+$0x9270];
	v11 =	vadd.f32 v22, v11;
	v52 =	vmul.f32 v23, v61;
	v13 =	vadd.f32 v53, v13  }
0x175: {  	v59 =	vld [tilespmem:s18+$0x9290];
	v14 =	vadd.f32 v54, v14;
	v15 =	vadd.f32 v55, v15;
	v58 =	vmul.f32 v49, v61  }
0x176: {  	v22 =	vld [tilespmem:s18+$0x9260];
	v16 =	vadd.f32 v56, v16;
	v60 =	vmul.f32 v19, v21;
	v63 =	vmul.f32 v50, v21  }
0x177: {  	v23 =	vld [tilespmem:s18+$0x9250];
	v51 =	vmul.f32 v51, v21;
	v61 =	vmul.f32 v46, v21;
	v12 =	vadd.f32 v52, v12  }
0x178: {  	v50 =	vld [tilespmem:s18+$0x92C0];
	v49 =	vmul.f32 v45, v21;
	v17 =	vadd.f32 v58, v17;
	v5 =	vadd.f32 v60, v5  }
0x179: {  	v53 =	vld [tilespmem:s18+$0x92D0];
	v52 =	vmul.f32 v57, v40;
	v14 =	vadd.f32 v51, v14;
	v57 =	vmul.f32 v62, v40  }
0x17a: {  	v58 =	vld [tilespmem:s18+$0x92F0];
	v11 =	vadd.f32 v61, v11;
	v13 =	vadd.f32 v49, v13;
	v55 =	vmul.f32 v59, v40  }
0x17b: {  	v56 =	vld [tilespmem:s18+$0x92E0];
	v59 =	vmul.f32 v48, v40;
	v12 =	vadd.f32 v63, v12;
	v5 =	vadd.f32 v52, v5  }
0x17c: {  	v60 =	vmul.f32 v42, v21;
	v54 =	vmul.f32 v23, v21;
	v11 =	vadd.f32 v55, v11  }
0x17d: {  	v19 =	vmul.f32 v50, v40;
	v13 =	vadd.f32 v59, v13;
	v12 =	vadd.f32 v57, v12;
	[tilespmem:s2+$0xFFFFFF90] =	vst v5  }
0x17e: {  	v5 =	vmul.f32 v22, v21;
	v15 =	vadd.f32 v54, v15;
	[tilespmem:s2+$0xFFFFFFA0] =	vst v11;
	v11 =	vmul.f32 v53, v40  }
0x17f: {  	p0 =	sne.s32 s5, $0x12C00;
	v62 =	vadd.f32 v60, v17;
	v14 =	vadd.f32 v19, v14;
	v63 =	vmul.f32 v58, v40;
	[tilespmem:s2+$0xFFFFFFC0] =	vst v13  }
.Ltmp1:
0x180: {  	v61 =	vmul.f32 v56, v40;
	v5 =	vadd.f32 v5, v16;
	[tilespmem:s2+$0xFFFFFFB0] =	vst v12;
	v11 =	vadd.f32 v11, v15;
	(pc) =	sbr.rel @p0 .LBB2_5-.Ltmp1, $4  }
0x181: {  	[tilespmem:s2+$0xFFFFFFD0] =	vst v14;
	v12 =	vadd.f32 v63, v62  }
0x182: {  	v5 =	vadd.f32 v61, v5;
	[tilespmem:s2+$0xFFFFFFE0] =	vst v11  }
0x183: {  	[tilespmem:s2+$0x0] =	vst v12  }
0x184: {  	s0 =	sadd.s32 $0x10, s0;
	s5 =	sadd.s32 $0x1400, s5;
	[tilespmem:s2+$0xFFFFFFF0] =	vst v5;
	s2 =	sadd.s32 $0x80, s2  }
0x185: {  	s30 =	sadd.s32 $0x1, s30  }
0x186: {  	p0 =	sne.s32 s30, $0x31  }
.Ltmp2:
0x187: {  	_ = 	snop;
	(pc) =	sbr.rel @p0 .LBB2_2-.Ltmp2, $4  }
0x188: {  	s0 =	sshll.u32 s14, $0x8  }
0x189: {  	s0 =	sand.u32 $0x1FFFFF00, s0  }
0x18a: {  	s0 =	sadd.s32 s3, s0  }
0x18b: {  	[hbm4b:s0+s6] =	stream.linear.scatter [tilespmem:s25], [sflag:$0x4], $0x800, $0x38;
	[tilespmem:$0xF000] =	vst v63  }
0x18c: {  	s29 =	sadd.s32 $0x1, s29  }
0x18d: {  	_ =	swait.ge [sflag:s26], $0x800;
	p0 =	sne.s32 s29, s13  }
.Ltmp3:
0x18e: {  	[sflag:s26] =	ssyncset.done $0x0;
	(pc) =	sbr.rel @p0 .LBB2_1-.Ltmp3, $4  }
0x18f: {  	[sflag:s26] =	ssyncadd.s32 $0xFFFFF800  }
0x190: {  	_ =	swait.ge [sflag:s28], $0x800  }
0x191: {  	[sflag:s28] =	ssyncset.done $0x0  }
0x192: {  	[sflag:s28] =	ssyncadd.s32 $0xFFFFF800  }
0x193: {  	_ =	sfence.sel $0x180000  }
0x194: {  	[bflag:$0x0] =	sbarrier.arrive $0xFFFF  }
0x195: {  	_ =	strace $0x90000047  }
0x196: {  	s0 =	stileid.u32;
	[bflag:$0x2] =	sbarrier.arrive $0xFFFF  }
0x197: {  	p0 =	sne.s32 s0, $0x0;
	s0 =	rddreg [dreg:$0x3]  }
0x198: {  	s0 =	sadd.s32 @!p0 $0x100000, s0  }
0x199: {  	[sflag:s0] =	ssyncadd.tile.s32 @!p0 $0x1;
	_ =	shalt  }
.Lfunc_end2:
_tile_overlayer_lowered:
.L_overlay_start_2:
0x19a: {  	(tag) =	ssettag $0x2  }
0x19b: {  	s0 =	rddreg [dreg:$0x0];
	s2 =	stileid.u32  }
0x19c: {  	s1 =	rddreg [dreg:$0x1];
	p0 =	sne.s32 s2, $0x0  }
0x19d: {  	s3 =	rddreg [dreg:$0x2];
	[bflag:$0x3] =	sbarrier.arrive $0xFFFF;
	s2 =	simm.s32 @!p0 $0x1C05  }
0x19e: {  	[timem:s3], [sflag:s2] =	dma.local @!p0 [hbm:s0], s1  }
0x19f: {  	s0 =	simm.s32 @!p0 $0x5  }
0x1a0: {  	_ =	swait.ge @!p0 [sflag:s0], s1  }
0x1a1: {  	s1 =	ssub.s32 @!p0 $0x0, s1;
	[sflag:s0] =	ssyncset.done @!p0 $0x0  }
0x1a2: {  	[sflag:s0] =	ssyncadd.s32 @!p0 s1  }
0x1a3: {  	[bflag:$0x3] =	sbarrier.arrive $0xFFFF  }
0x1a4: {  	_ =	shalt  }

</sc_bundles>
